<compile_context>
chip_gen: v7x
topology: tpu7x:2x2x1
jax: 0.10.2.dev20260603
libtpu: 0.0.44.dev20260713+nightly
codegen_flags: <defaults>
</compile_context>

<pallas_src>
import jax
import jax.numpy as jnp
from jax import lax
from jax.experimental import pallas as pl
from jax.experimental.pallas import tpu as pltpu
from jax.experimental.pallas import tpu_sc as plsc

N = 10000
E = 160000
D = 256
H = 16
W = 128

CHUNK = 128
NCHUNKS = E // CHUNK
NCORES = 2
NSUB = 16
NW = NCORES * NSUB
KFULL = NCHUNKS // NW
KTAIL = NCHUNKS - KFULL * NW
PAIRS = (KFULL - 1) // 2
assert KFULL == 2 * PAIRS + 1
NPAD = 10240
ROWS_PT = NPAD // NSUB

_mesh = plsc.VectorSubcoreMesh(core_axis_name="c", subcore_axis_name="s")


def _zero_acc(s, zero_hbm, acc):
    off = pl.multiple_of(s * ROWS_PT, ROWS_PT)
    pltpu.sync_copy(zero_hbm.at[pl.ds(off, ROWS_PT)],
                    acc.at[pl.ds(off, ROWS_PT)])
    plsc.subcore_barrier()


def _writeback(c, s, acc, out_hbm):
    plsc.subcore_barrier()
    off = pl.multiple_of(s * ROWS_PT, ROWS_PT)
    pltpu.sync_copy(acc.at[pl.ds(off, ROWS_PT)],
                    out_hbm.at[c, pl.ds(off, ROWS_PT)])


def _load_idx(wid, src_hbm, idx_v):
    ebase = pl.multiple_of(wid * (KFULL * CHUNK), CHUNK)
    pltpu.sync_copy(src_hbm.at[pl.ds(ebase, KFULL * CHUNK)],
                    idx_v.at[pl.ds(0, KFULL * CHUNK)])

    @pl.when(wid < KTAIL)
    def _():
        toff = pl.multiple_of(NW * KFULL * CHUNK, CHUNK) + wid * CHUNK
        pltpu.sync_copy(src_hbm.at[pl.ds(toff, CHUNK)],
                        idx_v.at[pl.ds(KFULL * CHUNK, CHUNK)])


def _prop_body(src_hbm, dst_hbm, g_hbm, zero_hbm, out_hbm,
               srcs_v, dsts_v, rows_a, rows_b, acc, sga, sgb, ssa, ssb):
    c = lax.axis_index("c")
    s = lax.axis_index("s")
    wid = c * NSUB + s
    _zero_acc(s, zero_hbm, acc)
    _load_idx(wid, src_hbm, srcs_v)
    _load_idx(wid, dst_hbm, dsts_v)

    def src_at(k):
        return srcs_v.at[pl.ds(k * CHUNK, CHUNK)]

    def dst_at(k):
        return dsts_v.at[pl.ds(k * CHUNK, CHUNK)]

    def ig(k, rows, sg):
        pltpu.async_copy(g_hbm.at[src_at(k)], rows, sg)

    def wg(k, rows, sg):
        pltpu.make_async_copy(g_hbm.at[src_at(k)], rows, sg).wait()

    def isc(k, rows, ss):
        pltpu.async_copy(rows, acc.at[dst_at(k)], ss, add=True)

    def wsc(k, rows, ss):
        pltpu.make_async_copy(rows, acc.at[dst_at(k)], ss).wait()

    ig(0, rows_a, sga)

    def pair(p, carry):
        e = 2 * p
        wg(e, rows_a, sga)
        isc(e, rows_a, ssa)

        @pl.when(p > 0)
        def _():
            wsc(e - 1, rows_b, ssb)

        ig(e + 1, rows_b, sgb)
        wg(e + 1, rows_b, sgb)
        isc(e + 1, rows_b, ssb)
        wsc(e, rows_a, ssa)
        ig(e + 2, rows_a, sga)
        return carry

    lax.fori_loop(0, PAIRS, pair, 0)

    last = KFULL - 1
    wg(last, rows_a, sga)
    isc(last, rows_a, ssa)
    wsc(last - 1, rows_b, ssb)

    @pl.when(wid < KTAIL)
    def _():
        ig(KFULL, rows_b, sgb)
        wg(KFULL, rows_b, sgb)
        isc(KFULL, rows_b, ssb)
        wsc(KFULL, rows_b, ssb)

    wsc(last, rows_a, ssa)
    _writeback(c, s, acc, out_hbm)


def _deg_body(dst_hbm, ones_hbm, zero_hbm, out_hbm,
              dsts_v, rows_v, acc, sem):
    c = lax.axis_index("c")
    s = lax.axis_index("s")
    wid = c * NSUB + s
    _zero_acc(s, zero_hbm, acc)
    _load_idx(wid, dst_hbm, dsts_v)
    pltpu.sync_copy(ones_hbm, rows_v)

    def dst_at(k):
        return dsts_v.at[pl.ds(k * CHUNK, CHUNK)]

    def fire(k, carry):
        pltpu.async_copy(rows_v, acc.at[dst_at(k)], sem, add=True)
        return carry

    def drain(k, carry):
        pltpu.make_async_copy(rows_v, acc.at[dst_at(k)], sem).wait()
        return carry

    lax.fori_loop(0, KFULL, fire, 0)

    @pl.when(wid < KTAIL)
    def _():
        fire(KFULL, 0)
        drain(KFULL, 0)

    lax.fori_loop(0, KFULL, drain, 0)
    _writeback(c, s, acc, out_hbm)


_prop = pl.kernel(
    _prop_body,
    out_type=jax.ShapeDtypeStruct((NCORES, NPAD, W), jnp.float32),
    mesh=_mesh,
    scratch_types=[
        pltpu.VMEM(((KFULL + 1) * CHUNK,), jnp.int32),
        pltpu.VMEM(((KFULL + 1) * CHUNK,), jnp.int32),
        pltpu.VMEM((CHUNK, W), jnp.float32),
        pltpu.VMEM((CHUNK, W), jnp.float32),
        pltpu.VMEM_SHARED((NPAD, W), jnp.float32),
        pltpu.SemaphoreType.DMA,
        pltpu.SemaphoreType.DMA,
        pltpu.SemaphoreType.DMA,
        pltpu.SemaphoreType.DMA,
    ],
    name="gcn_edge_prop",
)

_deg = pl.kernel(
    _deg_body,
    out_type=jax.ShapeDtypeStruct((NCORES, NPAD, W), jnp.float32),
    mesh=_mesh,
    scratch_types=[
        pltpu.VMEM(((KFULL + 1) * CHUNK,), jnp.int32),
        pltpu.VMEM((CHUNK, W), jnp.float32),
        pltpu.VMEM_SHARED((NPAD, W), jnp.float32),
        pltpu.SemaphoreType.DMA,
    ],
    name="gcn_degree",
)


BLK = 2000
_GRID = N // BLK


def _mm1_body(x_ref, w_ref, deg_ref, g_ref, dinv_ref):
    deg = deg_ref[0, :, :H] + deg_ref[1, :, :H] + 1.0
    dinv = lax.rsqrt(deg)
    h = jnp.dot(x_ref[...], w_ref[...], preferred_element_type=jnp.float32)
    dinv_ref[...] = dinv
    g_ref[...] = jnp.concatenate(
        [dinv * h, jnp.zeros((BLK, W - H), jnp.float32)], axis=1)


_mm1 = pl.pallas_call(
    _mm1_body,
    grid=(_GRID,),
    in_specs=[
        pl.BlockSpec((BLK, D), lambda i: (i, 0)),
        pl.BlockSpec((D, H), lambda i: (0, 0)),
        pl.BlockSpec((NCORES, BLK, W), lambda i: (0, i, 0)),
    ],
    out_specs=[
        pl.BlockSpec((BLK, W), lambda i: (i, 0)),
        pl.BlockSpec((BLK, H), lambda i: (i, 0)),
    ],
    out_shape=[
        jax.ShapeDtypeStruct((N, W), jnp.float32),
        jax.ShapeDtypeStruct((N, H), jnp.float32),
    ],
)


def _mid_body(p_ref, g_ref, dinv_ref, b_ref, w_ref, gn_ref, h_ref):
    tot = p_ref[0, :, :H] + p_ref[1, :, :H] + g_ref[:, :H]
    z = dinv_ref[...] * tot + b_ref[...]
    h = jnp.maximum(z, 0.0)
    hp = jnp.dot(h, w_ref[...], preferred_element_type=jnp.float32)
    h_ref[...] = h
    gn_ref[...] = jnp.concatenate(
        [dinv_ref[...] * hp, jnp.zeros((BLK, W - H), jnp.float32)], axis=1)


_mid = pl.pallas_call(
    _mid_body,
    grid=(_GRID,),
    in_specs=[
        pl.BlockSpec((NCORES, BLK, W), lambda i: (0, i, 0)),
        pl.BlockSpec((BLK, W), lambda i: (i, 0)),
        pl.BlockSpec((BLK, H), lambda i: (i, 0)),
        pl.BlockSpec((1, H), lambda i: (0, 0)),
        pl.BlockSpec((H, H), lambda i: (0, 0)),
    ],
    out_specs=[
        pl.BlockSpec((BLK, W), lambda i: (i, 0)),
        pl.BlockSpec((BLK, H), lambda i: (i, 0)),
    ],
    out_shape=[
        jax.ShapeDtypeStruct((N, W), jnp.float32),
        jax.ShapeDtypeStruct((N, H), jnp.float32),
    ],
)


def _fin_body(r_ref, g_ref, dinv_ref, h2_ref, b3_ref, wa_ref,
              ba_ref, choice_ref, value_ref):
    cfull = dinv_ref[...] * (r_ref[0, :, :H] + r_ref[1, :, :H]
                             + g_ref[:, :H])
    c = cfull[:, 0:1] + b3_ref[...]
    m = jnp.max(c)
    e = jnp.exp(c - m)
    choice_ref[...] = e / jnp.sum(e)
    v = jnp.mean(h2_ref[...], axis=0, keepdims=True)
    value_ref[...] = jnp.sum(v * wa_ref[...]).reshape(1, 1) + ba_ref[...]


_fin = pl.pallas_call(
    _fin_body,
    grid=(1,),
    in_specs=[
        pl.BlockSpec((NCORES, N, W), lambda i: (0, 0, 0)),
        pl.BlockSpec((N, W), lambda i: (0, 0)),
        pl.BlockSpec((N, H), lambda i: (0, 0)),
        pl.BlockSpec((N, H), lambda i: (0, 0)),
        pl.BlockSpec((1, 1), lambda i: (0, 0)),
        pl.BlockSpec((1, H), lambda i: (0, 0)),
        pl.BlockSpec((1, 1), lambda i: (0, 0)),
    ],
    out_specs=[
        pl.BlockSpec((N, 1), lambda i: (0, 0)),
        pl.BlockSpec((1, 1), lambda i: (0, 0)),
    ],
    out_shape=[
        jax.ShapeDtypeStruct((N, 1), jnp.float32),
        jax.ShapeDtypeStruct((1, 1), jnp.float32),
    ],
)


def kernel(x, edge_index, W1, b1, W2, b2, W3, b3, Wa, ba):
    src = edge_index[0].astype(jnp.int32)
    dst = edge_index[1].astype(jnp.int32)
    zeros = jnp.zeros((NPAD, W), jnp.float32)
    ones = jnp.ones((CHUNK, W), jnp.float32)
    w3p = jnp.concatenate([W3, jnp.zeros((H, H - 1), jnp.float32)], axis=1)

    degp = _deg(dst, ones, zeros)
    g1, dinv = _mm1(x, W1, degp)
    p = _prop(src, dst, g1, zeros)
    g2, _ = _mid(p, g1, dinv, b1.reshape(1, H), W2)
    q = _prop(src, dst, g2, zeros)
    g3, h2 = _mid(q, g2, dinv, b2.reshape(1, H), w3p)
    r = _prop(src, dst, g3, zeros)
    choice, value = _fin(r, g3, dinv, h2,
                         b3.reshape(1, 1), Wa.reshape(1, H),
                         ba.reshape(1, 1))
    return choice.reshape(N), value.reshape(())

# --- scband reference (transcript-rebuilt; emitter-appended) ---
"""Pipeline reference for scband-gnn-old-65807488909360 (READ-ONLY COPY).

The authoritative reference and input builder live on the scoring server;
editing this copy changes nothing except your own understanding.
"""

import jax, jax.numpy as jnp
import numpy as np

N = 10000
E = 160000
D = 256
H = 16


def gcn_conv(x, src, dst, W, b, n):
    # PyG GCNConv with normalize=True: D^{-1/2} (A + I) D^{-1/2} X W + b
    h = x @ W
    loop = jnp.arange(n)
    s = jnp.concatenate([src, loop])
    d = jnp.concatenate([dst, loop])
    deg = jax.ops.segment_sum(jnp.ones(s.shape[0], dtype=h.dtype), d, num_segments=n)
    dinv = jnp.where(deg > 0, jax.lax.rsqrt(deg), 0.0)
    norm = dinv[s] * dinv[d]
    msg = h[s] * norm[:, None]
    out = jax.ops.segment_sum(msg, d, num_segments=n)
    return out + b


def setup_inputs(seed: int = 0) -> dict:
    key = jax.random.key(seed)
    ks = jax.random.split(key, 10)
    x = jax.random.normal(ks[0], (N, D), dtype=jnp.float32)
    edge_index = jax.random.randint(ks[1], (2, E), 0, N)
    W1 = jax.random.normal(ks[2], (D, H), dtype=jnp.float32) * 0.05
    b1 = jnp.zeros((H,), dtype=jnp.float32)
    W2 = jax.random.normal(ks[3], (H, H), dtype=jnp.float32) * 0.1
    b2 = jnp.zeros((H,), dtype=jnp.float32)
    W3 = jax.random.normal(ks[4], (H, 1), dtype=jnp.float32) * 0.1
    b3 = jnp.zeros((1,), dtype=jnp.float32)
    Wa = jax.random.normal(ks[5], (H, 1), dtype=jnp.float32) * 0.1
    ba = jnp.zeros((1,), dtype=jnp.float32)
    return {"x": x, "edge_index": edge_index, "W1": W1, "b1": b1, "W2": W2, "b2": b2, "W3": W3, "b3": b3, "Wa": Wa, "ba": ba}


def reference(x, edge_index, W1, b1, W2, b2, W3, b3, Wa, ba):
    src = edge_index[0]
    dst = edge_index[1]
    h = jax.nn.relu(gcn_conv(x, src, dst, W1, b1, N))
    # F.dropout treated as identity (eval mode) for deterministic reference
    h = jax.nn.relu(gcn_conv(h, src, dst, W2, b2, N))
    c = gcn_conv(h, src, dst, W3, b3, N)
    choice = jax.nn.softmax(c, axis=0).reshape(N)
    # global_mean_pool over a single graph (all-zero batch ids) == mean over nodes
    v = jnp.mean(h, axis=0)
    value = (v @ Wa + ba).squeeze()
    return choice, value

if __name__ == "__main__":
    import jax
    _d = setup_inputs()
    print(jax.jit(kernel)(*tuple(_d.values())))

</pallas_src>

<mosaic_0001>
#map = affine_map<(d0, d1) -> (0)>
#map1 = affine_map<(d0, d1) -> (0, 0)>
#map2 = affine_map<(d0, d1) -> (0, 0, 0)>
module attributes {stable_mosaic.version = 14 : i64} {
  func.func @gcn_degree(%arg0: i32, %arg1: i32, %arg2: memref<160000xi32, #tpu.memory_space<hbm>>, %arg3: memref<128x128xf32, #tpu.memory_space<hbm>>, %arg4: memref<10240x128xf32, #tpu.memory_space<hbm>>, %arg5: memref<2x10240x128xf32, #tpu.memory_space<hbm>>, %arg6: memref<5120xi32, #tpu.memory_space<vmem>>, %arg7: memref<128x128xf32, #tpu.memory_space<vmem>>, %arg8: memref<10240x128xf32, #tpu.memory_space<vmem_shared>>, %arg9: memref<!tpu.dma_semaphore, #tpu.memory_space<semaphore_mem>>) attributes {dimension_semantics = [#tpu.dimension_semantics<core_parallel>, #tpu.dimension_semantics<subcore_parallel>], iteration_bounds = array<i64: 2, 16>, scalar_prefetch = 0 : i64, scratch_operands = 4 : i64, tpu.core_type = #tpu.core_type<sc_vector_subcore>, window_params = [{transform_indices = #map}, {transform_indices = #map1}, {transform_indices = #map1}, {transform_indices = #map2}]} {
    %mul3A = arith.constant 16 : i32
    %mul3A_0 = arith.muli %arg0, %mul3A : i32
    %add3A = arith.addi %mul3A_0, %arg1 : i32
    %mul3A_1 = arith.constant 640 : i32
    %mul3A_2 = arith.muli %arg1, %mul3A_1 : i32
    %multiple_of3A = tpu.assume_multiple %mul3A_2, 640 : i32
    "tpu.region"() ({
      %run_scoped3A = tpu.sem_alloc : memref<!tpu.dma_semaphore, #tpu.memory_space<semaphore_mem>>
      %dma_start3A = arith.constant 0 : i32
      %dma_start3A_28 = tpu.memref_slice %arg8[%multiple_of3A, %dma_start3A] : memref<10240x128xf32, #tpu.memory_space<vmem_shared>> -> memref<640x128xf32, #tpu.memory_space<vmem_shared>>
      %dma_start3A_29 = arith.constant 0 : i32
      %dma_start3A_30 = tpu.memref_slice %arg4[%multiple_of3A, %dma_start3A_29] : memref<10240x128xf32, #tpu.memory_space<hbm>> -> memref<640x128xf32, #tpu.memory_space<hbm>>
      tpu.enqueue_dma source(%dma_start3A_30 : memref<640x128xf32, #tpu.memory_space<hbm>>) target(%dma_start3A_28 : memref<640x128xf32, #tpu.memory_space<vmem_shared>>) target_semaphore(%run_scoped3A : memref<!tpu.dma_semaphore, #tpu.memory_space<semaphore_mem>>)
      %dma_wait3A = arith.constant 0 : i32
      %dma_wait3A_31 = tpu.memref_slice %arg8[%multiple_of3A, %dma_wait3A] : memref<10240x128xf32, #tpu.memory_space<vmem_shared>> -> memref<640x128xf32, #tpu.memory_space<vmem_shared>>
      %dma_wait3A_32 = arith.constant 0 : i32
      %dma_wait3A_33 = tpu.memref_slice %arg4[%multiple_of3A, %dma_wait3A_32] : memref<10240x128xf32, #tpu.memory_space<hbm>> -> memref<640x128xf32, #tpu.memory_space<hbm>>
      tpu.wait_dma2 semaphore(%run_scoped3A : memref<!tpu.dma_semaphore, #tpu.memory_space<semaphore_mem>>) src(%dma_wait3A_33 : memref<640x128xf32, #tpu.memory_space<hbm>>) dst(%dma_wait3A_31 : memref<640x128xf32, #tpu.memory_space<vmem_shared>>)
      tpu.yield
    }) : () -> ()
    %barrier3A = arith.constant 0 : index
    tpu.barrier barrier_id(%barrier3A)
    %mul3A_3 = arith.constant 4992 : i32
    %mul3A_4 = arith.muli %add3A, %mul3A_3 : i32
    %multiple_of3A_5 = tpu.assume_multiple %mul3A_4, 128 : i32
    "tpu.region"() ({
      %run_scoped3A = tpu.sem_alloc : memref<!tpu.dma_semaphore, #tpu.memory_space<semaphore_mem>>
      %dma_start3A = arith.constant 0 : i32
      %dma_start3A_28 = tpu.memref_slice %arg6[%dma_start3A] : memref<5120xi32, #tpu.memory_space<vmem>> -> memref<4992xi32, #tpu.memory_space<vmem>>
      %dma_start3A_29 = tpu.memref_slice %arg2[%multiple_of3A_5] : memref<160000xi32, #tpu.memory_space<hbm>> -> memref<4992xi32, #tpu.memory_space<hbm>>
      %dma_start3A_30 = arith.constant 0 : i32
      %dma_start3A_31 = tpu.memref_slice %arg6[%dma_start3A_30] : memref<5120xi32, #tpu.memory_space<vmem>> -> memref<4992xi32, #tpu.memory_space<vmem>>
      %dma_start3A_32 = tpu.memref_slice %arg2[%multiple_of3A_5] : memref<160000xi32, #tpu.memory_space<hbm>> -> memref<4992xi32, #tpu.memory_space<hbm>>
      tpu.enqueue_dma source(%dma_start3A_32 : memref<4992xi32, #tpu.memory_space<hbm>>) target(%dma_start3A_31 : memref<4992xi32, #tpu.memory_space<vmem>>) target_semaphore(%run_scoped3A : memref<!tpu.dma_semaphore, #tpu.memory_space<semaphore_mem>>)
      %dma_wait3A = arith.constant 0 : i32
      %dma_wait3A_33 = tpu.memref_slice %arg6[%dma_wait3A] : memref<5120xi32, #tpu.memory_space<vmem>> -> memref<4992xi32, #tpu.memory_space<vmem>>
      %dma_wait3A_34 = tpu.memref_slice %arg2[%multiple_of3A_5] : memref<160000xi32, #tpu.memory_space<hbm>> -> memref<4992xi32, #tpu.memory_space<hbm>>
      %dma_wait3A_35 = arith.constant 0 : i32
      %dma_wait3A_36 = tpu.memref_slice %arg6[%dma_wait3A_35] : memref<5120xi32, #tpu.memory_space<vmem>> -> memref<4992xi32, #tpu.memory_space<vmem>>
      %dma_wait3A_37 = tpu.memref_slice %arg2[%multiple_of3A_5] : memref<160000xi32, #tpu.memory_space<hbm>> -> memref<4992xi32, #tpu.memory_space<hbm>>
      tpu.wait_dma2 semaphore(%run_scoped3A : memref<!tpu.dma_semaphore, #tpu.memory_space<semaphore_mem>>) src(%dma_wait3A_37 : memref<4992xi32, #tpu.memory_space<hbm>>) dst(%dma_wait3A_36 : memref<4992xi32, #tpu.memory_space<vmem>>)
      tpu.yield
    }) : () -> ()
    %lt3A = arith.constant 2 : i32
    %lt3A_6 = arith.cmpi slt, %add3A, %lt3A : i32
    %convert_element_type3A = arith.extui %lt3A_6 : i1 to i32
    %cond3A = arith.constant 0 : i32
    %cond3A_7 = arith.cmpi ne, %convert_element_type3A, %cond3A : i32
    scf.if %cond3A_7 {
      %multiple_of3A_28 = arith.constant 159744 : i32
      %multiple_of3A_29 = tpu.assume_multiple %multiple_of3A_28, 128 : i32
      %mul3A_30 = arith.constant 128 : i32
      %mul3A_31 = arith.muli %add3A, %mul3A_30 : i32
      %add3A_32 = arith.addi %multiple_of3A_29, %mul3A_31 : i32
      "tpu.region"() ({
        %run_scoped3A = tpu.sem_alloc : memref<!tpu.dma_semaphore, #tpu.memory_space<semaphore_mem>>
        %dma_start3A = arith.constant 4992 : i32
        %dma_start3A_33 = tpu.memref_slice %arg6[%dma_start3A] : memref<5120xi32, #tpu.memory_space<vmem>> -> memref<128xi32, #tpu.memory_space<vmem>>
        %dma_start3A_34 = tpu.memref_slice %arg2[%add3A_32] : memref<160000xi32, #tpu.memory_space<hbm>> -> memref<128xi32, #tpu.memory_space<hbm>>
        %dma_start3A_35 = arith.constant 4992 : i32
        %dma_start3A_36 = tpu.memref_slice %arg6[%dma_start3A_35] : memref<5120xi32, #tpu.memory_space<vmem>> -> memref<128xi32, #tpu.memory_space<vmem>>
        %dma_start3A_37 = tpu.memref_slice %arg2[%add3A_32] : memref<160000xi32, #tpu.memory_space<hbm>> -> memref<128xi32, #tpu.memory_space<hbm>>
        tpu.enqueue_dma source(%dma_start3A_37 : memref<128xi32, #tpu.memory_space<hbm>>) target(%dma_start3A_36 : memref<128xi32, #tpu.memory_space<vmem>>) target_semaphore(%run_scoped3A : memref<!tpu.dma_semaphore, #tpu.memory_space<semaphore_mem>>)
        %dma_wait3A = arith.constant 4992 : i32
        %dma_wait3A_38 = tpu.memref_slice %arg6[%dma_wait3A] : memref<5120xi32, #tpu.memory_space<vmem>> -> memref<128xi32, #tpu.memory_space<vmem>>
        %dma_wait3A_39 = tpu.memref_slice %arg2[%add3A_32] : memref<160000xi32, #tpu.memory_space<hbm>> -> memref<128xi32, #tpu.memory_space<hbm>>
        %dma_wait3A_40 = arith.constant 4992 : i32
        %dma_wait3A_41 = tpu.memref_slice %arg6[%dma_wait3A_40] : memref<5120xi32, #tpu.memory_space<vmem>> -> memref<128xi32, #tpu.memory_space<vmem>>
        %dma_wait3A_42 = tpu.memref_slice %arg2[%add3A_32] : memref<160000xi32, #tpu.memory_space<hbm>> -> memref<128xi32, #tpu.memory_space<hbm>>
        tpu.wait_dma2 semaphore(%run_scoped3A : memref<!tpu.dma_semaphore, #tpu.memory_space<semaphore_mem>>) src(%dma_wait3A_42 : memref<128xi32, #tpu.memory_space<hbm>>) dst(%dma_wait3A_41 : memref<128xi32, #tpu.memory_space<vmem>>)
        tpu.yield
      }) : () -> ()
    } else {
    }
    "tpu.region"() ({
      %run_scoped3A = tpu.sem_alloc : memref<!tpu.dma_semaphore, #tpu.memory_space<semaphore_mem>>
      tpu.enqueue_dma source(%arg3 : memref<128x128xf32, #tpu.memory_space<hbm>>) target(%arg7 : memref<128x128xf32, #tpu.memory_space<vmem>>) target_semaphore(%run_scoped3A : memref<!tpu.dma_semaphore, #tpu.memory_space<semaphore_mem>>)
      tpu.wait_dma2 semaphore(%run_scoped3A : memref<!tpu.dma_semaphore, #tpu.memory_space<semaphore_mem>>) src(%arg3 : memref<128x128xf32, #tpu.memory_space<hbm>>) dst(%arg7 : memref<128x128xf32, #tpu.memory_space<vmem>>)
      tpu.yield
    }) : () -> ()
    %scan3A = arith.constant 0 : i32
    %scan3A_8 = arith.constant 0 : i32
    %scan3A_9 = arith.constant 39 : i32
    %scan3A_10 = arith.addi %scan3A_8, %scan3A_9 : i32
    %scan3A_11 = arith.constant 1 : i32
    scf.for %scan3A_28 = %scan3A_8 to %scan3A_10 step %scan3A_11  : i32 {
      %mul3A_29 = arith.constant 128 : i32
      %mul3A_30 = arith.muli %scan3A_28, %mul3A_29 : i32
      %dma_start3A = tpu.memref_slice %arg6[%mul3A_30] : memref<5120xi32, #tpu.memory_space<vmem>> -> memref<128xi32, #tpu.memory_space<vmem>>
      %dma_start3A_31 = arith.constant 0 : i32
      %dma_start3A_32 = arith.constant 0 : i32
      %dma_start3A_33 = tpu.memref_slice %arg8[%dma_start3A_31, %dma_start3A_32] : memref<10240x128xf32, #tpu.memory_space<vmem_shared>> -> memref<10240x128xf32, #tpu.memory_space<vmem_shared>>
      tpu.enqueue_indirect_dma source(%arg7 : memref<128x128xf32, #tpu.memory_space<vmem>>) target(%dma_start3A_33 : memref<10240x128xf32, #tpu.memory_space<vmem_shared>>) offsets(%dma_start3A : memref<128xi32, #tpu.memory_space<vmem>>) semaphore(%arg9 : memref<!tpu.dma_semaphore, #tpu.memory_space<semaphore_mem>>) {add = true}
    }
    %scan3A_12 = arith.constant 39 : i32
    %lt3A_13 = arith.constant 2 : i32
    %lt3A_14 = arith.cmpi slt, %add3A, %lt3A_13 : i32
    %convert_element_type3A_15 = arith.extui %lt3A_14 : i1 to i32
    %cond3A_16 = arith.constant 0 : i32
    %cond3A_17 = arith.cmpi ne, %convert_element_type3A_15, %cond3A_16 : i32
    scf.if %cond3A_17 {
      %dma_start3A = arith.constant 4992 : i32
      %dma_start3A_28 = tpu.memref_slice %arg6[%dma_start3A] : memref<5120xi32, #tpu.memory_space<vmem>> -> memref<128xi32, #tpu.memory_space<vmem>>
      %dma_start3A_29 = arith.constant 0 : i32
      %dma_start3A_30 = arith.constant 0 : i32
      %dma_start3A_31 = tpu.memref_slice %arg8[%dma_start3A_29, %dma_start3A_30] : memref<10240x128xf32, #tpu.memory_space<vmem_shared>> -> memref<10240x128xf32, #tpu.memory_space<vmem_shared>>
      tpu.enqueue_indirect_dma source(%arg7 : memref<128x128xf32, #tpu.memory_space<vmem>>) target(%dma_start3A_31 : memref<10240x128xf32, #tpu.memory_space<vmem_shared>>) offsets(%dma_start3A_28 : memref<128xi32, #tpu.memory_space<vmem>>) semaphore(%arg9 : memref<!tpu.dma_semaphore, #tpu.memory_space<semaphore_mem>>) {add = true}
      %dma_wait3A = arith.constant 4992 : i32
      %dma_wait3A_32 = tpu.memref_slice %arg6[%dma_wait3A] : memref<5120xi32, #tpu.memory_space<vmem>> -> memref<128xi32, #tpu.memory_space<vmem>>
      %dma_wait3A_33 = arith.constant 0 : i32
      %dma_wait3A_34 = arith.constant 0 : i32
      %dma_wait3A_35 = tpu.memref_slice %arg8[%dma_wait3A_33, %dma_wait3A_34] : memref<10240x128xf32, #tpu.memory_space<vmem_shared>> -> memref<10240x128xf32, #tpu.memory_space<vmem_shared>>
      tpu.wait_indirect_dma semaphore(%arg9 : memref<!tpu.dma_semaphore, #tpu.memory_space<semaphore_mem>>) src(%arg7 : memref<128x128xf32, #tpu.memory_space<vmem>>) dst(%dma_wait3A_35 : memref<10240x128xf32, #tpu.memory_space<vmem_shared>>)
    } else {
    }
    %scan3A_18 = arith.constant 0 : i32
    %scan3A_19 = arith.constant 0 : i32
    %scan3A_20 = arith.constant 39 : i32
    %scan3A_21 = arith.addi %scan3A_19, %scan3A_20 : i32
    %scan3A_22 = arith.constant 1 : i32
    scf.for %scan3A_28 = %scan3A_19 to %scan3A_21 step %scan3A_22  : i32 {
      %mul3A_29 = arith.constant 128 : i32
      %mul3A_30 = arith.muli %scan3A_28, %mul3A_29 : i32
      %dma_wait3A = tpu.memref_slice %arg6[%mul3A_30] : memref<5120xi32, #tpu.memory_space<vmem>> -> memref<128xi32, #tpu.memory_space<vmem>>
      %dma_wait3A_31 = arith.constant 0 : i32
      %dma_wait3A_32 = arith.constant 0 : i32
      %dma_wait3A_33 = tpu.memref_slice %arg8[%dma_wait3A_31, %dma_wait3A_32] : memref<10240x128xf32, #tpu.memory_space<vmem_shared>> -> memref<10240x128xf32, #tpu.memory_space<vmem_shared>>
      tpu.wait_indirect_dma semaphore(%arg9 : memref<!tpu.dma_semaphore, #tpu.memory_space<semaphore_mem>>) src(%arg7 : memref<128x128xf32, #tpu.memory_space<vmem>>) dst(%dma_wait3A_33 : memref<10240x128xf32, #tpu.memory_space<vmem_shared>>)
    }
    %scan3A_23 = arith.constant 39 : i32
    %barrier3A_24 = arith.constant 0 : index
    tpu.barrier barrier_id(%barrier3A_24)
    %mul3A_25 = arith.constant 640 : i32
    %mul3A_26 = arith.muli %arg1, %mul3A_25 : i32
    %multiple_of3A_27 = tpu.assume_multiple %mul3A_26, 640 : i32
    "tpu.region"() ({
      %run_scoped3A = tpu.sem_alloc : memref<!tpu.dma_semaphore, #tpu.memory_space<semaphore_mem>>
      %dma_start3A = arith.constant 0 : i32
      %dma_start3A_28 = tpu.memref_slice %arg5[%arg0, %multiple_of3A_27, %dma_start3A] : memref<2x10240x128xf32, #tpu.memory_space<hbm>> -> memref<1x640x128xf32, #tpu.memory_space<hbm>>
      %dma_start3A_29 = tpu.memref_squeeze %dma_start3A_28 : memref<1x640x128xf32, #tpu.memory_space<hbm>> -> memref<640x128xf32, #tpu.memory_space<hbm>>
      %dma_start3A_30 = arith.constant 0 : i32
      %dma_start3A_31 = tpu.memref_slice %arg8[%multiple_of3A_27, %dma_start3A_30] : memref<10240x128xf32, #tpu.memory_space<vmem_shared>> -> memref<640x128xf32, #tpu.memory_space<vmem_shared>>
      tpu.enqueue_dma source(%dma_start3A_31 : memref<640x128xf32, #tpu.memory_space<vmem_shared>>) target(%dma_start3A_29 : memref<640x128xf32, #tpu.memory_space<hbm>>) target_semaphore(%run_scoped3A : memref<!tpu.dma_semaphore, #tpu.memory_space<semaphore_mem>>)
      %dma_wait3A = arith.constant 0 : i32
      %dma_wait3A_32 = tpu.memref_slice %arg5[%arg0, %multiple_of3A_27, %dma_wait3A] : memref<2x10240x128xf32, #tpu.memory_space<hbm>> -> memref<1x640x128xf32, #tpu.memory_space<hbm>>
      %dma_wait3A_33 = tpu.memref_squeeze %dma_wait3A_32 : memref<1x640x128xf32, #tpu.memory_space<hbm>> -> memref<640x128xf32, #tpu.memory_space<hbm>>
      %dma_wait3A_34 = arith.constant 0 : i32
      %dma_wait3A_35 = tpu.memref_slice %arg8[%multiple_of3A_27, %dma_wait3A_34] : memref<10240x128xf32, #tpu.memory_space<vmem_shared>> -> memref<640x128xf32, #tpu.memory_space<vmem_shared>>
      tpu.wait_dma2 semaphore(%run_scoped3A : memref<!tpu.dma_semaphore, #tpu.memory_space<semaphore_mem>>) src(%dma_wait3A_35 : memref<640x128xf32, #tpu.memory_space<vmem_shared>>) dst(%dma_wait3A_33 : memref<640x128xf32, #tpu.memory_space<hbm>>)
      tpu.yield
    }) : () -> ()
    return
  }
}

#map = affine_map<(d0, d1) -> (0)>
#map1 = affine_map<(d0, d1) -> (0, 0)>
#map2 = affine_map<(d0, d1) -> (0, 0, 0)>
module attributes {stable_mosaic.version = 14 : i64} {
  func.func @gcn_edge_prop(%arg0: i32, %arg1: i32, %arg2: memref<160000xi32, #tpu.memory_space<hbm>>, %arg3: memref<160000xi32, #tpu.memory_space<hbm>>, %arg4: memref<10000x128xf32, #tpu.memory_space<hbm>>, %arg5: memref<10240x128xf32, #tpu.memory_space<hbm>>, %arg6: memref<2x10240x128xf32, #tpu.memory_space<hbm>>, %arg7: memref<5120xi32, #tpu.memory_space<vmem>>, %arg8: memref<5120xi32, #tpu.memory_space<vmem>>, %arg9: memref<128x128xf32, #tpu.memory_space<vmem>>, %arg10: memref<128x128xf32, #tpu.memory_space<vmem>>, %arg11: memref<10240x128xf32, #tpu.memory_space<vmem_shared>>, %arg12: memref<!tpu.dma_semaphore, #tpu.memory_space<semaphore_mem>>, %arg13: memref<!tpu.dma_semaphore, #tpu.memory_space<semaphore_mem>>, %arg14: memref<!tpu.dma_semaphore, #tpu.memory_space<semaphore_mem>>, %arg15: memref<!tpu.dma_semaphore, #tpu.memory_space<semaphore_mem>>) attributes {dimension_semantics = [#tpu.dimension_semantics<core_parallel>, #tpu.dimension_semantics<subcore_parallel>], iteration_bounds = array<i64: 2, 16>, scalar_prefetch = 0 : i64, scratch_operands = 9 : i64, tpu.core_type = #tpu.core_type<sc_vector_subcore>, window_params = [{transform_indices = #map}, {transform_indices = #map}, {transform_indices = #map1}, {transform_indices = #map1}, {transform_indices = #map2}]} {
    %mul3A = arith.constant 16 : i32
    %mul3A_0 = arith.muli %arg0, %mul3A : i32
    %add3A = arith.addi %mul3A_0, %arg1 : i32
    %mul3A_1 = arith.constant 640 : i32
    %mul3A_2 = arith.muli %arg1, %mul3A_1 : i32
    %multiple_of3A = tpu.assume_multiple %mul3A_2, 640 : i32
    "tpu.region"() ({
      %run_scoped3A = tpu.sem_alloc : memref<!tpu.dma_semaphore, #tpu.memory_space<semaphore_mem>>
      %dma_start3A_53 = arith.constant 0 : i32
      %dma_start3A_54 = tpu.memref_slice %arg11[%multiple_of3A, %dma_start3A_53] : memref<10240x128xf32, #tpu.memory_space<vmem_shared>> -> memref<640x128xf32, #tpu.memory_space<vmem_shared>>
      %dma_start3A_55 = arith.constant 0 : i32
      %dma_start3A_56 = tpu.memref_slice %arg5[%multiple_of3A, %dma_start3A_55] : memref<10240x128xf32, #tpu.memory_space<hbm>> -> memref<640x128xf32, #tpu.memory_space<hbm>>
      tpu.enqueue_dma source(%dma_start3A_56 : memref<640x128xf32, #tpu.memory_space<hbm>>) target(%dma_start3A_54 : memref<640x128xf32, #tpu.memory_space<vmem_shared>>) target_semaphore(%run_scoped3A : memref<!tpu.dma_semaphore, #tpu.memory_space<semaphore_mem>>)
      %dma_wait3A_57 = arith.constant 0 : i32
      %dma_wait3A_58 = tpu.memref_slice %arg11[%multiple_of3A, %dma_wait3A_57] : memref<10240x128xf32, #tpu.memory_space<vmem_shared>> -> memref<640x128xf32, #tpu.memory_space<vmem_shared>>
      %dma_wait3A_59 = arith.constant 0 : i32
      %dma_wait3A_60 = tpu.memref_slice %arg5[%multiple_of3A, %dma_wait3A_59] : memref<10240x128xf32, #tpu.memory_space<hbm>> -> memref<640x128xf32, #tpu.memory_space<hbm>>
      tpu.wait_dma2 semaphore(%run_scoped3A : memref<!tpu.dma_semaphore, #tpu.memory_space<semaphore_mem>>) src(%dma_wait3A_60 : memref<640x128xf32, #tpu.memory_space<hbm>>) dst(%dma_wait3A_58 : memref<640x128xf32, #tpu.memory_space<vmem_shared>>)
      tpu.yield
    }) : () -> ()
    %barrier3A = arith.constant 0 : index
    tpu.barrier barrier_id(%barrier3A)
    %mul3A_3 = arith.constant 4992 : i32
    %mul3A_4 = arith.muli %add3A, %mul3A_3 : i32
    %multiple_of3A_5 = tpu.assume_multiple %mul3A_4, 128 : i32
    "tpu.region"() ({
      %run_scoped3A = tpu.sem_alloc : memref<!tpu.dma_semaphore, #tpu.memory_space<semaphore_mem>>
      %dma_start3A_53 = arith.constant 0 : i32
      %dma_start3A_54 = tpu.memref_slice %arg7[%dma_start3A_53] : memref<5120xi32, #tpu.memory_space<vmem>> -> memref<4992xi32, #tpu.memory_space<vmem>>
      %dma_start3A_55 = tpu.memref_slice %arg2[%multiple_of3A_5] : memref<160000xi32, #tpu.memory_space<hbm>> -> memref<4992xi32, #tpu.memory_space<hbm>>
      %dma_start3A_56 = arith.constant 0 : i32
      %dma_start3A_57 = tpu.memref_slice %arg7[%dma_start3A_56] : memref<5120xi32, #tpu.memory_space<vmem>> -> memref<4992xi32, #tpu.memory_space<vmem>>
      %dma_start3A_58 = tpu.memref_slice %arg2[%multiple_of3A_5] : memref<160000xi32, #tpu.memory_space<hbm>> -> memref<4992xi32, #tpu.memory_space<hbm>>
      tpu.enqueue_dma source(%dma_start3A_58 : memref<4992xi32, #tpu.memory_space<hbm>>) target(%dma_start3A_57 : memref<4992xi32, #tpu.memory_space<vmem>>) target_semaphore(%run_scoped3A : memref<!tpu.dma_semaphore, #tpu.memory_space<semaphore_mem>>)
      %dma_wait3A_59 = arith.constant 0 : i32
      %dma_wait3A_60 = tpu.memref_slice %arg7[%dma_wait3A_59] : memref<5120xi32, #tpu.memory_space<vmem>> -> memref<4992xi32, #tpu.memory_space<vmem>>
      %dma_wait3A_61 = tpu.memref_slice %arg2[%multiple_of3A_5] : memref<160000xi32, #tpu.memory_space<hbm>> -> memref<4992xi32, #tpu.memory_space<hbm>>
      %dma_wait3A_62 = arith.constant 0 : i32
      %dma_wait3A_63 = tpu.memref_slice %arg7[%dma_wait3A_62] : memref<5120xi32, #tpu.memory_space<vmem>> -> memref<4992xi32, #tpu.memory_space<vmem>>
      %dma_wait3A_64 = tpu.memref_slice %arg2[%multiple_of3A_5] : memref<160000xi32, #tpu.memory_space<hbm>> -> memref<4992xi32, #tpu.memory_space<hbm>>
      tpu.wait_dma2 semaphore(%run_scoped3A : memref<!tpu.dma_semaphore, #tpu.memory_space<semaphore_mem>>) src(%dma_wait3A_64 : memref<4992xi32, #tpu.memory_space<hbm>>) dst(%dma_wait3A_63 : memref<4992xi32, #tpu.memory_space<vmem>>)
      tpu.yield
    }) : () -> ()
    %lt3A = arith.constant 2 : i32
    %lt3A_6 = arith.cmpi slt, %add3A, %lt3A : i32
    %convert_element_type3A = arith.extui %lt3A_6 : i1 to i32
    %cond3A = arith.constant 0 : i32
    %cond3A_7 = arith.cmpi ne, %convert_element_type3A, %cond3A : i32
    scf.if %cond3A_7 {
      %multiple_of3A_53 = arith.constant 159744 : i32
      %multiple_of3A_54 = tpu.assume_multiple %multiple_of3A_53, 128 : i32
      %mul3A_55 = arith.constant 128 : i32
      %mul3A_56 = arith.muli %add3A, %mul3A_55 : i32
      %add3A_57 = arith.addi %multiple_of3A_54, %mul3A_56 : i32
      "tpu.region"() ({
        %run_scoped3A = tpu.sem_alloc : memref<!tpu.dma_semaphore, #tpu.memory_space<semaphore_mem>>
        %dma_start3A_58 = arith.constant 4992 : i32
        %dma_start3A_59 = tpu.memref_slice %arg7[%dma_start3A_58] : memref<5120xi32, #tpu.memory_space<vmem>> -> memref<128xi32, #tpu.memory_space<vmem>>
        %dma_start3A_60 = tpu.memref_slice %arg2[%add3A_57] : memref<160000xi32, #tpu.memory_space<hbm>> -> memref<128xi32, #tpu.memory_space<hbm>>
        %dma_start3A_61 = arith.constant 4992 : i32
        %dma_start3A_62 = tpu.memref_slice %arg7[%dma_start3A_61] : memref<5120xi32, #tpu.memory_space<vmem>> -> memref<128xi32, #tpu.memory_space<vmem>>
        %dma_start3A_63 = tpu.memref_slice %arg2[%add3A_57] : memref<160000xi32, #tpu.memory_space<hbm>> -> memref<128xi32, #tpu.memory_space<hbm>>
        tpu.enqueue_dma source(%dma_start3A_63 : memref<128xi32, #tpu.memory_space<hbm>>) target(%dma_start3A_62 : memref<128xi32, #tpu.memory_space<vmem>>) target_semaphore(%run_scoped3A : memref<!tpu.dma_semaphore, #tpu.memory_space<semaphore_mem>>)
        %dma_wait3A_64 = arith.constant 4992 : i32
        %dma_wait3A_65 = tpu.memref_slice %arg7[%dma_wait3A_64] : memref<5120xi32, #tpu.memory_space<vmem>> -> memref<128xi32, #tpu.memory_space<vmem>>
        %dma_wait3A_66 = tpu.memref_slice %arg2[%add3A_57] : memref<160000xi32, #tpu.memory_space<hbm>> -> memref<128xi32, #tpu.memory_space<hbm>>
        %dma_wait3A_67 = arith.constant 4992 : i32
        %dma_wait3A_68 = tpu.memref_slice %arg7[%dma_wait3A_67] : memref<5120xi32, #tpu.memory_space<vmem>> -> memref<128xi32, #tpu.memory_space<vmem>>
        %dma_wait3A_69 = tpu.memref_slice %arg2[%add3A_57] : memref<160000xi32, #tpu.memory_space<hbm>> -> memref<128xi32, #tpu.memory_space<hbm>>
        tpu.wait_dma2 semaphore(%run_scoped3A : memref<!tpu.dma_semaphore, #tpu.memory_space<semaphore_mem>>) src(%dma_wait3A_69 : memref<128xi32, #tpu.memory_space<hbm>>) dst(%dma_wait3A_68 : memref<128xi32, #tpu.memory_space<vmem>>)
        tpu.yield
      }) : () -> ()
    } else {
    }
    %mul3A_8 = arith.constant 4992 : i32
    %mul3A_9 = arith.muli %add3A, %mul3A_8 : i32
    %multiple_of3A_10 = tpu.assume_multiple %mul3A_9, 128 : i32
    "tpu.region"() ({
      %run_scoped3A = tpu.sem_alloc : memref<!tpu.dma_semaphore, #tpu.memory_space<semaphore_mem>>
      %dma_start3A_53 = arith.constant 0 : i32
      %dma_start3A_54 = tpu.memref_slice %arg8[%dma_start3A_53] : memref<5120xi32, #tpu.memory_space<vmem>> -> memref<4992xi32, #tpu.memory_space<vmem>>
      %dma_start3A_55 = tpu.memref_slice %arg3[%multiple_of3A_10] : memref<160000xi32, #tpu.memory_space<hbm>> -> memref<4992xi32, #tpu.memory_space<hbm>>
      %dma_start3A_56 = arith.constant 0 : i32
      %dma_start3A_57 = tpu.memref_slice %arg8[%dma_start3A_56] : memref<5120xi32, #tpu.memory_space<vmem>> -> memref<4992xi32, #tpu.memory_space<vmem>>
      %dma_start3A_58 = tpu.memref_slice %arg3[%multiple_of3A_10] : memref<160000xi32, #tpu.memory_space<hbm>> -> memref<4992xi32, #tpu.memory_space<hbm>>
      tpu.enqueue_dma source(%dma_start3A_58 : memref<4992xi32, #tpu.memory_space<hbm>>) target(%dma_start3A_57 : memref<4992xi32, #tpu.memory_space<vmem>>) target_semaphore(%run_scoped3A : memref<!tpu.dma_semaphore, #tpu.memory_space<semaphore_mem>>)
      %dma_wait3A_59 = arith.constant 0 : i32
      %dma_wait3A_60 = tpu.memref_slice %arg8[%dma_wait3A_59] : memref<5120xi32, #tpu.memory_space<vmem>> -> memref<4992xi32, #tpu.memory_space<vmem>>
      %dma_wait3A_61 = tpu.memref_slice %arg3[%multiple_of3A_10] : memref<160000xi32, #tpu.memory_space<hbm>> -> memref<4992xi32, #tpu.memory_space<hbm>>
      %dma_wait3A_62 = arith.constant 0 : i32
      %dma_wait3A_63 = tpu.memref_slice %arg8[%dma_wait3A_62] : memref<5120xi32, #tpu.memory_space<vmem>> -> memref<4992xi32, #tpu.memory_space<vmem>>
      %dma_wait3A_64 = tpu.memref_slice %arg3[%multiple_of3A_10] : memref<160000xi32, #tpu.memory_space<hbm>> -> memref<4992xi32, #tpu.memory_space<hbm>>
      tpu.wait_dma2 semaphore(%run_scoped3A : memref<!tpu.dma_semaphore, #tpu.memory_space<semaphore_mem>>) src(%dma_wait3A_64 : memref<4992xi32, #tpu.memory_space<hbm>>) dst(%dma_wait3A_63 : memref<4992xi32, #tpu.memory_space<vmem>>)
      tpu.yield
    }) : () -> ()
    %lt3A_11 = arith.constant 2 : i32
    %lt3A_12 = arith.cmpi slt, %add3A, %lt3A_11 : i32
    %convert_element_type3A_13 = arith.extui %lt3A_12 : i1 to i32
    %cond3A_14 = arith.constant 0 : i32
    %cond3A_15 = arith.cmpi ne, %convert_element_type3A_13, %cond3A_14 : i32
    scf.if %cond3A_15 {
      %multiple_of3A_53 = arith.constant 159744 : i32
      %multiple_of3A_54 = tpu.assume_multiple %multiple_of3A_53, 128 : i32
      %mul3A_55 = arith.constant 128 : i32
      %mul3A_56 = arith.muli %add3A, %mul3A_55 : i32
      %add3A_57 = arith.addi %multiple_of3A_54, %mul3A_56 : i32
      "tpu.region"() ({
        %run_scoped3A = tpu.sem_alloc : memref<!tpu.dma_semaphore, #tpu.memory_space<semaphore_mem>>
        %dma_start3A_58 = arith.constant 4992 : i32
        %dma_start3A_59 = tpu.memref_slice %arg8[%dma_start3A_58] : memref<5120xi32, #tpu.memory_space<vmem>> -> memref<128xi32, #tpu.memory_space<vmem>>
        %dma_start3A_60 = tpu.memref_slice %arg3[%add3A_57] : memref<160000xi32, #tpu.memory_space<hbm>> -> memref<128xi32, #tpu.memory_space<hbm>>
        %dma_start3A_61 = arith.constant 4992 : i32
        %dma_start3A_62 = tpu.memref_slice %arg8[%dma_start3A_61] : memref<5120xi32, #tpu.memory_space<vmem>> -> memref<128xi32, #tpu.memory_space<vmem>>
        %dma_start3A_63 = tpu.memref_slice %arg3[%add3A_57] : memref<160000xi32, #tpu.memory_space<hbm>> -> memref<128xi32, #tpu.memory_space<hbm>>
        tpu.enqueue_dma source(%dma_start3A_63 : memref<128xi32, #tpu.memory_space<hbm>>) target(%dma_start3A_62 : memref<128xi32, #tpu.memory_space<vmem>>) target_semaphore(%run_scoped3A : memref<!tpu.dma_semaphore, #tpu.memory_space<semaphore_mem>>)
        %dma_wait3A_64 = arith.constant 4992 : i32
        %dma_wait3A_65 = tpu.memref_slice %arg8[%dma_wait3A_64] : memref<5120xi32, #tpu.memory_space<vmem>> -> memref<128xi32, #tpu.memory_space<vmem>>
        %dma_wait3A_66 = tpu.memref_slice %arg3[%add3A_57] : memref<160000xi32, #tpu.memory_space<hbm>> -> memref<128xi32, #tpu.memory_space<hbm>>
        %dma_wait3A_67 = arith.constant 4992 : i32
        %dma_wait3A_68 = tpu.memref_slice %arg8[%dma_wait3A_67] : memref<5120xi32, #tpu.memory_space<vmem>> -> memref<128xi32, #tpu.memory_space<vmem>>
        %dma_wait3A_69 = tpu.memref_slice %arg3[%add3A_57] : memref<160000xi32, #tpu.memory_space<hbm>> -> memref<128xi32, #tpu.memory_space<hbm>>
        tpu.wait_dma2 semaphore(%run_scoped3A : memref<!tpu.dma_semaphore, #tpu.memory_space<semaphore_mem>>) src(%dma_wait3A_69 : memref<128xi32, #tpu.memory_space<hbm>>) dst(%dma_wait3A_68 : memref<128xi32, #tpu.memory_space<vmem>>)
        tpu.yield
      }) : () -> ()
    } else {
    }
    %dma_start3A = arith.constant 0 : i32
    %dma_start3A_16 = tpu.memref_slice %arg7[%dma_start3A] : memref<5120xi32, #tpu.memory_space<vmem>> -> memref<128xi32, #tpu.memory_space<vmem>>
    %dma_start3A_17 = arith.constant 0 : i32
    %dma_start3A_18 = arith.constant 0 : i32
    %dma_start3A_19 = tpu.memref_slice %arg4[%dma_start3A_17, %dma_start3A_18] : memref<10000x128xf32, #tpu.memory_space<hbm>> -> memref<10000x128xf32, #tpu.memory_space<hbm>>
    tpu.enqueue_indirect_dma source(%dma_start3A_19 : memref<10000x128xf32, #tpu.memory_space<hbm>>) target(%arg9 : memref<128x128xf32, #tpu.memory_space<vmem>>) offsets(%dma_start3A_16 : memref<128xi32, #tpu.memory_space<vmem>>) semaphore(%arg12 : memref<!tpu.dma_semaphore, #tpu.memory_space<semaphore_mem>>)
    %scan3A = arith.constant 0 : i32
    %scan3A_20 = arith.constant 0 : i32
    %scan3A_21 = arith.constant 19 : i32
    %scan3A_22 = arith.addi %scan3A_20, %scan3A_21 : i32
    %scan3A_23 = arith.constant 1 : i32
    scf.for %scan3A_53 = %scan3A_20 to %scan3A_22 step %scan3A_23  : i32 {
      %mul3A_54 = arith.constant 2 : i32
      %mul3A_55 = arith.muli %mul3A_54, %scan3A_53 : i32
      %mul3A_56 = arith.constant 128 : i32
      %mul3A_57 = arith.muli %mul3A_55, %mul3A_56 : i32
      %dma_wait3A_58 = tpu.memref_slice %arg7[%mul3A_57] : memref<5120xi32, #tpu.memory_space<vmem>> -> memref<128xi32, #tpu.memory_space<vmem>>
      %dma_wait3A_59 = arith.constant 0 : i32
      %dma_wait3A_60 = arith.constant 0 : i32
      %dma_wait3A_61 = tpu.memref_slice %arg4[%dma_wait3A_59, %dma_wait3A_60] : memref<10000x128xf32, #tpu.memory_space<hbm>> -> memref<10000x128xf32, #tpu.memory_space<hbm>>
      tpu.wait_indirect_dma semaphore(%arg12 : memref<!tpu.dma_semaphore, #tpu.memory_space<semaphore_mem>>) src(%dma_wait3A_61 : memref<10000x128xf32, #tpu.memory_space<hbm>>) dst(%arg9 : memref<128x128xf32, #tpu.memory_space<vmem>>)
      %mul3A_62 = arith.constant 128 : i32
      %mul3A_63 = arith.muli %mul3A_55, %mul3A_62 : i32
      %dma_start3A_64 = tpu.memref_slice %arg8[%mul3A_63] : memref<5120xi32, #tpu.memory_space<vmem>> -> memref<128xi32, #tpu.memory_space<vmem>>
      %dma_start3A_65 = arith.constant 0 : i32
      %dma_start3A_66 = arith.constant 0 : i32
      %dma_start3A_67 = tpu.memref_slice %arg11[%dma_start3A_65, %dma_start3A_66] : memref<10240x128xf32, #tpu.memory_space<vmem_shared>> -> memref<10240x128xf32, #tpu.memory_space<vmem_shared>>
      tpu.enqueue_indirect_dma source(%arg9 : memref<128x128xf32, #tpu.memory_space<vmem>>) target(%dma_start3A_67 : memref<10240x128xf32, #tpu.memory_space<vmem_shared>>) offsets(%dma_start3A_64 : memref<128xi32, #tpu.memory_space<vmem>>) semaphore(%arg14 : memref<!tpu.dma_semaphore, #tpu.memory_space<semaphore_mem>>) {add = true}
      %gt3A = arith.constant 0 : i32
      %gt3A_68 = arith.cmpi sgt, %scan3A_53, %gt3A : i32
      %convert_element_type3A_69 = arith.extui %gt3A_68 : i1 to i32
      %cond3A_70 = arith.constant 0 : i32
      %cond3A_71 = arith.cmpi ne, %convert_element_type3A_69, %cond3A_70 : i32
      scf.if %cond3A_71 {
        %sub3A = arith.constant 1 : i32
        %sub3A_110 = arith.subi %mul3A_55, %sub3A : i32
        %mul3A_111 = arith.constant 128 : i32
        %mul3A_112 = arith.muli %sub3A_110, %mul3A_111 : i32
        %dma_wait3A_113 = tpu.memref_slice %arg8[%mul3A_112] : memref<5120xi32, #tpu.memory_space<vmem>> -> memref<128xi32, #tpu.memory_space<vmem>>
        %dma_wait3A_114 = arith.constant 0 : i32
        %dma_wait3A_115 = arith.constant 0 : i32
        %dma_wait3A_116 = tpu.memref_slice %arg11[%dma_wait3A_114, %dma_wait3A_115] : memref<10240x128xf32, #tpu.memory_space<vmem_shared>> -> memref<10240x128xf32, #tpu.memory_space<vmem_shared>>
        tpu.wait_indirect_dma semaphore(%arg15 : memref<!tpu.dma_semaphore, #tpu.memory_space<semaphore_mem>>) src(%arg10 : memref<128x128xf32, #tpu.memory_space<vmem>>) dst(%dma_wait3A_116 : memref<10240x128xf32, #tpu.memory_space<vmem_shared>>)
      } else {
      }
      %add3A_72 = arith.constant 1 : i32
      %add3A_73 = arith.addi %mul3A_55, %add3A_72 : i32
      %mul3A_74 = arith.constant 128 : i32
      %mul3A_75 = arith.muli %add3A_73, %mul3A_74 : i32
      %dma_start3A_76 = tpu.memref_slice %arg7[%mul3A_75] : memref<5120xi32, #tpu.memory_space<vmem>> -> memref<128xi32, #tpu.memory_space<vmem>>
      %dma_start3A_77 = arith.constant 0 : i32
      %dma_start3A_78 = arith.constant 0 : i32
      %dma_start3A_79 = tpu.memref_slice %arg4[%dma_start3A_77, %dma_start3A_78] : memref<10000x128xf32, #tpu.memory_space<hbm>> -> memref<10000x128xf32, #tpu.memory_space<hbm>>
      tpu.enqueue_indirect_dma source(%dma_start3A_79 : memref<10000x128xf32, #tpu.memory_space<hbm>>) target(%arg10 : memref<128x128xf32, #tpu.memory_space<vmem>>) offsets(%dma_start3A_76 : memref<128xi32, #tpu.memory_space<vmem>>) semaphore(%arg13 : memref<!tpu.dma_semaphore, #tpu.memory_space<semaphore_mem>>)
      %add3A_80 = arith.constant 1 : i32
      %add3A_81 = arith.addi %mul3A_55, %add3A_80 : i32
      %mul3A_82 = arith.constant 128 : i32
      %mul3A_83 = arith.muli %add3A_81, %mul3A_82 : i32
      %dma_wait3A_84 = tpu.memref_slice %arg7[%mul3A_83] : memref<5120xi32, #tpu.memory_space<vmem>> -> memref<128xi32, #tpu.memory_space<vmem>>
      %dma_wait3A_85 = arith.constant 0 : i32
      %dma_wait3A_86 = arith.constant 0 : i32
      %dma_wait3A_87 = tpu.memref_slice %arg4[%dma_wait3A_85, %dma_wait3A_86] : memref<10000x128xf32, #tpu.memory_space<hbm>> -> memref<10000x128xf32, #tpu.memory_space<hbm>>
      tpu.wait_indirect_dma semaphore(%arg13 : memref<!tpu.dma_semaphore, #tpu.memory_space<semaphore_mem>>) src(%dma_wait3A_87 : memref<10000x128xf32, #tpu.memory_space<hbm>>) dst(%arg10 : memref<128x128xf32, #tpu.memory_space<vmem>>)
      %add3A_88 = arith.constant 1 : i32
      %add3A_89 = arith.addi %mul3A_55, %add3A_88 : i32
      %mul3A_90 = arith.constant 128 : i32
      %mul3A_91 = arith.muli %add3A_89, %mul3A_90 : i32
      %dma_start3A_92 = tpu.memref_slice %arg8[%mul3A_91] : memref<5120xi32, #tpu.memory_space<vmem>> -> memref<128xi32, #tpu.memory_space<vmem>>
      %dma_start3A_93 = arith.constant 0 : i32
      %dma_start3A_94 = arith.constant 0 : i32
      %dma_start3A_95 = tpu.memref_slice %arg11[%dma_start3A_93, %dma_start3A_94] : memref<10240x128xf32, #tpu.memory_space<vmem_shared>> -> memref<10240x128xf32, #tpu.memory_space<vmem_shared>>
      tpu.enqueue_indirect_dma source(%arg10 : memref<128x128xf32, #tpu.memory_space<vmem>>) target(%dma_start3A_95 : memref<10240x128xf32, #tpu.memory_space<vmem_shared>>) offsets(%dma_start3A_92 : memref<128xi32, #tpu.memory_space<vmem>>) semaphore(%arg15 : memref<!tpu.dma_semaphore, #tpu.memory_space<semaphore_mem>>) {add = true}
      %mul3A_96 = arith.constant 128 : i32
      %mul3A_97 = arith.muli %mul3A_55, %mul3A_96 : i32
      %dma_wait3A_98 = tpu.memref_slice %arg8[%mul3A_97] : memref<5120xi32, #tpu.memory_space<vmem>> -> memref<128xi32, #tpu.memory_space<vmem>>
      %dma_wait3A_99 = arith.constant 0 : i32
      %dma_wait3A_100 = arith.constant 0 : i32
      %dma_wait3A_101 = tpu.memref_slice %arg11[%dma_wait3A_99, %dma_wait3A_100] : memref<10240x128xf32, #tpu.memory_space<vmem_shared>> -> memref<10240x128xf32, #tpu.memory_space<vmem_shared>>
      tpu.wait_indirect_dma semaphore(%arg14 : memref<!tpu.dma_semaphore, #tpu.memory_space<semaphore_mem>>) src(%arg9 : memref<128x128xf32, #tpu.memory_space<vmem>>) dst(%dma_wait3A_101 : memref<10240x128xf32, #tpu.memory_space<vmem_shared>>)
      %add3A_102 = arith.constant 2 : i32
      %add3A_103 = arith.addi %mul3A_55, %add3A_102 : i32
      %mul3A_104 = arith.constant 128 : i32
      %mul3A_105 = arith.muli %add3A_103, %mul3A_104 : i32
      %dma_start3A_106 = tpu.memref_slice %arg7[%mul3A_105] : memref<5120xi32, #tpu.memory_space<vmem>> -> memref<128xi32, #tpu.memory_space<vmem>>
      %dma_start3A_107 = arith.constant 0 : i32
      %dma_start3A_108 = arith.constant 0 : i32
      %dma_start3A_109 = tpu.memref_slice %arg4[%dma_start3A_107, %dma_start3A_108] : memref<10000x128xf32, #tpu.memory_space<hbm>> -> memref<10000x128xf32, #tpu.memory_space<hbm>>
      tpu.enqueue_indirect_dma source(%dma_start3A_109 : memref<10000x128xf32, #tpu.memory_space<hbm>>) target(%arg9 : memref<128x128xf32, #tpu.memory_space<vmem>>) offsets(%dma_start3A_106 : memref<128xi32, #tpu.memory_space<vmem>>) semaphore(%arg12 : memref<!tpu.dma_semaphore, #tpu.memory_space<semaphore_mem>>)
    }
    %scan3A_24 = arith.constant 19 : i32
    %dma_wait3A = arith.constant 4864 : i32
    %dma_wait3A_25 = tpu.memref_slice %arg7[%dma_wait3A] : memref<5120xi32, #tpu.memory_space<vmem>> -> memref<128xi32, #tpu.memory_space<vmem>>
    %dma_wait3A_26 = arith.constant 0 : i32
    %dma_wait3A_27 = arith.constant 0 : i32
    %dma_wait3A_28 = tpu.memref_slice %arg4[%dma_wait3A_26, %dma_wait3A_27] : memref<10000x128xf32, #tpu.memory_space<hbm>> -> memref<10000x128xf32, #tpu.memory_space<hbm>>
    tpu.wait_indirect_dma semaphore(%arg12 : memref<!tpu.dma_semaphore, #tpu.memory_space<semaphore_mem>>) src(%dma_wait3A_28 : memref<10000x128xf32, #tpu.memory_space<hbm>>) dst(%arg9 : memref<128x128xf32, #tpu.memory_space<vmem>>)
    %dma_start3A_29 = arith.constant 4864 : i32
    %dma_start3A_30 = tpu.memref_slice %arg8[%dma_start3A_29] : memref<5120xi32, #tpu.memory_space<vmem>> -> memref<128xi32, #tpu.memory_space<vmem>>
    %dma_start3A_31 = arith.constant 0 : i32
    %dma_start3A_32 = arith.constant 0 : i32
    %dma_start3A_33 = tpu.memref_slice %arg11[%dma_start3A_31, %dma_start3A_32] : memref<10240x128xf32, #tpu.memory_space<vmem_shared>> -> memref<10240x128xf32, #tpu.memory_space<vmem_shared>>
    tpu.enqueue_indirect_dma source(%arg9 : memref<128x128xf32, #tpu.memory_space<vmem>>) target(%dma_start3A_33 : memref<10240x128xf32, #tpu.memory_space<vmem_shared>>) offsets(%dma_start3A_30 : memref<128xi32, #tpu.memory_space<vmem>>) semaphore(%arg14 : memref<!tpu.dma_semaphore, #tpu.memory_space<semaphore_mem>>) {add = true}
    %dma_wait3A_34 = arith.constant 4736 : i32
    %dma_wait3A_35 = tpu.memref_slice %arg8[%dma_wait3A_34] : memref<5120xi32, #tpu.memory_space<vmem>> -> memref<128xi32, #tpu.memory_space<vmem>>
    %dma_wait3A_36 = arith.constant 0 : i32
    %dma_wait3A_37 = arith.constant 0 : i32
    %dma_wait3A_38 = tpu.memref_slice %arg11[%dma_wait3A_36, %dma_wait3A_37] : memref<10240x128xf32, #tpu.memory_space<vmem_shared>> -> memref<10240x128xf32, #tpu.memory_space<vmem_shared>>
    tpu.wait_indirect_dma semaphore(%arg15 : memref<!tpu.dma_semaphore, #tpu.memory_space<semaphore_mem>>) src(%arg10 : memref<128x128xf32, #tpu.memory_space<vmem>>) dst(%dma_wait3A_38 : memref<10240x128xf32, #tpu.memory_space<vmem_shared>>)
    %lt3A_39 = arith.constant 2 : i32
    %lt3A_40 = arith.cmpi slt, %add3A, %lt3A_39 : i32
    %convert_element_type3A_41 = arith.extui %lt3A_40 : i1 to i32
    %cond3A_42 = arith.constant 0 : i32
    %cond3A_43 = arith.cmpi ne, %convert_element_type3A_41, %cond3A_42 : i32
    scf.if %cond3A_43 {
      %dma_start3A_53 = arith.constant 4992 : i32
      %dma_start3A_54 = tpu.memref_slice %arg7[%dma_start3A_53] : memref<5120xi32, #tpu.memory_space<vmem>> -> memref<128xi32, #tpu.memory_space<vmem>>
      %dma_start3A_55 = arith.constant 0 : i32
      %dma_start3A_56 = arith.constant 0 : i32
      %dma_start3A_57 = tpu.memref_slice %arg4[%dma_start3A_55, %dma_start3A_56] : memref<10000x128xf32, #tpu.memory_space<hbm>> -> memref<10000x128xf32, #tpu.memory_space<hbm>>
      tpu.enqueue_indirect_dma source(%dma_start3A_57 : memref<10000x128xf32, #tpu.memory_space<hbm>>) target(%arg10 : memref<128x128xf32, #tpu.memory_space<vmem>>) offsets(%dma_start3A_54 : memref<128xi32, #tpu.memory_space<vmem>>) semaphore(%arg13 : memref<!tpu.dma_semaphore, #tpu.memory_space<semaphore_mem>>)
      %dma_wait3A_58 = arith.constant 4992 : i32
      %dma_wait3A_59 = tpu.memref_slice %arg7[%dma_wait3A_58] : memref<5120xi32, #tpu.memory_space<vmem>> -> memref<128xi32, #tpu.memory_space<vmem>>
      %dma_wait3A_60 = arith.constant 0 : i32
      %dma_wait3A_61 = arith.constant 0 : i32
      %dma_wait3A_62 = tpu.memref_slice %arg4[%dma_wait3A_60, %dma_wait3A_61] : memref<10000x128xf32, #tpu.memory_space<hbm>> -> memref<10000x128xf32, #tpu.memory_space<hbm>>
      tpu.wait_indirect_dma semaphore(%arg13 : memref<!tpu.dma_semaphore, #tpu.memory_space<semaphore_mem>>) src(%dma_wait3A_62 : memref<10000x128xf32, #tpu.memory_space<hbm>>) dst(%arg10 : memref<128x128xf32, #tpu.memory_space<vmem>>)
      %dma_start3A_63 = arith.constant 4992 : i32
      %dma_start3A_64 = tpu.memref_slice %arg8[%dma_start3A_63] : memref<5120xi32, #tpu.memory_space<vmem>> -> memref<128xi32, #tpu.memory_space<vmem>>
      %dma_start3A_65 = arith.constant 0 : i32
      %dma_start3A_66 = arith.constant 0 : i32
      %dma_start3A_67 = tpu.memref_slice %arg11[%dma_start3A_65, %dma_start3A_66] : memref<10240x128xf32, #tpu.memory_space<vmem_shared>> -> memref<10240x128xf32, #tpu.memory_space<vmem_shared>>
      tpu.enqueue_indirect_dma source(%arg10 : memref<128x128xf32, #tpu.memory_space<vmem>>) target(%dma_start3A_67 : memref<10240x128xf32, #tpu.memory_space<vmem_shared>>) offsets(%dma_start3A_64 : memref<128xi32, #tpu.memory_space<vmem>>) semaphore(%arg15 : memref<!tpu.dma_semaphore, #tpu.memory_space<semaphore_mem>>) {add = true}
      %dma_wait3A_68 = arith.constant 4992 : i32
      %dma_wait3A_69 = tpu.memref_slice %arg8[%dma_wait3A_68] : memref<5120xi32, #tpu.memory_space<vmem>> -> memref<128xi32, #tpu.memory_space<vmem>>
      %dma_wait3A_70 = arith.constant 0 : i32
      %dma_wait3A_71 = arith.constant 0 : i32
      %dma_wait3A_72 = tpu.memref_slice %arg11[%dma_wait3A_70, %dma_wait3A_71] : memref<10240x128xf32, #tpu.memory_space<vmem_shared>> -> memref<10240x128xf32, #tpu.memory_space<vmem_shared>>
      tpu.wait_indirect_dma semaphore(%arg15 : memref<!tpu.dma_semaphore, #tpu.memory_space<semaphore_mem>>) src(%arg10 : memref<128x128xf32, #tpu.memory_space<vmem>>) dst(%dma_wait3A_72 : memref<10240x128xf32, #tpu.memory_space<vmem_shared>>)
    } else {
    }
    %dma_wait3A_44 = arith.constant 4864 : i32
    %dma_wait3A_45 = tpu.memref_slice %arg8[%dma_wait3A_44] : memref<5120xi32, #tpu.memory_space<vmem>> -> memref<128xi32, #tpu.memory_space<vmem>>
    %dma_wait3A_46 = arith.constant 0 : i32
    %dma_wait3A_47 = arith.constant 0 : i32
    %dma_wait3A_48 = tpu.memref_slice %arg11[%dma_wait3A_46, %dma_wait3A_47] : memref<10240x128xf32, #tpu.memory_space<vmem_shared>> -> memref<10240x128xf32, #tpu.memory_space<vmem_shared>>
    tpu.wait_indirect_dma semaphore(%arg14 : memref<!tpu.dma_semaphore, #tpu.memory_space<semaphore_mem>>) src(%arg9 : memref<128x128xf32, #tpu.memory_space<vmem>>) dst(%dma_wait3A_48 : memref<10240x128xf32, #tpu.memory_space<vmem_shared>>)
    %barrier3A_49 = arith.constant 0 : index
    tpu.barrier barrier_id(%barrier3A_49)
    %mul3A_50 = arith.constant 640 : i32
    %mul3A_51 = arith.muli %arg1, %mul3A_50 : i32
    %multiple_of3A_52 = tpu.assume_multiple %mul3A_51, 640 : i32
    "tpu.region"() ({
      %run_scoped3A = tpu.sem_alloc : memref<!tpu.dma_semaphore, #tpu.memory_space<semaphore_mem>>
      %dma_start3A_53 = arith.constant 0 : i32
      %dma_start3A_54 = tpu.memref_slice %arg6[%arg0, %multiple_of3A_52, %dma_start3A_53] : memref<2x10240x128xf32, #tpu.memory_space<hbm>> -> memref<1x640x128xf32, #tpu.memory_space<hbm>>
      %dma_start3A_55 = tpu.memref_squeeze %dma_start3A_54 : memref<1x640x128xf32, #tpu.memory_space<hbm>> -> memref<640x128xf32, #tpu.memory_space<hbm>>
      %dma_start3A_56 = arith.constant 0 : i32
      %dma_start3A_57 = tpu.memref_slice %arg11[%multiple_of3A_52, %dma_start3A_56] : memref<10240x128xf32, #tpu.memory_space<vmem_shared>> -> memref<640x128xf32, #tpu.memory_space<vmem_shared>>
      tpu.enqueue_dma source(%dma_start3A_57 : memref<640x128xf32, #tpu.memory_space<vmem_shared>>) target(%dma_start3A_55 : memref<640x128xf32, #tpu.memory_space<hbm>>) target_semaphore(%run_scoped3A : memref<!tpu.dma_semaphore, #tpu.memory_space<semaphore_mem>>)
      %dma_wait3A_58 = arith.constant 0 : i32
      %dma_wait3A_59 = tpu.memref_slice %arg6[%arg0, %multiple_of3A_52, %dma_wait3A_58] : memref<2x10240x128xf32, #tpu.memory_space<hbm>> -> memref<1x640x128xf32, #tpu.memory_space<hbm>>
      %dma_wait3A_60 = tpu.memref_squeeze %dma_wait3A_59 : memref<1x640x128xf32, #tpu.memory_space<hbm>> -> memref<640x128xf32, #tpu.memory_space<hbm>>
      %dma_wait3A_61 = arith.constant 0 : i32
      %dma_wait3A_62 = tpu.memref_slice %arg11[%multiple_of3A_52, %dma_wait3A_61] : memref<10240x128xf32, #tpu.memory_space<vmem_shared>> -> memref<640x128xf32, #tpu.memory_space<vmem_shared>>
      tpu.wait_dma2 semaphore(%run_scoped3A : memref<!tpu.dma_semaphore, #tpu.memory_space<semaphore_mem>>) src(%dma_wait3A_62 : memref<640x128xf32, #tpu.memory_space<vmem_shared>>) dst(%dma_wait3A_60 : memref<640x128xf32, #tpu.memory_space<hbm>>)
      tpu.yield
    }) : () -> ()
    return
  }
}

#map = affine_map<(d0, d1) -> (0)>
#map1 = affine_map<(d0, d1) -> (0, 0)>
#map2 = affine_map<(d0, d1) -> (0, 0, 0)>
module attributes {stable_mosaic.version = 14 : i64} {
  func.func @gcn_edge_prop(%arg0: i32, %arg1: i32, %arg2: memref<160000xi32, #tpu.memory_space<hbm>>, %arg3: memref<160000xi32, #tpu.memory_space<hbm>>, %arg4: memref<10000x128xf32, #tpu.memory_space<hbm>>, %arg5: memref<10240x128xf32, #tpu.memory_space<hbm>>, %arg6: memref<2x10240x128xf32, #tpu.memory_space<hbm>>, %arg7: memref<5120xi32, #tpu.memory_space<vmem>>, %arg8: memref<5120xi32, #tpu.memory_space<vmem>>, %arg9: memref<128x128xf32, #tpu.memory_space<vmem>>, %arg10: memref<128x128xf32, #tpu.memory_space<vmem>>, %arg11: memref<10240x128xf32, #tpu.memory_space<vmem_shared>>, %arg12: memref<!tpu.dma_semaphore, #tpu.memory_space<semaphore_mem>>, %arg13: memref<!tpu.dma_semaphore, #tpu.memory_space<semaphore_mem>>, %arg14: memref<!tpu.dma_semaphore, #tpu.memory_space<semaphore_mem>>, %arg15: memref<!tpu.dma_semaphore, #tpu.memory_space<semaphore_mem>>) attributes {dimension_semantics = [#tpu.dimension_semantics<core_parallel>, #tpu.dimension_semantics<subcore_parallel>], iteration_bounds = array<i64: 2, 16>, scalar_prefetch = 0 : i64, scratch_operands = 9 : i64, tpu.core_type = #tpu.core_type<sc_vector_subcore>, window_params = [{transform_indices = #map}, {transform_indices = #map}, {transform_indices = #map1}, {transform_indices = #map1}, {transform_indices = #map2}]} {
    %mul3A = arith.constant 16 : i32
    %mul3A_0 = arith.muli %arg0, %mul3A : i32
    %add3A = arith.addi %mul3A_0, %arg1 : i32
    %mul3A_1 = arith.constant 640 : i32
    %mul3A_2 = arith.muli %arg1, %mul3A_1 : i32
    %multiple_of3A = tpu.assume_multiple %mul3A_2, 640 : i32
    "tpu.region"() ({
      %run_scoped3A = tpu.sem_alloc : memref<!tpu.dma_semaphore, #tpu.memory_space<semaphore_mem>>
      %dma_start3A_53 = arith.constant 0 : i32
      %dma_start3A_54 = tpu.memref_slice %arg11[%multiple_of3A, %dma_start3A_53] : memref<10240x128xf32, #tpu.memory_space<vmem_shared>> -> memref<640x128xf32, #tpu.memory_space<vmem_shared>>
      %dma_start3A_55 = arith.constant 0 : i32
      %dma_start3A_56 = tpu.memref_slice %arg5[%multiple_of3A, %dma_start3A_55] : memref<10240x128xf32, #tpu.memory_space<hbm>> -> memref<640x128xf32, #tpu.memory_space<hbm>>
      tpu.enqueue_dma source(%dma_start3A_56 : memref<640x128xf32, #tpu.memory_space<hbm>>) target(%dma_start3A_54 : memref<640x128xf32, #tpu.memory_space<vmem_shared>>) target_semaphore(%run_scoped3A : memref<!tpu.dma_semaphore, #tpu.memory_space<semaphore_mem>>)
      %dma_wait3A_57 = arith.constant 0 : i32
      %dma_wait3A_58 = tpu.memref_slice %arg11[%multiple_of3A, %dma_wait3A_57] : memref<10240x128xf32, #tpu.memory_space<vmem_shared>> -> memref<640x128xf32, #tpu.memory_space<vmem_shared>>
      %dma_wait3A_59 = arith.constant 0 : i32
      %dma_wait3A_60 = tpu.memref_slice %arg5[%multiple_of3A, %dma_wait3A_59] : memref<10240x128xf32, #tpu.memory_space<hbm>> -> memref<640x128xf32, #tpu.memory_space<hbm>>
      tpu.wait_dma2 semaphore(%run_scoped3A : memref<!tpu.dma_semaphore, #tpu.memory_space<semaphore_mem>>) src(%dma_wait3A_60 : memref<640x128xf32, #tpu.memory_space<hbm>>) dst(%dma_wait3A_58 : memref<640x128xf32, #tpu.memory_space<vmem_shared>>)
      tpu.yield
    }) : () -> ()
    %barrier3A = arith.constant 0 : index
    tpu.barrier barrier_id(%barrier3A)
    %mul3A_3 = arith.constant 4992 : i32
    %mul3A_4 = arith.muli %add3A, %mul3A_3 : i32
    %multiple_of3A_5 = tpu.assume_multiple %mul3A_4, 128 : i32
    "tpu.region"() ({
      %run_scoped3A = tpu.sem_alloc : memref<!tpu.dma_semaphore, #tpu.memory_space<semaphore_mem>>
      %dma_start3A_53 = arith.constant 0 : i32
      %dma_start3A_54 = tpu.memref_slice %arg7[%dma_start3A_53] : memref<5120xi32, #tpu.memory_space<vmem>> -> memref<4992xi32, #tpu.memory_space<vmem>>
      %dma_start3A_55 = tpu.memref_slice %arg2[%multiple_of3A_5] : memref<160000xi32, #tpu.memory_space<hbm>> -> memref<4992xi32, #tpu.memory_space<hbm>>
      %dma_start3A_56 = arith.constant 0 : i32
      %dma_start3A_57 = tpu.memref_slice %arg7[%dma_start3A_56] : memref<5120xi32, #tpu.memory_space<vmem>> -> memref<4992xi32, #tpu.memory_space<vmem>>
      %dma_start3A_58 = tpu.memref_slice %arg2[%multiple_of3A_5] : memref<160000xi32, #tpu.memory_space<hbm>> -> memref<4992xi32, #tpu.memory_space<hbm>>
      tpu.enqueue_dma source(%dma_start3A_58 : memref<4992xi32, #tpu.memory_space<hbm>>) target(%dma_start3A_57 : memref<4992xi32, #tpu.memory_space<vmem>>) target_semaphore(%run_scoped3A : memref<!tpu.dma_semaphore, #tpu.memory_space<semaphore_mem>>)
      %dma_wait3A_59 = arith.constant 0 : i32
      %dma_wait3A_60 = tpu.memref_slice %arg7[%dma_wait3A_59] : memref<5120xi32, #tpu.memory_space<vmem>> -> memref<4992xi32, #tpu.memory_space<vmem>>
      %dma_wait3A_61 = tpu.memref_slice %arg2[%multiple_of3A_5] : memref<160000xi32, #tpu.memory_space<hbm>> -> memref<4992xi32, #tpu.memory_space<hbm>>
      %dma_wait3A_62 = arith.constant 0 : i32
      %dma_wait3A_63 = tpu.memref_slice %arg7[%dma_wait3A_62] : memref<5120xi32, #tpu.memory_space<vmem>> -> memref<4992xi32, #tpu.memory_space<vmem>>
      %dma_wait3A_64 = tpu.memref_slice %arg2[%multiple_of3A_5] : memref<160000xi32, #tpu.memory_space<hbm>> -> memref<4992xi32, #tpu.memory_space<hbm>>
      tpu.wait_dma2 semaphore(%run_scoped3A : memref<!tpu.dma_semaphore, #tpu.memory_space<semaphore_mem>>) src(%dma_wait3A_64 : memref<4992xi32, #tpu.memory_space<hbm>>) dst(%dma_wait3A_63 : memref<4992xi32, #tpu.memory_space<vmem>>)
      tpu.yield
    }) : () -> ()
    %lt3A = arith.constant 2 : i32
    %lt3A_6 = arith.cmpi slt, %add3A, %lt3A : i32
    %convert_element_type3A = arith.extui %lt3A_6 : i1 to i32
    %cond3A = arith.constant 0 : i32
    %cond3A_7 = arith.cmpi ne, %convert_element_type3A, %cond3A : i32
    scf.if %cond3A_7 {
      %multiple_of3A_53 = arith.constant 159744 : i32
      %multiple_of3A_54 = tpu.assume_multiple %multiple_of3A_53, 128 : i32
      %mul3A_55 = arith.constant 128 : i32
      %mul3A_56 = arith.muli %add3A, %mul3A_55 : i32
      %add3A_57 = arith.addi %multiple_of3A_54, %mul3A_56 : i32
      "tpu.region"() ({
        %run_scoped3A = tpu.sem_alloc : memref<!tpu.dma_semaphore, #tpu.memory_space<semaphore_mem>>
        %dma_start3A_58 = arith.constant 4992 : i32
        %dma_start3A_59 = tpu.memref_slice %arg7[%dma_start3A_58] : memref<5120xi32, #tpu.memory_space<vmem>> -> memref<128xi32, #tpu.memory_space<vmem>>
        %dma_start3A_60 = tpu.memref_slice %arg2[%add3A_57] : memref<160000xi32, #tpu.memory_space<hbm>> -> memref<128xi32, #tpu.memory_space<hbm>>
        %dma_start3A_61 = arith.constant 4992 : i32
        %dma_start3A_62 = tpu.memref_slice %arg7[%dma_start3A_61] : memref<5120xi32, #tpu.memory_space<vmem>> -> memref<128xi32, #tpu.memory_space<vmem>>
        %dma_start3A_63 = tpu.memref_slice %arg2[%add3A_57] : memref<160000xi32, #tpu.memory_space<hbm>> -> memref<128xi32, #tpu.memory_space<hbm>>
        tpu.enqueue_dma source(%dma_start3A_63 : memref<128xi32, #tpu.memory_space<hbm>>) target(%dma_start3A_62 : memref<128xi32, #tpu.memory_space<vmem>>) target_semaphore(%run_scoped3A : memref<!tpu.dma_semaphore, #tpu.memory_space<semaphore_mem>>)
        %dma_wait3A_64 = arith.constant 4992 : i32
        %dma_wait3A_65 = tpu.memref_slice %arg7[%dma_wait3A_64] : memref<5120xi32, #tpu.memory_space<vmem>> -> memref<128xi32, #tpu.memory_space<vmem>>
        %dma_wait3A_66 = tpu.memref_slice %arg2[%add3A_57] : memref<160000xi32, #tpu.memory_space<hbm>> -> memref<128xi32, #tpu.memory_space<hbm>>
        %dma_wait3A_67 = arith.constant 4992 : i32
        %dma_wait3A_68 = tpu.memref_slice %arg7[%dma_wait3A_67] : memref<5120xi32, #tpu.memory_space<vmem>> -> memref<128xi32, #tpu.memory_space<vmem>>
        %dma_wait3A_69 = tpu.memref_slice %arg2[%add3A_57] : memref<160000xi32, #tpu.memory_space<hbm>> -> memref<128xi32, #tpu.memory_space<hbm>>
        tpu.wait_dma2 semaphore(%run_scoped3A : memref<!tpu.dma_semaphore, #tpu.memory_space<semaphore_mem>>) src(%dma_wait3A_69 : memref<128xi32, #tpu.memory_space<hbm>>) dst(%dma_wait3A_68 : memref<128xi32, #tpu.memory_space<vmem>>)
        tpu.yield
      }) : () -> ()
    } else {
    }
    %mul3A_8 = arith.constant 4992 : i32
    %mul3A_9 = arith.muli %add3A, %mul3A_8 : i32
    %multiple_of3A_10 = tpu.assume_multiple %mul3A_9, 128 : i32
    "tpu.region"() ({
      %run_scoped3A = tpu.sem_alloc : memref<!tpu.dma_semaphore, #tpu.memory_space<semaphore_mem>>
      %dma_start3A_53 = arith.constant 0 : i32
      %dma_start3A_54 = tpu.memref_slice %arg8[%dma_start3A_53] : memref<5120xi32, #tpu.memory_space<vmem>> -> memref<4992xi32, #tpu.memory_space<vmem>>
      %dma_start3A_55 = tpu.memref_slice %arg3[%multiple_of3A_10] : memref<160000xi32, #tpu.memory_space<hbm>> -> memref<4992xi32, #tpu.memory_space<hbm>>
      %dma_start3A_56 = arith.constant 0 : i32
      %dma_start3A_57 = tpu.memref_slice %arg8[%dma_start3A_56] : memref<5120xi32, #tpu.memory_space<vmem>> -> memref<4992xi32, #tpu.memory_space<vmem>>
      %dma_start3A_58 = tpu.memref_slice %arg3[%multiple_of3A_10] : memref<160000xi32, #tpu.memory_space<hbm>> -> memref<4992xi32, #tpu.memory_space<hbm>>
      tpu.enqueue_dma source(%dma_start3A_58 : memref<4992xi32, #tpu.memory_space<hbm>>) target(%dma_start3A_57 : memref<4992xi32, #tpu.memory_space<vmem>>) target_semaphore(%run_scoped3A : memref<!tpu.dma_semaphore, #tpu.memory_space<semaphore_mem>>)
      %dma_wait3A_59 = arith.constant 0 : i32
      %dma_wait3A_60 = tpu.memref_slice %arg8[%dma_wait3A_59] : memref<5120xi32, #tpu.memory_space<vmem>> -> memref<4992xi32, #tpu.memory_space<vmem>>
      %dma_wait3A_61 = tpu.memref_slice %arg3[%multiple_of3A_10] : memref<160000xi32, #tpu.memory_space<hbm>> -> memref<4992xi32, #tpu.memory_space<hbm>>
      %dma_wait3A_62 = arith.constant 0 : i32
      %dma_wait3A_63 = tpu.memref_slice %arg8[%dma_wait3A_62] : memref<5120xi32, #tpu.memory_space<vmem>> -> memref<4992xi32, #tpu.memory_space<vmem>>
      %dma_wait3A_64 = tpu.memref_slice %arg3[%multiple_of3A_10] : memref<160000xi32, #tpu.memory_space<hbm>> -> memref<4992xi32, #tpu.memory_space<hbm>>
      tpu.wait_dma2 semaphore(%run_scoped3A : memref<!tpu.dma_semaphore, #tpu.memory_space<semaphore_mem>>) src(%dma_wait3A_64 : memref<4992xi32, #tpu.memory_space<hbm>>) dst(%dma_wait3A_63 : memref<4992xi32, #tpu.memory_space<vmem>>)
      tpu.yield
    }) : () -> ()
    %lt3A_11 = arith.constant 2 : i32
    %lt3A_12 = arith.cmpi slt, %add3A, %lt3A_11 : i32
    %convert_element_type3A_13 = arith.extui %lt3A_12 : i1 to i32
    %cond3A_14 = arith.constant 0 : i32
    %cond3A_15 = arith.cmpi ne, %convert_element_type3A_13, %cond3A_14 : i32
    scf.if %cond3A_15 {
      %multiple_of3A_53 = arith.constant 159744 : i32
      %multiple_of3A_54 = tpu.assume_multiple %multiple_of3A_53, 128 : i32
      %mul3A_55 = arith.constant 128 : i32
      %mul3A_56 = arith.muli %add3A, %mul3A_55 : i32
      %add3A_57 = arith.addi %multiple_of3A_54, %mul3A_56 : i32
      "tpu.region"() ({
        %run_scoped3A = tpu.sem_alloc : memref<!tpu.dma_semaphore, #tpu.memory_space<semaphore_mem>>
        %dma_start3A_58 = arith.constant 4992 : i32
        %dma_start3A_59 = tpu.memref_slice %arg8[%dma_start3A_58] : memref<5120xi32, #tpu.memory_space<vmem>> -> memref<128xi32, #tpu.memory_space<vmem>>
        %dma_start3A_60 = tpu.memref_slice %arg3[%add3A_57] : memref<160000xi32, #tpu.memory_space<hbm>> -> memref<128xi32, #tpu.memory_space<hbm>>
        %dma_start3A_61 = arith.constant 4992 : i32
        %dma_start3A_62 = tpu.memref_slice %arg8[%dma_start3A_61] : memref<5120xi32, #tpu.memory_space<vmem>> -> memref<128xi32, #tpu.memory_space<vmem>>
        %dma_start3A_63 = tpu.memref_slice %arg3[%add3A_57] : memref<160000xi32, #tpu.memory_space<hbm>> -> memref<128xi32, #tpu.memory_space<hbm>>
        tpu.enqueue_dma source(%dma_start3A_63 : memref<128xi32, #tpu.memory_space<hbm>>) target(%dma_start3A_62 : memref<128xi32, #tpu.memory_space<vmem>>) target_semaphore(%run_scoped3A : memref<!tpu.dma_semaphore, #tpu.memory_space<semaphore_mem>>)
        %dma_wait3A_64 = arith.constant 4992 : i32
        %dma_wait3A_65 = tpu.memref_slice %arg8[%dma_wait3A_64] : memref<5120xi32, #tpu.memory_space<vmem>> -> memref<128xi32, #tpu.memory_space<vmem>>
        %dma_wait3A_66 = tpu.memref_slice %arg3[%add3A_57] : memref<160000xi32, #tpu.memory_space<hbm>> -> memref<128xi32, #tpu.memory_space<hbm>>
        %dma_wait3A_67 = arith.constant 4992 : i32
        %dma_wait3A_68 = tpu.memref_slice %arg8[%dma_wait3A_67] : memref<5120xi32, #tpu.memory_space<vmem>> -> memref<128xi32, #tpu.memory_space<vmem>>
        %dma_wait3A_69 = tpu.memref_slice %arg3[%add3A_57] : memref<160000xi32, #tpu.memory_space<hbm>> -> memref<128xi32, #tpu.memory_space<hbm>>
        tpu.wait_dma2 semaphore(%run_scoped3A : memref<!tpu.dma_semaphore, #tpu.memory_space<semaphore_mem>>) src(%dma_wait3A_69 : memref<128xi32, #tpu.memory_space<hbm>>) dst(%dma_wait3A_68 : memref<128xi32, #tpu.memory_space<vmem>>)
        tpu.yield
      }) : () -> ()
    } else {
    }
    %dma_start3A = arith.constant 0 : i32
    %dma_start3A_16 = tpu.memref_slice %arg7[%dma_start3A] : memref<5120xi32, #tpu.memory_space<vmem>> -> memref<128xi32, #tpu.memory_space<vmem>>
    %dma_start3A_17 = arith.constant 0 : i32
    %dma_start3A_18 = arith.constant 0 : i32
    %dma_start3A_19 = tpu.memref_slice %arg4[%dma_start3A_17, %dma_start3A_18] : memref<10000x128xf32, #tpu.memory_space<hbm>> -> memref<10000x128xf32, #tpu.memory_space<hbm>>
    tpu.enqueue_indirect_dma source(%dma_start3A_19 : memref<10000x128xf32, #tpu.memory_space<hbm>>) target(%arg9 : memref<128x128xf32, #tpu.memory_space<vmem>>) offsets(%dma_start3A_16 : memref<128xi32, #tpu.memory_space<vmem>>) semaphore(%arg12 : memref<!tpu.dma_semaphore, #tpu.memory_space<semaphore_mem>>)
    %scan3A = arith.constant 0 : i32
    %scan3A_20 = arith.constant 0 : i32
    %scan3A_21 = arith.constant 19 : i32
    %scan3A_22 = arith.addi %scan3A_20, %scan3A_21 : i32
    %scan3A_23 = arith.constant 1 : i32
    scf.for %scan3A_53 = %scan3A_20 to %scan3A_22 step %scan3A_23  : i32 {
      %mul3A_54 = arith.constant 2 : i32
      %mul3A_55 = arith.muli %mul3A_54, %scan3A_53 : i32
      %mul3A_56 = arith.constant 128 : i32
      %mul3A_57 = arith.muli %mul3A_55, %mul3A_56 : i32
      %dma_wait3A_58 = tpu.memref_slice %arg7[%mul3A_57] : memref<5120xi32, #tpu.memory_space<vmem>> -> memref<128xi32, #tpu.memory_space<vmem>>
      %dma_wait3A_59 = arith.constant 0 : i32
      %dma_wait3A_60 = arith.constant 0 : i32
      %dma_wait3A_61 = tpu.memref_slice %arg4[%dma_wait3A_59, %dma_wait3A_60] : memref<10000x128xf32, #tpu.memory_space<hbm>> -> memref<10000x128xf32, #tpu.memory_space<hbm>>
      tpu.wait_indirect_dma semaphore(%arg12 : memref<!tpu.dma_semaphore, #tpu.memory_space<semaphore_mem>>) src(%dma_wait3A_61 : memref<10000x128xf32, #tpu.memory_space<hbm>>) dst(%arg9 : memref<128x128xf32, #tpu.memory_space<vmem>>)
      %mul3A_62 = arith.constant 128 : i32
      %mul3A_63 = arith.muli %mul3A_55, %mul3A_62 : i32
      %dma_start3A_64 = tpu.memref_slice %arg8[%mul3A_63] : memref<5120xi32, #tpu.memory_space<vmem>> -> memref<128xi32, #tpu.memory_space<vmem>>
      %dma_start3A_65 = arith.constant 0 : i32
      %dma_start3A_66 = arith.constant 0 : i32
      %dma_start3A_67 = tpu.memref_slice %arg11[%dma_start3A_65, %dma_start3A_66] : memref<10240x128xf32, #tpu.memory_space<vmem_shared>> -> memref<10240x128xf32, #tpu.memory_space<vmem_shared>>
      tpu.enqueue_indirect_dma source(%arg9 : memref<128x128xf32, #tpu.memory_space<vmem>>) target(%dma_start3A_67 : memref<10240x128xf32, #tpu.memory_space<vmem_shared>>) offsets(%dma_start3A_64 : memref<128xi32, #tpu.memory_space<vmem>>) semaphore(%arg14 : memref<!tpu.dma_semaphore, #tpu.memory_space<semaphore_mem>>) {add = true}
      %gt3A = arith.constant 0 : i32
      %gt3A_68 = arith.cmpi sgt, %scan3A_53, %gt3A : i32
      %convert_element_type3A_69 = arith.extui %gt3A_68 : i1 to i32
      %cond3A_70 = arith.constant 0 : i32
      %cond3A_71 = arith.cmpi ne, %convert_element_type3A_69, %cond3A_70 : i32
      scf.if %cond3A_71 {
        %sub3A = arith.constant 1 : i32
        %sub3A_110 = arith.subi %mul3A_55, %sub3A : i32
        %mul3A_111 = arith.constant 128 : i32
        %mul3A_112 = arith.muli %sub3A_110, %mul3A_111 : i32
        %dma_wait3A_113 = tpu.memref_slice %arg8[%mul3A_112] : memref<5120xi32, #tpu.memory_space<vmem>> -> memref<128xi32, #tpu.memory_space<vmem>>
        %dma_wait3A_114 = arith.constant 0 : i32
        %dma_wait3A_115 = arith.constant 0 : i32
        %dma_wait3A_116 = tpu.memref_slice %arg11[%dma_wait3A_114, %dma_wait3A_115] : memref<10240x128xf32, #tpu.memory_space<vmem_shared>> -> memref<10240x128xf32, #tpu.memory_space<vmem_shared>>
        tpu.wait_indirect_dma semaphore(%arg15 : memref<!tpu.dma_semaphore, #tpu.memory_space<semaphore_mem>>) src(%arg10 : memref<128x128xf32, #tpu.memory_space<vmem>>) dst(%dma_wait3A_116 : memref<10240x128xf32, #tpu.memory_space<vmem_shared>>)
      } else {
      }
      %add3A_72 = arith.constant 1 : i32
      %add3A_73 = arith.addi %mul3A_55, %add3A_72 : i32
      %mul3A_74 = arith.constant 128 : i32
      %mul3A_75 = arith.muli %add3A_73, %mul3A_74 : i32
      %dma_start3A_76 = tpu.memref_slice %arg7[%mul3A_75] : memref<5120xi32, #tpu.memory_space<vmem>> -> memref<128xi32, #tpu.memory_space<vmem>>
      %dma_start3A_77 = arith.constant 0 : i32
      %dma_start3A_78 = arith.constant 0 : i32
      %dma_start3A_79 = tpu.memref_slice %arg4[%dma_start3A_77, %dma_start3A_78] : memref<10000x128xf32, #tpu.memory_space<hbm>> -> memref<10000x128xf32, #tpu.memory_space<hbm>>
      tpu.enqueue_indirect_dma source(%dma_start3A_79 : memref<10000x128xf32, #tpu.memory_space<hbm>>) target(%arg10 : memref<128x128xf32, #tpu.memory_space<vmem>>) offsets(%dma_start3A_76 : memref<128xi32, #tpu.memory_space<vmem>>) semaphore(%arg13 : memref<!tpu.dma_semaphore, #tpu.memory_space<semaphore_mem>>)
      %add3A_80 = arith.constant 1 : i32
      %add3A_81 = arith.addi %mul3A_55, %add3A_80 : i32
      %mul3A_82 = arith.constant 128 : i32
      %mul3A_83 = arith.muli %add3A_81, %mul3A_82 : i32
      %dma_wait3A_84 = tpu.memref_slice %arg7[%mul3A_83] : memref<5120xi32, #tpu.memory_space<vmem>> -> memref<128xi32, #tpu.memory_space<vmem>>
      %dma_wait3A_85 = arith.constant 0 : i32
      %dma_wait3A_86 = arith.constant 0 : i32
      %dma_wait3A_87 = tpu.memref_slice %arg4[%dma_wait3A_85, %dma_wait3A_86] : memref<10000x128xf32, #tpu.memory_space<hbm>> -> memref<10000x128xf32, #tpu.memory_space<hbm>>
      tpu.wait_indirect_dma semaphore(%arg13 : memref<!tpu.dma_semaphore, #tpu.memory_space<semaphore_mem>>) src(%dma_wait3A_87 : memref<10000x128xf32, #tpu.memory_space<hbm>>) dst(%arg10 : memref<128x128xf32, #tpu.memory_space<vmem>>)
      %add3A_88 = arith.constant 1 : i32
      %add3A_89 = arith.addi %mul3A_55, %add3A_88 : i32
      %mul3A_90 = arith.constant 128 : i32
      %mul3A_91 = arith.muli %add3A_89, %mul3A_90 : i32
      %dma_start3A_92 = tpu.memref_slice %arg8[%mul3A_91] : memref<5120xi32, #tpu.memory_space<vmem>> -> memref<128xi32, #tpu.memory_space<vmem>>
      %dma_start3A_93 = arith.constant 0 : i32
      %dma_start3A_94 = arith.constant 0 : i32
      %dma_start3A_95 = tpu.memref_slice %arg11[%dma_start3A_93, %dma_start3A_94] : memref<10240x128xf32, #tpu.memory_space<vmem_shared>> -> memref<10240x128xf32, #tpu.memory_space<vmem_shared>>
      tpu.enqueue_indirect_dma source(%arg10 : memref<128x128xf32, #tpu.memory_space<vmem>>) target(%dma_start3A_95 : memref<10240x128xf32, #tpu.memory_space<vmem_shared>>) offsets(%dma_start3A_92 : memref<128xi32, #tpu.memory_space<vmem>>) semaphore(%arg15 : memref<!tpu.dma_semaphore, #tpu.memory_space<semaphore_mem>>) {add = true}
      %mul3A_96 = arith.constant 128 : i32
      %mul3A_97 = arith.muli %mul3A_55, %mul3A_96 : i32
      %dma_wait3A_98 = tpu.memref_slice %arg8[%mul3A_97] : memref<5120xi32, #tpu.memory_space<vmem>> -> memref<128xi32, #tpu.memory_space<vmem>>
      %dma_wait3A_99 = arith.constant 0 : i32
      %dma_wait3A_100 = arith.constant 0 : i32
      %dma_wait3A_101 = tpu.memref_slice %arg11[%dma_wait3A_99, %dma_wait3A_100] : memref<10240x128xf32, #tpu.memory_space<vmem_shared>> -> memref<10240x128xf32, #tpu.memory_space<vmem_shared>>
      tpu.wait_indirect_dma semaphore(%arg14 : memref<!tpu.dma_semaphore, #tpu.memory_space<semaphore_mem>>) src(%arg9 : memref<128x128xf32, #tpu.memory_space<vmem>>) dst(%dma_wait3A_101 : memref<10240x128xf32, #tpu.memory_space<vmem_shared>>)
      %add3A_102 = arith.constant 2 : i32
      %add3A_103 = arith.addi %mul3A_55, %add3A_102 : i32
      %mul3A_104 = arith.constant 128 : i32
      %mul3A_105 = arith.muli %add3A_103, %mul3A_104 : i32
      %dma_start3A_106 = tpu.memref_slice %arg7[%mul3A_105] : memref<5120xi32, #tpu.memory_space<vmem>> -> memref<128xi32, #tpu.memory_space<vmem>>
      %dma_start3A_107 = arith.constant 0 : i32
      %dma_start3A_108 = arith.constant 0 : i32
      %dma_start3A_109 = tpu.memref_slice %arg4[%dma_start3A_107, %dma_start3A_108] : memref<10000x128xf32, #tpu.memory_space<hbm>> -> memref<10000x128xf32, #tpu.memory_space<hbm>>
      tpu.enqueue_indirect_dma source(%dma_start3A_109 : memref<10000x128xf32, #tpu.memory_space<hbm>>) target(%arg9 : memref<128x128xf32, #tpu.memory_space<vmem>>) offsets(%dma_start3A_106 : memref<128xi32, #tpu.memory_space<vmem>>) semaphore(%arg12 : memref<!tpu.dma_semaphore, #tpu.memory_space<semaphore_mem>>)
    }
    %scan3A_24 = arith.constant 19 : i32
    %dma_wait3A = arith.constant 4864 : i32
    %dma_wait3A_25 = tpu.memref_slice %arg7[%dma_wait3A] : memref<5120xi32, #tpu.memory_space<vmem>> -> memref<128xi32, #tpu.memory_space<vmem>>
    %dma_wait3A_26 = arith.constant 0 : i32
    %dma_wait3A_27 = arith.constant 0 : i32
    %dma_wait3A_28 = tpu.memref_slice %arg4[%dma_wait3A_26, %dma_wait3A_27] : memref<10000x128xf32, #tpu.memory_space<hbm>> -> memref<10000x128xf32, #tpu.memory_space<hbm>>
    tpu.wait_indirect_dma semaphore(%arg12 : memref<!tpu.dma_semaphore, #tpu.memory_space<semaphore_mem>>) src(%dma_wait3A_28 : memref<10000x128xf32, #tpu.memory_space<hbm>>) dst(%arg9 : memref<128x128xf32, #tpu.memory_space<vmem>>)
    %dma_start3A_29 = arith.constant 4864 : i32
    %dma_start3A_30 = tpu.memref_slice %arg8[%dma_start3A_29] : memref<5120xi32, #tpu.memory_space<vmem>> -> memref<128xi32, #tpu.memory_space<vmem>>
    %dma_start3A_31 = arith.constant 0 : i32
    %dma_start3A_32 = arith.constant 0 : i32
    %dma_start3A_33 = tpu.memref_slice %arg11[%dma_start3A_31, %dma_start3A_32] : memref<10240x128xf32, #tpu.memory_space<vmem_shared>> -> memref<10240x128xf32, #tpu.memory_space<vmem_shared>>
    tpu.enqueue_indirect_dma source(%arg9 : memref<128x128xf32, #tpu.memory_space<vmem>>) target(%dma_start3A_33 : memref<10240x128xf32, #tpu.memory_space<vmem_shared>>) offsets(%dma_start3A_30 : memref<128xi32, #tpu.memory_space<vmem>>) semaphore(%arg14 : memref<!tpu.dma_semaphore, #tpu.memory_space<semaphore_mem>>) {add = true}
    %dma_wait3A_34 = arith.constant 4736 : i32
    %dma_wait3A_35 = tpu.memref_slice %arg8[%dma_wait3A_34] : memref<5120xi32, #tpu.memory_space<vmem>> -> memref<128xi32, #tpu.memory_space<vmem>>
    %dma_wait3A_36 = arith.constant 0 : i32
    %dma_wait3A_37 = arith.constant 0 : i32
    %dma_wait3A_38 = tpu.memref_slice %arg11[%dma_wait3A_36, %dma_wait3A_37] : memref<10240x128xf32, #tpu.memory_space<vmem_shared>> -> memref<10240x128xf32, #tpu.memory_space<vmem_shared>>
    tpu.wait_indirect_dma semaphore(%arg15 : memref<!tpu.dma_semaphore, #tpu.memory_space<semaphore_mem>>) src(%arg10 : memref<128x128xf32, #tpu.memory_space<vmem>>) dst(%dma_wait3A_38 : memref<10240x128xf32, #tpu.memory_space<vmem_shared>>)
    %lt3A_39 = arith.constant 2 : i32
    %lt3A_40 = arith.cmpi slt, %add3A, %lt3A_39 : i32
    %convert_element_type3A_41 = arith.extui %lt3A_40 : i1 to i32
    %cond3A_42 = arith.constant 0 : i32
    %cond3A_43 = arith.cmpi ne, %convert_element_type3A_41, %cond3A_42 : i32
    scf.if %cond3A_43 {
      %dma_start3A_53 = arith.constant 4992 : i32
      %dma_start3A_54 = tpu.memref_slice %arg7[%dma_start3A_53] : memref<5120xi32, #tpu.memory_space<vmem>> -> memref<128xi32, #tpu.memory_space<vmem>>
      %dma_start3A_55 = arith.constant 0 : i32
      %dma_start3A_56 = arith.constant 0 : i32
      %dma_start3A_57 = tpu.memref_slice %arg4[%dma_start3A_55, %dma_start3A_56] : memref<10000x128xf32, #tpu.memory_space<hbm>> -> memref<10000x128xf32, #tpu.memory_space<hbm>>
      tpu.enqueue_indirect_dma source(%dma_start3A_57 : memref<10000x128xf32, #tpu.memory_space<hbm>>) target(%arg10 : memref<128x128xf32, #tpu.memory_space<vmem>>) offsets(%dma_start3A_54 : memref<128xi32, #tpu.memory_space<vmem>>) semaphore(%arg13 : memref<!tpu.dma_semaphore, #tpu.memory_space<semaphore_mem>>)
      %dma_wait3A_58 = arith.constant 4992 : i32
      %dma_wait3A_59 = tpu.memref_slice %arg7[%dma_wait3A_58] : memref<5120xi32, #tpu.memory_space<vmem>> -> memref<128xi32, #tpu.memory_space<vmem>>
      %dma_wait3A_60 = arith.constant 0 : i32
      %dma_wait3A_61 = arith.constant 0 : i32
      %dma_wait3A_62 = tpu.memref_slice %arg4[%dma_wait3A_60, %dma_wait3A_61] : memref<10000x128xf32, #tpu.memory_space<hbm>> -> memref<10000x128xf32, #tpu.memory_space<hbm>>
      tpu.wait_indirect_dma semaphore(%arg13 : memref<!tpu.dma_semaphore, #tpu.memory_space<semaphore_mem>>) src(%dma_wait3A_62 : memref<10000x128xf32, #tpu.memory_space<hbm>>) dst(%arg10 : memref<128x128xf32, #tpu.memory_space<vmem>>)
      %dma_start3A_63 = arith.constant 4992 : i32
      %dma_start3A_64 = tpu.memref_slice %arg8[%dma_start3A_63] : memref<5120xi32, #tpu.memory_space<vmem>> -> memref<128xi32, #tpu.memory_space<vmem>>
      %dma_start3A_65 = arith.constant 0 : i32
      %dma_start3A_66 = arith.constant 0 : i32
      %dma_start3A_67 = tpu.memref_slice %arg11[%dma_start3A_65, %dma_start3A_66] : memref<10240x128xf32, #tpu.memory_space<vmem_shared>> -> memref<10240x128xf32, #tpu.memory_space<vmem_shared>>
      tpu.enqueue_indirect_dma source(%arg10 : memref<128x128xf32, #tpu.memory_space<vmem>>) target(%dma_start3A_67 : memref<10240x128xf32, #tpu.memory_space<vmem_shared>>) offsets(%dma_start3A_64 : memref<128xi32, #tpu.memory_space<vmem>>) semaphore(%arg15 : memref<!tpu.dma_semaphore, #tpu.memory_space<semaphore_mem>>) {add = true}
      %dma_wait3A_68 = arith.constant 4992 : i32
      %dma_wait3A_69 = tpu.memref_slice %arg8[%dma_wait3A_68] : memref<5120xi32, #tpu.memory_space<vmem>> -> memref<128xi32, #tpu.memory_space<vmem>>
      %dma_wait3A_70 = arith.constant 0 : i32
      %dma_wait3A_71 = arith.constant 0 : i32
      %dma_wait3A_72 = tpu.memref_slice %arg11[%dma_wait3A_70, %dma_wait3A_71] : memref<10240x128xf32, #tpu.memory_space<vmem_shared>> -> memref<10240x128xf32, #tpu.memory_space<vmem_shared>>
      tpu.wait_indirect_dma semaphore(%arg15 : memref<!tpu.dma_semaphore, #tpu.memory_space<semaphore_mem>>) src(%arg10 : memref<128x128xf32, #tpu.memory_space<vmem>>) dst(%dma_wait3A_72 : memref<10240x128xf32, #tpu.memory_space<vmem_shared>>)
    } else {
    }
    %dma_wait3A_44 = arith.constant 4864 : i32
    %dma_wait3A_45 = tpu.memref_slice %arg8[%dma_wait3A_44] : memref<5120xi32, #tpu.memory_space<vmem>> -> memref<128xi32, #tpu.memory_space<vmem>>
    %dma_wait3A_46 = arith.constant 0 : i32
    %dma_wait3A_47 = arith.constant 0 : i32
    %dma_wait3A_48 = tpu.memref_slice %arg11[%dma_wait3A_46, %dma_wait3A_47] : memref<10240x128xf32, #tpu.memory_space<vmem_shared>> -> memref<10240x128xf32, #tpu.memory_space<vmem_shared>>
    tpu.wait_indirect_dma semaphore(%arg14 : memref<!tpu.dma_semaphore, #tpu.memory_space<semaphore_mem>>) src(%arg9 : memref<128x128xf32, #tpu.memory_space<vmem>>) dst(%dma_wait3A_48 : memref<10240x128xf32, #tpu.memory_space<vmem_shared>>)
    %barrier3A_49 = arith.constant 0 : index
    tpu.barrier barrier_id(%barrier3A_49)
    %mul3A_50 = arith.constant 640 : i32
    %mul3A_51 = arith.muli %arg1, %mul3A_50 : i32
    %multiple_of3A_52 = tpu.assume_multiple %mul3A_51, 640 : i32
    "tpu.region"() ({
      %run_scoped3A = tpu.sem_alloc : memref<!tpu.dma_semaphore, #tpu.memory_space<semaphore_mem>>
      %dma_start3A_53 = arith.constant 0 : i32
      %dma_start3A_54 = tpu.memref_slice %arg6[%arg0, %multiple_of3A_52, %dma_start3A_53] : memref<2x10240x128xf32, #tpu.memory_space<hbm>> -> memref<1x640x128xf32, #tpu.memory_space<hbm>>
      %dma_start3A_55 = tpu.memref_squeeze %dma_start3A_54 : memref<1x640x128xf32, #tpu.memory_space<hbm>> -> memref<640x128xf32, #tpu.memory_space<hbm>>
      %dma_start3A_56 = arith.constant 0 : i32
      %dma_start3A_57 = tpu.memref_slice %arg11[%multiple_of3A_52, %dma_start3A_56] : memref<10240x128xf32, #tpu.memory_space<vmem_shared>> -> memref<640x128xf32, #tpu.memory_space<vmem_shared>>
      tpu.enqueue_dma source(%dma_start3A_57 : memref<640x128xf32, #tpu.memory_space<vmem_shared>>) target(%dma_start3A_55 : memref<640x128xf32, #tpu.memory_space<hbm>>) target_semaphore(%run_scoped3A : memref<!tpu.dma_semaphore, #tpu.memory_space<semaphore_mem>>)
      %dma_wait3A_58 = arith.constant 0 : i32
      %dma_wait3A_59 = tpu.memref_slice %arg6[%arg0, %multiple_of3A_52, %dma_wait3A_58] : memref<2x10240x128xf32, #tpu.memory_space<hbm>> -> memref<1x640x128xf32, #tpu.memory_space<hbm>>
      %dma_wait3A_60 = tpu.memref_squeeze %dma_wait3A_59 : memref<1x640x128xf32, #tpu.memory_space<hbm>> -> memref<640x128xf32, #tpu.memory_space<hbm>>
      %dma_wait3A_61 = arith.constant 0 : i32
      %dma_wait3A_62 = tpu.memref_slice %arg11[%multiple_of3A_52, %dma_wait3A_61] : memref<10240x128xf32, #tpu.memory_space<vmem_shared>> -> memref<640x128xf32, #tpu.memory_space<vmem_shared>>
      tpu.wait_dma2 semaphore(%run_scoped3A : memref<!tpu.dma_semaphore, #tpu.memory_space<semaphore_mem>>) src(%dma_wait3A_62 : memref<640x128xf32, #tpu.memory_space<vmem_shared>>) dst(%dma_wait3A_60 : memref<640x128xf32, #tpu.memory_space<hbm>>)
      tpu.yield
    }) : () -> ()
    return
  }
}

#map = affine_map<(d0, d1) -> (0)>
#map1 = affine_map<(d0, d1) -> (0, 0)>
#map2 = affine_map<(d0, d1) -> (0, 0, 0)>
module attributes {stable_mosaic.version = 14 : i64} {
  func.func @gcn_edge_prop(%arg0: i32, %arg1: i32, %arg2: memref<160000xi32, #tpu.memory_space<hbm>>, %arg3: memref<160000xi32, #tpu.memory_space<hbm>>, %arg4: memref<10000x128xf32, #tpu.memory_space<hbm>>, %arg5: memref<10240x128xf32, #tpu.memory_space<hbm>>, %arg6: memref<2x10240x128xf32, #tpu.memory_space<hbm>>, %arg7: memref<5120xi32, #tpu.memory_space<vmem>>, %arg8: memref<5120xi32, #tpu.memory_space<vmem>>, %arg9: memref<128x128xf32, #tpu.memory_space<vmem>>, %arg10: memref<128x128xf32, #tpu.memory_space<vmem>>, %arg11: memref<10240x128xf32, #tpu.memory_space<vmem_shared>>, %arg12: memref<!tpu.dma_semaphore, #tpu.memory_space<semaphore_mem>>, %arg13: memref<!tpu.dma_semaphore, #tpu.memory_space<semaphore_mem>>, %arg14: memref<!tpu.dma_semaphore, #tpu.memory_space<semaphore_mem>>, %arg15: memref<!tpu.dma_semaphore, #tpu.memory_space<semaphore_mem>>) attributes {dimension_semantics = [#tpu.dimension_semantics<core_parallel>, #tpu.dimension_semantics<subcore_parallel>], iteration_bounds = array<i64: 2, 16>, scalar_prefetch = 0 : i64, scratch_operands = 9 : i64, tpu.core_type = #tpu.core_type<sc_vector_subcore>, window_params = [{transform_indices = #map}, {transform_indices = #map}, {transform_indices = #map1}, {transform_indices = #map1}, {transform_indices = #map2}]} {
    %mul3A = arith.constant 16 : i32
    %mul3A_0 = arith.muli %arg0, %mul3A : i32
    %add3A = arith.addi %mul3A_0, %arg1 : i32
    %mul3A_1 = arith.constant 640 : i32
    %mul3A_2 = arith.muli %arg1, %mul3A_1 : i32
    %multiple_of3A = tpu.assume_multiple %mul3A_2, 640 : i32
    "tpu.region"() ({
      %run_scoped3A = tpu.sem_alloc : memref<!tpu.dma_semaphore, #tpu.memory_space<semaphore_mem>>
      %dma_start3A_53 = arith.constant 0 : i32
      %dma_start3A_54 = tpu.memref_slice %arg11[%multiple_of3A, %dma_start3A_53] : memref<10240x128xf32, #tpu.memory_space<vmem_shared>> -> memref<640x128xf32, #tpu.memory_space<vmem_shared>>
      %dma_start3A_55 = arith.constant 0 : i32
      %dma_start3A_56 = tpu.memref_slice %arg5[%multiple_of3A, %dma_start3A_55] : memref<10240x128xf32, #tpu.memory_space<hbm>> -> memref<640x128xf32, #tpu.memory_space<hbm>>
      tpu.enqueue_dma source(%dma_start3A_56 : memref<640x128xf32, #tpu.memory_space<hbm>>) target(%dma_start3A_54 : memref<640x128xf32, #tpu.memory_space<vmem_shared>>) target_semaphore(%run_scoped3A : memref<!tpu.dma_semaphore, #tpu.memory_space<semaphore_mem>>)
      %dma_wait3A_57 = arith.constant 0 : i32
      %dma_wait3A_58 = tpu.memref_slice %arg11[%multiple_of3A, %dma_wait3A_57] : memref<10240x128xf32, #tpu.memory_space<vmem_shared>> -> memref<640x128xf32, #tpu.memory_space<vmem_shared>>
      %dma_wait3A_59 = arith.constant 0 : i32
      %dma_wait3A_60 = tpu.memref_slice %arg5[%multiple_of3A, %dma_wait3A_59] : memref<10240x128xf32, #tpu.memory_space<hbm>> -> memref<640x128xf32, #tpu.memory_space<hbm>>
      tpu.wait_dma2 semaphore(%run_scoped3A : memref<!tpu.dma_semaphore, #tpu.memory_space<semaphore_mem>>) src(%dma_wait3A_60 : memref<640x128xf32, #tpu.memory_space<hbm>>) dst(%dma_wait3A_58 : memref<640x128xf32, #tpu.memory_space<vmem_shared>>)
      tpu.yield
    }) : () -> ()
    %barrier3A = arith.constant 0 : index
    tpu.barrier barrier_id(%barrier3A)
    %mul3A_3 = arith.constant 4992 : i32
    %mul3A_4 = arith.muli %add3A, %mul3A_3 : i32
    %multiple_of3A_5 = tpu.assume_multiple %mul3A_4, 128 : i32
    "tpu.region"() ({
      %run_scoped3A = tpu.sem_alloc : memref<!tpu.dma_semaphore, #tpu.memory_space<semaphore_mem>>
      %dma_start3A_53 = arith.constant 0 : i32
      %dma_start3A_54 = tpu.memref_slice %arg7[%dma_start3A_53] : memref<5120xi32, #tpu.memory_space<vmem>> -> memref<4992xi32, #tpu.memory_space<vmem>>
      %dma_start3A_55 = tpu.memref_slice %arg2[%multiple_of3A_5] : memref<160000xi32, #tpu.memory_space<hbm>> -> memref<4992xi32, #tpu.memory_space<hbm>>
      %dma_start3A_56 = arith.constant 0 : i32
      %dma_start3A_57 = tpu.memref_slice %arg7[%dma_start3A_56] : memref<5120xi32, #tpu.memory_space<vmem>> -> memref<4992xi32, #tpu.memory_space<vmem>>
      %dma_start3A_58 = tpu.memref_slice %arg2[%multiple_of3A_5] : memref<160000xi32, #tpu.memory_space<hbm>> -> memref<4992xi32, #tpu.memory_space<hbm>>
      tpu.enqueue_dma source(%dma_start3A_58 : memref<4992xi32, #tpu.memory_space<hbm>>) target(%dma_start3A_57 : memref<4992xi32, #tpu.memory_space<vmem>>) target_semaphore(%run_scoped3A : memref<!tpu.dma_semaphore, #tpu.memory_space<semaphore_mem>>)
      %dma_wait3A_59 = arith.constant 0 : i32
      %dma_wait3A_60 = tpu.memref_slice %arg7[%dma_wait3A_59] : memref<5120xi32, #tpu.memory_space<vmem>> -> memref<4992xi32, #tpu.memory_space<vmem>>
      %dma_wait3A_61 = tpu.memref_slice %arg2[%multiple_of3A_5] : memref<160000xi32, #tpu.memory_space<hbm>> -> memref<4992xi32, #tpu.memory_space<hbm>>
      %dma_wait3A_62 = arith.constant 0 : i32
      %dma_wait3A_63 = tpu.memref_slice %arg7[%dma_wait3A_62] : memref<5120xi32, #tpu.memory_space<vmem>> -> memref<4992xi32, #tpu.memory_space<vmem>>
      %dma_wait3A_64 = tpu.memref_slice %arg2[%multiple_of3A_5] : memref<160000xi32, #tpu.memory_space<hbm>> -> memref<4992xi32, #tpu.memory_space<hbm>>
      tpu.wait_dma2 semaphore(%run_scoped3A : memref<!tpu.dma_semaphore, #tpu.memory_space<semaphore_mem>>) src(%dma_wait3A_64 : memref<4992xi32, #tpu.memory_space<hbm>>) dst(%dma_wait3A_63 : memref<4992xi32, #tpu.memory_space<vmem>>)
      tpu.yield
    }) : () -> ()
    %lt3A = arith.constant 2 : i32
    %lt3A_6 = arith.cmpi slt, %add3A, %lt3A : i32
    %convert_element_type3A = arith.extui %lt3A_6 : i1 to i32
    %cond3A = arith.constant 0 : i32
    %cond3A_7 = arith.cmpi ne, %convert_element_type3A, %cond3A : i32
    scf.if %cond3A_7 {
      %multiple_of3A_53 = arith.constant 159744 : i32
      %multiple_of3A_54 = tpu.assume_multiple %multiple_of3A_53, 128 : i32
      %mul3A_55 = arith.constant 128 : i32
      %mul3A_56 = arith.muli %add3A, %mul3A_55 : i32
      %add3A_57 = arith.addi %multiple_of3A_54, %mul3A_56 : i32
      "tpu.region"() ({
        %run_scoped3A = tpu.sem_alloc : memref<!tpu.dma_semaphore, #tpu.memory_space<semaphore_mem>>
        %dma_start3A_58 = arith.constant 4992 : i32
        %dma_start3A_59 = tpu.memref_slice %arg7[%dma_start3A_58] : memref<5120xi32, #tpu.memory_space<vmem>> -> memref<128xi32, #tpu.memory_space<vmem>>
        %dma_start3A_60 = tpu.memref_slice %arg2[%add3A_57] : memref<160000xi32, #tpu.memory_space<hbm>> -> memref<128xi32, #tpu.memory_space<hbm>>
        %dma_start3A_61 = arith.constant 4992 : i32
        %dma_start3A_62 = tpu.memref_slice %arg7[%dma_start3A_61] : memref<5120xi32, #tpu.memory_space<vmem>> -> memref<128xi32, #tpu.memory_space<vmem>>
        %dma_start3A_63 = tpu.memref_slice %arg2[%add3A_57] : memref<160000xi32, #tpu.memory_space<hbm>> -> memref<128xi32, #tpu.memory_space<hbm>>
        tpu.enqueue_dma source(%dma_start3A_63 : memref<128xi32, #tpu.memory_space<hbm>>) target(%dma_start3A_62 : memref<128xi32, #tpu.memory_space<vmem>>) target_semaphore(%run_scoped3A : memref<!tpu.dma_semaphore, #tpu.memory_space<semaphore_mem>>)
        %dma_wait3A_64 = arith.constant 4992 : i32
        %dma_wait3A_65 = tpu.memref_slice %arg7[%dma_wait3A_64] : memref<5120xi32, #tpu.memory_space<vmem>> -> memref<128xi32, #tpu.memory_space<vmem>>
        %dma_wait3A_66 = tpu.memref_slice %arg2[%add3A_57] : memref<160000xi32, #tpu.memory_space<hbm>> -> memref<128xi32, #tpu.memory_space<hbm>>
        %dma_wait3A_67 = arith.constant 4992 : i32
        %dma_wait3A_68 = tpu.memref_slice %arg7[%dma_wait3A_67] : memref<5120xi32, #tpu.memory_space<vmem>> -> memref<128xi32, #tpu.memory_space<vmem>>
        %dma_wait3A_69 = tpu.memref_slice %arg2[%add3A_57] : memref<160000xi32, #tpu.memory_space<hbm>> -> memref<128xi32, #tpu.memory_space<hbm>>
        tpu.wait_dma2 semaphore(%run_scoped3A : memref<!tpu.dma_semaphore, #tpu.memory_space<semaphore_mem>>) src(%dma_wait3A_69 : memref<128xi32, #tpu.memory_space<hbm>>) dst(%dma_wait3A_68 : memref<128xi32, #tpu.memory_space<vmem>>)
        tpu.yield
      }) : () -> ()
    } else {
    }
    %mul3A_8 = arith.constant 4992 : i32
    %mul3A_9 = arith.muli %add3A, %mul3A_8 : i32
    %multiple_of3A_10 = tpu.assume_multiple %mul3A_9, 128 : i32
    "tpu.region"() ({
      %run_scoped3A = tpu.sem_alloc : memref<!tpu.dma_semaphore, #tpu.memory_space<semaphore_mem>>
      %dma_start3A_53 = arith.constant 0 : i32
      %dma_start3A_54 = tpu.memref_slice %arg8[%dma_start3A_53] : memref<5120xi32, #tpu.memory_space<vmem>> -> memref<4992xi32, #tpu.memory_space<vmem>>
      %dma_start3A_55 = tpu.memref_slice %arg3[%multiple_of3A_10] : memref<160000xi32, #tpu.memory_space<hbm>> -> memref<4992xi32, #tpu.memory_space<hbm>>
      %dma_start3A_56 = arith.constant 0 : i32
      %dma_start3A_57 = tpu.memref_slice %arg8[%dma_start3A_56] : memref<5120xi32, #tpu.memory_space<vmem>> -> memref<4992xi32, #tpu.memory_space<vmem>>
      %dma_start3A_58 = tpu.memref_slice %arg3[%multiple_of3A_10] : memref<160000xi32, #tpu.memory_space<hbm>> -> memref<4992xi32, #tpu.memory_space<hbm>>
      tpu.enqueue_dma source(%dma_start3A_58 : memref<4992xi32, #tpu.memory_space<hbm>>) target(%dma_start3A_57 : memref<4992xi32, #tpu.memory_space<vmem>>) target_semaphore(%run_scoped3A : memref<!tpu.dma_semaphore, #tpu.memory_space<semaphore_mem>>)
      %dma_wait3A_59 = arith.constant 0 : i32
      %dma_wait3A_60 = tpu.memref_slice %arg8[%dma_wait3A_59] : memref<5120xi32, #tpu.memory_space<vmem>> -> memref<4992xi32, #tpu.memory_space<vmem>>
      %dma_wait3A_61 = tpu.memref_slice %arg3[%multiple_of3A_10] : memref<160000xi32, #tpu.memory_space<hbm>> -> memref<4992xi32, #tpu.memory_space<hbm>>
      %dma_wait3A_62 = arith.constant 0 : i32
      %dma_wait3A_63 = tpu.memref_slice %arg8[%dma_wait3A_62] : memref<5120xi32, #tpu.memory_space<vmem>> -> memref<4992xi32, #tpu.memory_space<vmem>>
      %dma_wait3A_64 = tpu.memref_slice %arg3[%multiple_of3A_10] : memref<160000xi32, #tpu.memory_space<hbm>> -> memref<4992xi32, #tpu.memory_space<hbm>>
      tpu.wait_dma2 semaphore(%run_scoped3A : memref<!tpu.dma_semaphore, #tpu.memory_space<semaphore_mem>>) src(%dma_wait3A_64 : memref<4992xi32, #tpu.memory_space<hbm>>) dst(%dma_wait3A_63 : memref<4992xi32, #tpu.memory_space<vmem>>)
      tpu.yield
    }) : () -> ()
    %lt3A_11 = arith.constant 2 : i32
    %lt3A_12 = arith.cmpi slt, %add3A, %lt3A_11 : i32
    %convert_element_type3A_13 = arith.extui %lt3A_12 : i1 to i32
    %cond3A_14 = arith.constant 0 : i32
    %cond3A_15 = arith.cmpi ne, %convert_element_type3A_13, %cond3A_14 : i32
    scf.if %cond3A_15 {
      %multiple_of3A_53 = arith.constant 159744 : i32
      %multiple_of3A_54 = tpu.assume_multiple %multiple_of3A_53, 128 : i32
      %mul3A_55 = arith.constant 128 : i32
      %mul3A_56 = arith.muli %add3A, %mul3A_55 : i32
      %add3A_57 = arith.addi %multiple_of3A_54, %mul3A_56 : i32
      "tpu.region"() ({
        %run_scoped3A = tpu.sem_alloc : memref<!tpu.dma_semaphore, #tpu.memory_space<semaphore_mem>>
        %dma_start3A_58 = arith.constant 4992 : i32
        %dma_start3A_59 = tpu.memref_slice %arg8[%dma_start3A_58] : memref<5120xi32, #tpu.memory_space<vmem>> -> memref<128xi32, #tpu.memory_space<vmem>>
        %dma_start3A_60 = tpu.memref_slice %arg3[%add3A_57] : memref<160000xi32, #tpu.memory_space<hbm>> -> memref<128xi32, #tpu.memory_space<hbm>>
        %dma_start3A_61 = arith.constant 4992 : i32
        %dma_start3A_62 = tpu.memref_slice %arg8[%dma_start3A_61] : memref<5120xi32, #tpu.memory_space<vmem>> -> memref<128xi32, #tpu.memory_space<vmem>>
        %dma_start3A_63 = tpu.memref_slice %arg3[%add3A_57] : memref<160000xi32, #tpu.memory_space<hbm>> -> memref<128xi32, #tpu.memory_space<hbm>>
        tpu.enqueue_dma source(%dma_start3A_63 : memref<128xi32, #tpu.memory_space<hbm>>) target(%dma_start3A_62 : memref<128xi32, #tpu.memory_space<vmem>>) target_semaphore(%run_scoped3A : memref<!tpu.dma_semaphore, #tpu.memory_space<semaphore_mem>>)
        %dma_wait3A_64 = arith.constant 4992 : i32
        %dma_wait3A_65 = tpu.memref_slice %arg8[%dma_wait3A_64] : memref<5120xi32, #tpu.memory_space<vmem>> -> memref<128xi32, #tpu.memory_space<vmem>>
        %dma_wait3A_66 = tpu.memref_slice %arg3[%add3A_57] : memref<160000xi32, #tpu.memory_space<hbm>> -> memref<128xi32, #tpu.memory_space<hbm>>
        %dma_wait3A_67 = arith.constant 4992 : i32
        %dma_wait3A_68 = tpu.memref_slice %arg8[%dma_wait3A_67] : memref<5120xi32, #tpu.memory_space<vmem>> -> memref<128xi32, #tpu.memory_space<vmem>>
        %dma_wait3A_69 = tpu.memref_slice %arg3[%add3A_57] : memref<160000xi32, #tpu.memory_space<hbm>> -> memref<128xi32, #tpu.memory_space<hbm>>
        tpu.wait_dma2 semaphore(%run_scoped3A : memref<!tpu.dma_semaphore, #tpu.memory_space<semaphore_mem>>) src(%dma_wait3A_69 : memref<128xi32, #tpu.memory_space<hbm>>) dst(%dma_wait3A_68 : memref<128xi32, #tpu.memory_space<vmem>>)
        tpu.yield
      }) : () -> ()
    } else {
    }
    %dma_start3A = arith.constant 0 : i32
    %dma_start3A_16 = tpu.memref_slice %arg7[%dma_start3A] : memref<5120xi32, #tpu.memory_space<vmem>> -> memref<128xi32, #tpu.memory_space<vmem>>
    %dma_start3A_17 = arith.constant 0 : i32
    %dma_start3A_18 = arith.constant 0 : i32
    %dma_start3A_19 = tpu.memref_slice %arg4[%dma_start3A_17, %dma_start3A_18] : memref<10000x128xf32, #tpu.memory_space<hbm>> -> memref<10000x128xf32, #tpu.memory_space<hbm>>
    tpu.enqueue_indirect_dma source(%dma_start3A_19 : memref<10000x128xf32, #tpu.memory_space<hbm>>) target(%arg9 : memref<128x128xf32, #tpu.memory_space<vmem>>) offsets(%dma_start3A_16 : memref<128xi32, #tpu.memory_space<vmem>>) semaphore(%arg12 : memref<!tpu.dma_semaphore, #tpu.memory_space<semaphore_mem>>)
    %scan3A = arith.constant 0 : i32
    %scan3A_20 = arith.constant 0 : i32
    %scan3A_21 = arith.constant 19 : i32
    %scan3A_22 = arith.addi %scan3A_20, %scan3A_21 : i32
    %scan3A_23 = arith.constant 1 : i32
    scf.for %scan3A_53 = %scan3A_20 to %scan3A_22 step %scan3A_23  : i32 {
      %mul3A_54 = arith.constant 2 : i32
      %mul3A_55 = arith.muli %mul3A_54, %scan3A_53 : i32
      %mul3A_56 = arith.constant 128 : i32
      %mul3A_57 = arith.muli %mul3A_55, %mul3A_56 : i32
      %dma_wait3A_58 = tpu.memref_slice %arg7[%mul3A_57] : memref<5120xi32, #tpu.memory_space<vmem>> -> memref<128xi32, #tpu.memory_space<vmem>>
      %dma_wait3A_59 = arith.constant 0 : i32
      %dma_wait3A_60 = arith.constant 0 : i32
      %dma_wait3A_61 = tpu.memref_slice %arg4[%dma_wait3A_59, %dma_wait3A_60] : memref<10000x128xf32, #tpu.memory_space<hbm>> -> memref<10000x128xf32, #tpu.memory_space<hbm>>
      tpu.wait_indirect_dma semaphore(%arg12 : memref<!tpu.dma_semaphore, #tpu.memory_space<semaphore_mem>>) src(%dma_wait3A_61 : memref<10000x128xf32, #tpu.memory_space<hbm>>) dst(%arg9 : memref<128x128xf32, #tpu.memory_space<vmem>>)
      %mul3A_62 = arith.constant 128 : i32
      %mul3A_63 = arith.muli %mul3A_55, %mul3A_62 : i32
      %dma_start3A_64 = tpu.memref_slice %arg8[%mul3A_63] : memref<5120xi32, #tpu.memory_space<vmem>> -> memref<128xi32, #tpu.memory_space<vmem>>
      %dma_start3A_65 = arith.constant 0 : i32
      %dma_start3A_66 = arith.constant 0 : i32
      %dma_start3A_67 = tpu.memref_slice %arg11[%dma_start3A_65, %dma_start3A_66] : memref<10240x128xf32, #tpu.memory_space<vmem_shared>> -> memref<10240x128xf32, #tpu.memory_space<vmem_shared>>
      tpu.enqueue_indirect_dma source(%arg9 : memref<128x128xf32, #tpu.memory_space<vmem>>) target(%dma_start3A_67 : memref<10240x128xf32, #tpu.memory_space<vmem_shared>>) offsets(%dma_start3A_64 : memref<128xi32, #tpu.memory_space<vmem>>) semaphore(%arg14 : memref<!tpu.dma_semaphore, #tpu.memory_space<semaphore_mem>>) {add = true}
      %gt3A = arith.constant 0 : i32
      %gt3A_68 = arith.cmpi sgt, %scan3A_53, %gt3A : i32
      %convert_element_type3A_69 = arith.extui %gt3A_68 : i1 to i32
      %cond3A_70 = arith.constant 0 : i32
      %cond3A_71 = arith.cmpi ne, %convert_element_type3A_69, %cond3A_70 : i32
      scf.if %cond3A_71 {
        %sub3A = arith.constant 1 : i32
        %sub3A_110 = arith.subi %mul3A_55, %sub3A : i32
        %mul3A_111 = arith.constant 128 : i32
        %mul3A_112 = arith.muli %sub3A_110, %mul3A_111 : i32
        %dma_wait3A_113 = tpu.memref_slice %arg8[%mul3A_112] : memref<5120xi32, #tpu.memory_space<vmem>> -> memref<128xi32, #tpu.memory_space<vmem>>
        %dma_wait3A_114 = arith.constant 0 : i32
        %dma_wait3A_115 = arith.constant 0 : i32
        %dma_wait3A_116 = tpu.memref_slice %arg11[%dma_wait3A_114, %dma_wait3A_115] : memref<10240x128xf32, #tpu.memory_space<vmem_shared>> -> memref<10240x128xf32, #tpu.memory_space<vmem_shared>>
        tpu.wait_indirect_dma semaphore(%arg15 : memref<!tpu.dma_semaphore, #tpu.memory_space<semaphore_mem>>) src(%arg10 : memref<128x128xf32, #tpu.memory_space<vmem>>) dst(%dma_wait3A_116 : memref<10240x128xf32, #tpu.memory_space<vmem_shared>>)
      } else {
      }
      %add3A_72 = arith.constant 1 : i32
      %add3A_73 = arith.addi %mul3A_55, %add3A_72 : i32
      %mul3A_74 = arith.constant 128 : i32
      %mul3A_75 = arith.muli %add3A_73, %mul3A_74 : i32
      %dma_start3A_76 = tpu.memref_slice %arg7[%mul3A_75] : memref<5120xi32, #tpu.memory_space<vmem>> -> memref<128xi32, #tpu.memory_space<vmem>>
      %dma_start3A_77 = arith.constant 0 : i32
      %dma_start3A_78 = arith.constant 0 : i32
      %dma_start3A_79 = tpu.memref_slice %arg4[%dma_start3A_77, %dma_start3A_78] : memref<10000x128xf32, #tpu.memory_space<hbm>> -> memref<10000x128xf32, #tpu.memory_space<hbm>>
      tpu.enqueue_indirect_dma source(%dma_start3A_79 : memref<10000x128xf32, #tpu.memory_space<hbm>>) target(%arg10 : memref<128x128xf32, #tpu.memory_space<vmem>>) offsets(%dma_start3A_76 : memref<128xi32, #tpu.memory_space<vmem>>) semaphore(%arg13 : memref<!tpu.dma_semaphore, #tpu.memory_space<semaphore_mem>>)
      %add3A_80 = arith.constant 1 : i32
      %add3A_81 = arith.addi %mul3A_55, %add3A_80 : i32
      %mul3A_82 = arith.constant 128 : i32
      %mul3A_83 = arith.muli %add3A_81, %mul3A_82 : i32
      %dma_wait3A_84 = tpu.memref_slice %arg7[%mul3A_83] : memref<5120xi32, #tpu.memory_space<vmem>> -> memref<128xi32, #tpu.memory_space<vmem>>
      %dma_wait3A_85 = arith.constant 0 : i32
      %dma_wait3A_86 = arith.constant 0 : i32
      %dma_wait3A_87 = tpu.memref_slice %arg4[%dma_wait3A_85, %dma_wait3A_86] : memref<10000x128xf32, #tpu.memory_space<hbm>> -> memref<10000x128xf32, #tpu.memory_space<hbm>>
      tpu.wait_indirect_dma semaphore(%arg13 : memref<!tpu.dma_semaphore, #tpu.memory_space<semaphore_mem>>) src(%dma_wait3A_87 : memref<10000x128xf32, #tpu.memory_space<hbm>>) dst(%arg10 : memref<128x128xf32, #tpu.memory_space<vmem>>)
      %add3A_88 = arith.constant 1 : i32
      %add3A_89 = arith.addi %mul3A_55, %add3A_88 : i32
      %mul3A_90 = arith.constant 128 : i32
      %mul3A_91 = arith.muli %add3A_89, %mul3A_90 : i32
      %dma_start3A_92 = tpu.memref_slice %arg8[%mul3A_91] : memref<5120xi32, #tpu.memory_space<vmem>> -> memref<128xi32, #tpu.memory_space<vmem>>
      %dma_start3A_93 = arith.constant 0 : i32
      %dma_start3A_94 = arith.constant 0 : i32
      %dma_start3A_95 = tpu.memref_slice %arg11[%dma_start3A_93, %dma_start3A_94] : memref<10240x128xf32, #tpu.memory_space<vmem_shared>> -> memref<10240x128xf32, #tpu.memory_space<vmem_shared>>
      tpu.enqueue_indirect_dma source(%arg10 : memref<128x128xf32, #tpu.memory_space<vmem>>) target(%dma_start3A_95 : memref<10240x128xf32, #tpu.memory_space<vmem_shared>>) offsets(%dma_start3A_92 : memref<128xi32, #tpu.memory_space<vmem>>) semaphore(%arg15 : memref<!tpu.dma_semaphore, #tpu.memory_space<semaphore_mem>>) {add = true}
      %mul3A_96 = arith.constant 128 : i32
      %mul3A_97 = arith.muli %mul3A_55, %mul3A_96 : i32
      %dma_wait3A_98 = tpu.memref_slice %arg8[%mul3A_97] : memref<5120xi32, #tpu.memory_space<vmem>> -> memref<128xi32, #tpu.memory_space<vmem>>
      %dma_wait3A_99 = arith.constant 0 : i32
      %dma_wait3A_100 = arith.constant 0 : i32
      %dma_wait3A_101 = tpu.memref_slice %arg11[%dma_wait3A_99, %dma_wait3A_100] : memref<10240x128xf32, #tpu.memory_space<vmem_shared>> -> memref<10240x128xf32, #tpu.memory_space<vmem_shared>>
      tpu.wait_indirect_dma semaphore(%arg14 : memref<!tpu.dma_semaphore, #tpu.memory_space<semaphore_mem>>) src(%arg9 : memref<128x128xf32, #tpu.memory_space<vmem>>) dst(%dma_wait3A_101 : memref<10240x128xf32, #tpu.memory_space<vmem_shared>>)
      %add3A_102 = arith.constant 2 : i32
      %add3A_103 = arith.addi %mul3A_55, %add3A_102 : i32
      %mul3A_104 = arith.constant 128 : i32
      %mul3A_105 = arith.muli %add3A_103, %mul3A_104 : i32
      %dma_start3A_106 = tpu.memref_slice %arg7[%mul3A_105] : memref<5120xi32, #tpu.memory_space<vmem>> -> memref<128xi32, #tpu.memory_space<vmem>>
      %dma_start3A_107 = arith.constant 0 : i32
      %dma_start3A_108 = arith.constant 0 : i32
      %dma_start3A_109 = tpu.memref_slice %arg4[%dma_start3A_107, %dma_start3A_108] : memref<10000x128xf32, #tpu.memory_space<hbm>> -> memref<10000x128xf32, #tpu.memory_space<hbm>>
      tpu.enqueue_indirect_dma source(%dma_start3A_109 : memref<10000x128xf32, #tpu.memory_space<hbm>>) target(%arg9 : memref<128x128xf32, #tpu.memory_space<vmem>>) offsets(%dma_start3A_106 : memref<128xi32, #tpu.memory_space<vmem>>) semaphore(%arg12 : memref<!tpu.dma_semaphore, #tpu.memory_space<semaphore_mem>>)
    }
    %scan3A_24 = arith.constant 19 : i32
    %dma_wait3A = arith.constant 4864 : i32
    %dma_wait3A_25 = tpu.memref_slice %arg7[%dma_wait3A] : memref<5120xi32, #tpu.memory_space<vmem>> -> memref<128xi32, #tpu.memory_space<vmem>>
    %dma_wait3A_26 = arith.constant 0 : i32
    %dma_wait3A_27 = arith.constant 0 : i32
    %dma_wait3A_28 = tpu.memref_slice %arg4[%dma_wait3A_26, %dma_wait3A_27] : memref<10000x128xf32, #tpu.memory_space<hbm>> -> memref<10000x128xf32, #tpu.memory_space<hbm>>
    tpu.wait_indirect_dma semaphore(%arg12 : memref<!tpu.dma_semaphore, #tpu.memory_space<semaphore_mem>>) src(%dma_wait3A_28 : memref<10000x128xf32, #tpu.memory_space<hbm>>) dst(%arg9 : memref<128x128xf32, #tpu.memory_space<vmem>>)
    %dma_start3A_29 = arith.constant 4864 : i32
    %dma_start3A_30 = tpu.memref_slice %arg8[%dma_start3A_29] : memref<5120xi32, #tpu.memory_space<vmem>> -> memref<128xi32, #tpu.memory_space<vmem>>
    %dma_start3A_31 = arith.constant 0 : i32
    %dma_start3A_32 = arith.constant 0 : i32
    %dma_start3A_33 = tpu.memref_slice %arg11[%dma_start3A_31, %dma_start3A_32] : memref<10240x128xf32, #tpu.memory_space<vmem_shared>> -> memref<10240x128xf32, #tpu.memory_space<vmem_shared>>
    tpu.enqueue_indirect_dma source(%arg9 : memref<128x128xf32, #tpu.memory_space<vmem>>) target(%dma_start3A_33 : memref<10240x128xf32, #tpu.memory_space<vmem_shared>>) offsets(%dma_start3A_30 : memref<128xi32, #tpu.memory_space<vmem>>) semaphore(%arg14 : memref<!tpu.dma_semaphore, #tpu.memory_space<semaphore_mem>>) {add = true}
    %dma_wait3A_34 = arith.constant 4736 : i32
    %dma_wait3A_35 = tpu.memref_slice %arg8[%dma_wait3A_34] : memref<5120xi32, #tpu.memory_space<vmem>> -> memref<128xi32, #tpu.memory_space<vmem>>
    %dma_wait3A_36 = arith.constant 0 : i32
    %dma_wait3A_37 = arith.constant 0 : i32
    %dma_wait3A_38 = tpu.memref_slice %arg11[%dma_wait3A_36, %dma_wait3A_37] : memref<10240x128xf32, #tpu.memory_space<vmem_shared>> -> memref<10240x128xf32, #tpu.memory_space<vmem_shared>>
    tpu.wait_indirect_dma semaphore(%arg15 : memref<!tpu.dma_semaphore, #tpu.memory_space<semaphore_mem>>) src(%arg10 : memref<128x128xf32, #tpu.memory_space<vmem>>) dst(%dma_wait3A_38 : memref<10240x128xf32, #tpu.memory_space<vmem_shared>>)
    %lt3A_39 = arith.constant 2 : i32
    %lt3A_40 = arith.cmpi slt, %add3A, %lt3A_39 : i32
    %convert_element_type3A_41 = arith.extui %lt3A_40 : i1 to i32
    %cond3A_42 = arith.constant 0 : i32
    %cond3A_43 = arith.cmpi ne, %convert_element_type3A_41, %cond3A_42 : i32
    scf.if %cond3A_43 {
      %dma_start3A_53 = arith.constant 4992 : i32
      %dma_start3A_54 = tpu.memref_slice %arg7[%dma_start3A_53] : memref<5120xi32, #tpu.memory_space<vmem>> -> memref<128xi32, #tpu.memory_space<vmem>>
      %dma_start3A_55 = arith.constant 0 : i32
      %dma_start3A_56 = arith.constant 0 : i32
      %dma_start3A_57 = tpu.memref_slice %arg4[%dma_start3A_55, %dma_start3A_56] : memref<10000x128xf32, #tpu.memory_space<hbm>> -> memref<10000x128xf32, #tpu.memory_space<hbm>>
      tpu.enqueue_indirect_dma source(%dma_start3A_57 : memref<10000x128xf32, #tpu.memory_space<hbm>>) target(%arg10 : memref<128x128xf32, #tpu.memory_space<vmem>>) offsets(%dma_start3A_54 : memref<128xi32, #tpu.memory_space<vmem>>) semaphore(%arg13 : memref<!tpu.dma_semaphore, #tpu.memory_space<semaphore_mem>>)
      %dma_wait3A_58 = arith.constant 4992 : i32
      %dma_wait3A_59 = tpu.memref_slice %arg7[%dma_wait3A_58] : memref<5120xi32, #tpu.memory_space<vmem>> -> memref<128xi32, #tpu.memory_space<vmem>>
      %dma_wait3A_60 = arith.constant 0 : i32
      %dma_wait3A_61 = arith.constant 0 : i32
      %dma_wait3A_62 = tpu.memref_slice %arg4[%dma_wait3A_60, %dma_wait3A_61] : memref<10000x128xf32, #tpu.memory_space<hbm>> -> memref<10000x128xf32, #tpu.memory_space<hbm>>
      tpu.wait_indirect_dma semaphore(%arg13 : memref<!tpu.dma_semaphore, #tpu.memory_space<semaphore_mem>>) src(%dma_wait3A_62 : memref<10000x128xf32, #tpu.memory_space<hbm>>) dst(%arg10 : memref<128x128xf32, #tpu.memory_space<vmem>>)
      %dma_start3A_63 = arith.constant 4992 : i32
      %dma_start3A_64 = tpu.memref_slice %arg8[%dma_start3A_63] : memref<5120xi32, #tpu.memory_space<vmem>> -> memref<128xi32, #tpu.memory_space<vmem>>
      %dma_start3A_65 = arith.constant 0 : i32
      %dma_start3A_66 = arith.constant 0 : i32
      %dma_start3A_67 = tpu.memref_slice %arg11[%dma_start3A_65, %dma_start3A_66] : memref<10240x128xf32, #tpu.memory_space<vmem_shared>> -> memref<10240x128xf32, #tpu.memory_space<vmem_shared>>
      tpu.enqueue_indirect_dma source(%arg10 : memref<128x128xf32, #tpu.memory_space<vmem>>) target(%dma_start3A_67 : memref<10240x128xf32, #tpu.memory_space<vmem_shared>>) offsets(%dma_start3A_64 : memref<128xi32, #tpu.memory_space<vmem>>) semaphore(%arg15 : memref<!tpu.dma_semaphore, #tpu.memory_space<semaphore_mem>>) {add = true}
      %dma_wait3A_68 = arith.constant 4992 : i32
      %dma_wait3A_69 = tpu.memref_slice %arg8[%dma_wait3A_68] : memref<5120xi32, #tpu.memory_space<vmem>> -> memref<128xi32, #tpu.memory_space<vmem>>
      %dma_wait3A_70 = arith.constant 0 : i32
      %dma_wait3A_71 = arith.constant 0 : i32
      %dma_wait3A_72 = tpu.memref_slice %arg11[%dma_wait3A_70, %dma_wait3A_71] : memref<10240x128xf32, #tpu.memory_space<vmem_shared>> -> memref<10240x128xf32, #tpu.memory_space<vmem_shared>>
      tpu.wait_indirect_dma semaphore(%arg15 : memref<!tpu.dma_semaphore, #tpu.memory_space<semaphore_mem>>) src(%arg10 : memref<128x128xf32, #tpu.memory_space<vmem>>) dst(%dma_wait3A_72 : memref<10240x128xf32, #tpu.memory_space<vmem_shared>>)
    } else {
    }
    %dma_wait3A_44 = arith.constant 4864 : i32
    %dma_wait3A_45 = tpu.memref_slice %arg8[%dma_wait3A_44] : memref<5120xi32, #tpu.memory_space<vmem>> -> memref<128xi32, #tpu.memory_space<vmem>>
    %dma_wait3A_46 = arith.constant 0 : i32
    %dma_wait3A_47 = arith.constant 0 : i32
    %dma_wait3A_48 = tpu.memref_slice %arg11[%dma_wait3A_46, %dma_wait3A_47] : memref<10240x128xf32, #tpu.memory_space<vmem_shared>> -> memref<10240x128xf32, #tpu.memory_space<vmem_shared>>
    tpu.wait_indirect_dma semaphore(%arg14 : memref<!tpu.dma_semaphore, #tpu.memory_space<semaphore_mem>>) src(%arg9 : memref<128x128xf32, #tpu.memory_space<vmem>>) dst(%dma_wait3A_48 : memref<10240x128xf32, #tpu.memory_space<vmem_shared>>)
    %barrier3A_49 = arith.constant 0 : index
    tpu.barrier barrier_id(%barrier3A_49)
    %mul3A_50 = arith.constant 640 : i32
    %mul3A_51 = arith.muli %arg1, %mul3A_50 : i32
    %multiple_of3A_52 = tpu.assume_multiple %mul3A_51, 640 : i32
    "tpu.region"() ({
      %run_scoped3A = tpu.sem_alloc : memref<!tpu.dma_semaphore, #tpu.memory_space<semaphore_mem>>
      %dma_start3A_53 = arith.constant 0 : i32
      %dma_start3A_54 = tpu.memref_slice %arg6[%arg0, %multiple_of3A_52, %dma_start3A_53] : memref<2x10240x128xf32, #tpu.memory_space<hbm>> -> memref<1x640x128xf32, #tpu.memory_space<hbm>>
      %dma_start3A_55 = tpu.memref_squeeze %dma_start3A_54 : memref<1x640x128xf32, #tpu.memory_space<hbm>> -> memref<640x128xf32, #tpu.memory_space<hbm>>
      %dma_start3A_56 = arith.constant 0 : i32
      %dma_start3A_57 = tpu.memref_slice %arg11[%multiple_of3A_52, %dma_start3A_56] : memref<10240x128xf32, #tpu.memory_space<vmem_shared>> -> memref<640x128xf32, #tpu.memory_space<vmem_shared>>
      tpu.enqueue_dma source(%dma_start3A_57 : memref<640x128xf32, #tpu.memory_space<vmem_shared>>) target(%dma_start3A_55 : memref<640x128xf32, #tpu.memory_space<hbm>>) target_semaphore(%run_scoped3A : memref<!tpu.dma_semaphore, #tpu.memory_space<semaphore_mem>>)
      %dma_wait3A_58 = arith.constant 0 : i32
      %dma_wait3A_59 = tpu.memref_slice %arg6[%arg0, %multiple_of3A_52, %dma_wait3A_58] : memref<2x10240x128xf32, #tpu.memory_space<hbm>> -> memref<1x640x128xf32, #tpu.memory_space<hbm>>
      %dma_wait3A_60 = tpu.memref_squeeze %dma_wait3A_59 : memref<1x640x128xf32, #tpu.memory_space<hbm>> -> memref<640x128xf32, #tpu.memory_space<hbm>>
      %dma_wait3A_61 = arith.constant 0 : i32
      %dma_wait3A_62 = tpu.memref_slice %arg11[%multiple_of3A_52, %dma_wait3A_61] : memref<10240x128xf32, #tpu.memory_space<vmem_shared>> -> memref<640x128xf32, #tpu.memory_space<vmem_shared>>
      tpu.wait_dma2 semaphore(%run_scoped3A : memref<!tpu.dma_semaphore, #tpu.memory_space<semaphore_mem>>) src(%dma_wait3A_62 : memref<640x128xf32, #tpu.memory_space<vmem_shared>>) dst(%dma_wait3A_60 : memref<640x128xf32, #tpu.memory_space<hbm>>)
      tpu.yield
    }) : () -> ()
    return
  }
}

module attributes {stable_mosaic.version = 14 : i64} {
  func.func @_mm1_body(%arg0: i32, %arg1: memref<2000x256xf32, #tpu.memory_space<vmem>>, %arg2: memref<256x16xf32, #tpu.memory_space<vmem>>, %arg3: memref<2x2000x128xf32, #tpu.memory_space<vmem>>, %arg4: memref<2000x128xf32, #tpu.memory_space<vmem>>, %arg5: memref<2000x16xf32, #tpu.memory_space<vmem>>) attributes {dimension_semantics = [#tpu.dimension_semantics<arbitrary>], iteration_bounds = array<i64: 5>, scalar_prefetch = 0 : i64, scratch_operands = 0 : i64, tpu.core_type = #tpu.core_type<tc>, window_params = [{transform_indices = @transform_0, window_bounds = array<i64: 2000, 256>}, {pipeline_mode = #tpu.pipeline_mode<synchronous>, transform_indices = @transform_1, window_bounds = array<i64: 256, 16>}, {transform_indices = @transform_2, window_bounds = array<i64: 2, 2000, 128>}, {transform_indices = @transform_3, window_bounds = array<i64: 2000, 128>}, {transform_indices = @transform_4, window_bounds = array<i64: 2000, 16>}]} {
    %get3A = arith.constant 0 : index
    %get3A_0 = arith.constant 0 : index
    %get3A_1 = arith.constant 0 : index
    %get3A_2 = vector.load %arg3[%get3A, %get3A_0, %get3A_1] : memref<2x2000x128xf32, #tpu.memory_space<vmem>>, vector<1x2000x16xf32>
    %get3A_3 = vector.shape_cast %get3A_2 : vector<1x2000x16xf32> to vector<2000x16xf32>
    %get3A_4 = arith.constant 1 : index
    %get3A_5 = arith.constant 0 : index
    %get3A_6 = arith.constant 0 : index
    %get3A_7 = vector.load %arg3[%get3A_4, %get3A_5, %get3A_6] : memref<2x2000x128xf32, #tpu.memory_space<vmem>>, vector<1x2000x16xf32>
    %get3A_8 = vector.shape_cast %get3A_7 : vector<1x2000x16xf32> to vector<2000x16xf32>
    %add3A = arith.addf %get3A_3, %get3A_8 : vector<2000x16xf32>
    %add3A_9 = arith.constant 1.000000e+00 : f32
    %add3A_10 = vector.broadcast %add3A_9 : f32 to vector<2000x16xf32>
    %add3A_11 = arith.addf %add3A, %add3A_10 : vector<2000x16xf32>
    %rsqrt3A = math.rsqrt %add3A_11 : vector<2000x16xf32>
    %get3A_12 = arith.constant 0 : index
    %get3A_13 = arith.constant 0 : index
    %get3A_14 = vector.load %arg1[%get3A_12, %get3A_13] : memref<2000x256xf32, #tpu.memory_space<vmem>>, vector<2000x256xf32>
    %get3A_15 = arith.constant 0 : index
    %get3A_16 = arith.constant 0 : index
    %get3A_17 = vector.load %arg2[%get3A_15, %get3A_16] : memref<256x16xf32, #tpu.memory_space<vmem>>, vector<256x16xf32>
    %dot_general3A = arith.constant dense<0.000000e+00> : vector<2000x16xf32>
    %dot_general3A_18 = tpu.matmul %get3A_14, %get3A_17, %dot_general3A {dimension_numbers = #tpu.dot_dimension_numbers<[1], [0], [0], [1], [0, 0, 1, 1], [], []>, transpose_lhs_hint = false} : vector<2000x256xf32>, vector<256x16xf32>, vector<2000x16xf32> -> vector<2000x16xf32>
    %swap3A = arith.constant 0 : index
    %swap3A_19 = arith.constant 0 : index
    %swap3A_20 = vector.load %arg5[%swap3A, %swap3A_19] : memref<2000x16xf32, #tpu.memory_space<vmem>>, vector<2000x16xf32>
    tpu.vector_store %arg5[%swap3A, %swap3A_19], %rsqrt3A {strides = array<i32>} : memref<2000x16xf32, #tpu.memory_space<vmem>>, vector<2000x16xf32>,
    %mul3A = arith.mulf %rsqrt3A, %dot_general3A_18 : vector<2000x16xf32>
    %broadcast_in_dim3A = arith.constant 0.000000e+00 : f32
    %broadcast_in_dim3A_21 = vector.broadcast %broadcast_in_dim3A : f32 to vector<2000x112xf32>
    %concatenate3A = tpu.concatenate %mul3A, %broadcast_in_dim3A_21 in 1 : vector<2000x16xf32>, vector<2000x112xf32> -> vector<2000x128xf32>
    %swap3A_22 = arith.constant 0 : index
    %swap3A_23 = arith.constant 0 : index
    %swap3A_24 = vector.load %arg4[%swap3A_22, %swap3A_23] : memref<2000x128xf32, #tpu.memory_space<vmem>>, vector<2000x128xf32>
    tpu.vector_store %arg4[%swap3A_22, %swap3A_23], %concatenate3A {strides = array<i32>} : memref<2000x128xf32, #tpu.memory_space<vmem>>, vector<2000x128xf32>,
    return
  }
  func.func @transform_0(%arg0: i32) -> (i32, i32) {
    %c0_i32 = arith.constant 0 : i32
    %c0_i32_0 = arith.constant 0 : i32
    return %arg0, %c0_i32 : i32, i32
  }
  func.func @transform_1(%arg0: i32) -> (i32, i32) {
    %c0_i32 = arith.constant 0 : i32
    %c0_i32_0 = arith.constant 0 : i32
    %c0_i32_1 = arith.constant 0 : i32
    return %c0_i32, %c0_i32_0 : i32, i32
  }
  func.func @transform_2(%arg0: i32) -> (i32, i32, i32) {
    %c0_i32 = arith.constant 0 : i32
    %c0_i32_0 = arith.constant 0 : i32
    %c0_i32_1 = arith.constant 0 : i32
    return %c0_i32, %arg0, %c0_i32_0 : i32, i32, i32
  }
  func.func @transform_3(%arg0: i32) -> (i32, i32) {
    %c0_i32 = arith.constant 0 : i32
    %c0_i32_0 = arith.constant 0 : i32
    return %arg0, %c0_i32 : i32, i32
  }
  func.func @transform_4(%arg0: i32) -> (i32, i32) {
    %c0_i32 = arith.constant 0 : i32
    %c0_i32_0 = arith.constant 0 : i32
    return %arg0, %c0_i32 : i32, i32
  }
}

module attributes {stable_mosaic.version = 14 : i64} {
  func.func @_mid_body(%arg0: i32, %arg1: memref<2x2000x128xf32, #tpu.memory_space<vmem>>, %arg2: memref<2000x128xf32, #tpu.memory_space<vmem>>, %arg3: memref<2000x16xf32, #tpu.memory_space<vmem>>, %arg4: memref<1x16xf32, #tpu.memory_space<vmem>>, %arg5: memref<16x16xf32, #tpu.memory_space<vmem>>, %arg6: memref<2000x128xf32, #tpu.memory_space<vmem>>, %arg7: memref<2000x16xf32, #tpu.memory_space<vmem>>) attributes {dimension_semantics = [#tpu.dimension_semantics<arbitrary>], iteration_bounds = array<i64: 5>, scalar_prefetch = 0 : i64, scratch_operands = 0 : i64, tpu.core_type = #tpu.core_type<tc>, window_params = [{transform_indices = @transform_0, window_bounds = array<i64: 2, 2000, 128>}, {transform_indices = @transform_1, window_bounds = array<i64: 2000, 128>}, {transform_indices = @transform_2, window_bounds = array<i64: 2000, 16>}, {pipeline_mode = #tpu.pipeline_mode<synchronous>, transform_indices = @transform_3, window_bounds = array<i64: 1, 16>}, {pipeline_mode = #tpu.pipeline_mode<synchronous>, transform_indices = @transform_4, window_bounds = array<i64: 16, 16>}, {transform_indices = @transform_5, window_bounds = array<i64: 2000, 128>}, {transform_indices = @transform_6, window_bounds = array<i64: 2000, 16>}]} {
    %get3A = arith.constant 0 : index
    %get3A_0 = arith.constant 0 : index
    %get3A_1 = arith.constant 0 : index
    %get3A_2 = vector.load %arg1[%get3A, %get3A_0, %get3A_1] : memref<2x2000x128xf32, #tpu.memory_space<vmem>>, vector<1x2000x16xf32>
    %get3A_3 = vector.shape_cast %get3A_2 : vector<1x2000x16xf32> to vector<2000x16xf32>
    %get3A_4 = arith.constant 1 : index
    %get3A_5 = arith.constant 0 : index
    %get3A_6 = arith.constant 0 : index
    %get3A_7 = vector.load %arg1[%get3A_4, %get3A_5, %get3A_6] : memref<2x2000x128xf32, #tpu.memory_space<vmem>>, vector<1x2000x16xf32>
    %get3A_8 = vector.shape_cast %get3A_7 : vector<1x2000x16xf32> to vector<2000x16xf32>
    %add3A = arith.addf %get3A_3, %get3A_8 : vector<2000x16xf32>
    %get3A_9 = arith.constant 0 : index
    %get3A_10 = arith.constant 0 : index
    %get3A_11 = vector.load %arg2[%get3A_9, %get3A_10] : memref<2000x128xf32, #tpu.memory_space<vmem>>, vector<2000x16xf32>
    %add3A_12 = arith.addf %add3A, %get3A_11 : vector<2000x16xf32>
    %get3A_13 = arith.constant 0 : index
    %get3A_14 = arith.constant 0 : index
    %get3A_15 = vector.load %arg3[%get3A_13, %get3A_14] : memref<2000x16xf32, #tpu.memory_space<vmem>>, vector<2000x16xf32>
    %mul3A = arith.mulf %get3A_15, %add3A_12 : vector<2000x16xf32>
    %get3A_16 = arith.constant 0 : index
    %get3A_17 = arith.constant 0 : index
    %get3A_18 = vector.load %arg4[%get3A_16, %get3A_17] : memref<1x16xf32, #tpu.memory_space<vmem>>, vector<1x16xf32>
    %add3A_19 = vector.broadcast %get3A_18 : vector<1x16xf32> to vector<2000x16xf32>
    %add3A_20 = arith.addf %mul3A, %add3A_19 : vector<2000x16xf32>
    %max3A = arith.constant 0.000000e+00 : f32
    %max3A_21 = vector.broadcast %max3A : f32 to vector<2000x16xf32>
    %max3A_22 = arith.maximumf %add3A_20, %max3A_21 : vector<2000x16xf32>
    %get3A_23 = arith.constant 0 : index
    %get3A_24 = arith.constant 0 : index
    %get3A_25 = vector.load %arg5[%get3A_23, %get3A_24] : memref<16x16xf32, #tpu.memory_space<vmem>>, vector<16x16xf32>
    %dot_general3A = arith.constant dense<0.000000e+00> : vector<2000x16xf32>
    %dot_general3A_26 = tpu.matmul %max3A_22, %get3A_25, %dot_general3A {dimension_numbers = #tpu.dot_dimension_numbers<[1], [0], [0], [1], [0, 0, 1, 1], [], []>, transpose_lhs_hint = false} : vector<2000x16xf32>, vector<16x16xf32>, vector<2000x16xf32> -> vector<2000x16xf32>
    %swap3A = arith.constant 0 : index
    %swap3A_27 = arith.constant 0 : index
    %swap3A_28 = vector.load %arg7[%swap3A, %swap3A_27] : memref<2000x16xf32, #tpu.memory_space<vmem>>, vector<2000x16xf32>
    tpu.vector_store %arg7[%swap3A, %swap3A_27], %max3A_22 {strides = array<i32>} : memref<2000x16xf32, #tpu.memory_space<vmem>>, vector<2000x16xf32>,
    %get3A_29 = arith.constant 0 : index
    %get3A_30 = arith.constant 0 : index
    %get3A_31 = vector.load %arg3[%get3A_29, %get3A_30] : memref<2000x16xf32, #tpu.memory_space<vmem>>, vector<2000x16xf32>
    %mul3A_32 = arith.mulf %get3A_31, %dot_general3A_26 : vector<2000x16xf32>
    %broadcast_in_dim3A = arith.constant 0.000000e+00 : f32
    %broadcast_in_dim3A_33 = vector.broadcast %broadcast_in_dim3A : f32 to vector<2000x112xf32>
    %concatenate3A = tpu.concatenate %mul3A_32, %broadcast_in_dim3A_33 in 1 : vector<2000x16xf32>, vector<2000x112xf32> -> vector<2000x128xf32>
    %swap3A_34 = arith.constant 0 : index
    %swap3A_35 = arith.constant 0 : index
    %swap3A_36 = vector.load %arg6[%swap3A_34, %swap3A_35] : memref<2000x128xf32, #tpu.memory_space<vmem>>, vector<2000x128xf32>
    tpu.vector_store %arg6[%swap3A_34, %swap3A_35], %concatenate3A {strides = array<i32>} : memref<2000x128xf32, #tpu.memory_space<vmem>>, vector<2000x128xf32>,
    return
  }
  func.func @transform_0(%arg0: i32) -> (i32, i32, i32) {
    %c0_i32 = arith.constant 0 : i32
    %c0_i32_0 = arith.constant 0 : i32
    %c0_i32_1 = arith.constant 0 : i32
    return %c0_i32, %arg0, %c0_i32_0 : i32, i32, i32
  }
  func.func @transform_1(%arg0: i32) -> (i32, i32) {
    %c0_i32 = arith.constant 0 : i32
    %c0_i32_0 = arith.constant 0 : i32
    return %arg0, %c0_i32 : i32, i32
  }
  func.func @transform_2(%arg0: i32) -> (i32, i32) {
    %c0_i32 = arith.constant 0 : i32
    %c0_i32_0 = arith.constant 0 : i32
    return %arg0, %c0_i32 : i32, i32
  }
  func.func @transform_3(%arg0: i32) -> (i32, i32) {
    %c0_i32 = arith.constant 0 : i32
    %c0_i32_0 = arith.constant 0 : i32
    %c0_i32_1 = arith.constant 0 : i32
    return %c0_i32, %c0_i32_0 : i32, i32
  }
  func.func @transform_4(%arg0: i32) -> (i32, i32) {
    %c0_i32 = arith.constant 0 : i32
    %c0_i32_0 = arith.constant 0 : i32
    %c0_i32_1 = arith.constant 0 : i32
    return %c0_i32, %c0_i32_0 : i32, i32
  }
  func.func @transform_5(%arg0: i32) -> (i32, i32) {
    %c0_i32 = arith.constant 0 : i32
    %c0_i32_0 = arith.constant 0 : i32
    return %arg0, %c0_i32 : i32, i32
  }
  func.func @transform_6(%arg0: i32) -> (i32, i32) {
    %c0_i32 = arith.constant 0 : i32
    %c0_i32_0 = arith.constant 0 : i32
    return %arg0, %c0_i32 : i32, i32
  }
}

module attributes {stable_mosaic.version = 14 : i64} {
  func.func @_mid_body(%arg0: i32, %arg1: memref<2x2000x128xf32, #tpu.memory_space<vmem>>, %arg2: memref<2000x128xf32, #tpu.memory_space<vmem>>, %arg3: memref<2000x16xf32, #tpu.memory_space<vmem>>, %arg4: memref<1x16xf32, #tpu.memory_space<vmem>>, %arg5: memref<16x16xf32, #tpu.memory_space<vmem>>, %arg6: memref<2000x128xf32, #tpu.memory_space<vmem>>, %arg7: memref<2000x16xf32, #tpu.memory_space<vmem>>) attributes {dimension_semantics = [#tpu.dimension_semantics<arbitrary>], iteration_bounds = array<i64: 5>, scalar_prefetch = 0 : i64, scratch_operands = 0 : i64, tpu.core_type = #tpu.core_type<tc>, window_params = [{transform_indices = @transform_0, window_bounds = array<i64: 2, 2000, 128>}, {transform_indices = @transform_1, window_bounds = array<i64: 2000, 128>}, {transform_indices = @transform_2, window_bounds = array<i64: 2000, 16>}, {pipeline_mode = #tpu.pipeline_mode<synchronous>, transform_indices = @transform_3, window_bounds = array<i64: 1, 16>}, {pipeline_mode = #tpu.pipeline_mode<synchronous>, transform_indices = @transform_4, window_bounds = array<i64: 16, 16>}, {transform_indices = @transform_5, window_bounds = array<i64: 2000, 128>}, {transform_indices = @transform_6, window_bounds = array<i64: 2000, 16>}]} {
    %get3A = arith.constant 0 : index
    %get3A_0 = arith.constant 0 : index
    %get3A_1 = arith.constant 0 : index
    %get3A_2 = vector.load %arg1[%get3A, %get3A_0, %get3A_1] : memref<2x2000x128xf32, #tpu.memory_space<vmem>>, vector<1x2000x16xf32>
    %get3A_3 = vector.shape_cast %get3A_2 : vector<1x2000x16xf32> to vector<2000x16xf32>
    %get3A_4 = arith.constant 1 : index
    %get3A_5 = arith.constant 0 : index
    %get3A_6 = arith.constant 0 : index
    %get3A_7 = vector.load %arg1[%get3A_4, %get3A_5, %get3A_6] : memref<2x2000x128xf32, #tpu.memory_space<vmem>>, vector<1x2000x16xf32>
    %get3A_8 = vector.shape_cast %get3A_7 : vector<1x2000x16xf32> to vector<2000x16xf32>
    %add3A = arith.addf %get3A_3, %get3A_8 : vector<2000x16xf32>
    %get3A_9 = arith.constant 0 : index
    %get3A_10 = arith.constant 0 : index
    %get3A_11 = vector.load %arg2[%get3A_9, %get3A_10] : memref<2000x128xf32, #tpu.memory_space<vmem>>, vector<2000x16xf32>
    %add3A_12 = arith.addf %add3A, %get3A_11 : vector<2000x16xf32>
    %get3A_13 = arith.constant 0 : index
    %get3A_14 = arith.constant 0 : index
    %get3A_15 = vector.load %arg3[%get3A_13, %get3A_14] : memref<2000x16xf32, #tpu.memory_space<vmem>>, vector<2000x16xf32>
    %mul3A = arith.mulf %get3A_15, %add3A_12 : vector<2000x16xf32>
    %get3A_16 = arith.constant 0 : index
    %get3A_17 = arith.constant 0 : index
    %get3A_18 = vector.load %arg4[%get3A_16, %get3A_17] : memref<1x16xf32, #tpu.memory_space<vmem>>, vector<1x16xf32>
    %add3A_19 = vector.broadcast %get3A_18 : vector<1x16xf32> to vector<2000x16xf32>
    %add3A_20 = arith.addf %mul3A, %add3A_19 : vector<2000x16xf32>
    %max3A = arith.constant 0.000000e+00 : f32
    %max3A_21 = vector.broadcast %max3A : f32 to vector<2000x16xf32>
    %max3A_22 = arith.maximumf %add3A_20, %max3A_21 : vector<2000x16xf32>
    %get3A_23 = arith.constant 0 : index
    %get3A_24 = arith.constant 0 : index
    %get3A_25 = vector.load %arg5[%get3A_23, %get3A_24] : memref<16x16xf32, #tpu.memory_space<vmem>>, vector<16x16xf32>
    %dot_general3A = arith.constant dense<0.000000e+00> : vector<2000x16xf32>
    %dot_general3A_26 = tpu.matmul %max3A_22, %get3A_25, %dot_general3A {dimension_numbers = #tpu.dot_dimension_numbers<[1], [0], [0], [1], [0, 0, 1, 1], [], []>, transpose_lhs_hint = false} : vector<2000x16xf32>, vector<16x16xf32>, vector<2000x16xf32> -> vector<2000x16xf32>
    %swap3A = arith.constant 0 : index
    %swap3A_27 = arith.constant 0 : index
    %swap3A_28 = vector.load %arg7[%swap3A, %swap3A_27] : memref<2000x16xf32, #tpu.memory_space<vmem>>, vector<2000x16xf32>
    tpu.vector_store %arg7[%swap3A, %swap3A_27], %max3A_22 {strides = array<i32>} : memref<2000x16xf32, #tpu.memory_space<vmem>>, vector<2000x16xf32>,
    %get3A_29 = arith.constant 0 : index
    %get3A_30 = arith.constant 0 : index
    %get3A_31 = vector.load %arg3[%get3A_29, %get3A_30] : memref<2000x16xf32, #tpu.memory_space<vmem>>, vector<2000x16xf32>
    %mul3A_32 = arith.mulf %get3A_31, %dot_general3A_26 : vector<2000x16xf32>
    %broadcast_in_dim3A = arith.constant 0.000000e+00 : f32
    %broadcast_in_dim3A_33 = vector.broadcast %broadcast_in_dim3A : f32 to vector<2000x112xf32>
    %concatenate3A = tpu.concatenate %mul3A_32, %broadcast_in_dim3A_33 in 1 : vector<2000x16xf32>, vector<2000x112xf32> -> vector<2000x128xf32>
    %swap3A_34 = arith.constant 0 : index
    %swap3A_35 = arith.constant 0 : index
    %swap3A_36 = vector.load %arg6[%swap3A_34, %swap3A_35] : memref<2000x128xf32, #tpu.memory_space<vmem>>, vector<2000x128xf32>
    tpu.vector_store %arg6[%swap3A_34, %swap3A_35], %concatenate3A {strides = array<i32>} : memref<2000x128xf32, #tpu.memory_space<vmem>>, vector<2000x128xf32>,
    return
  }
  func.func @transform_0(%arg0: i32) -> (i32, i32, i32) {
    %c0_i32 = arith.constant 0 : i32
    %c0_i32_0 = arith.constant 0 : i32
    %c0_i32_1 = arith.constant 0 : i32
    return %c0_i32, %arg0, %c0_i32_0 : i32, i32, i32
  }
  func.func @transform_1(%arg0: i32) -> (i32, i32) {
    %c0_i32 = arith.constant 0 : i32
    %c0_i32_0 = arith.constant 0 : i32
    return %arg0, %c0_i32 : i32, i32
  }
  func.func @transform_2(%arg0: i32) -> (i32, i32) {
    %c0_i32 = arith.constant 0 : i32
    %c0_i32_0 = arith.constant 0 : i32
    return %arg0, %c0_i32 : i32, i32
  }
  func.func @transform_3(%arg0: i32) -> (i32, i32) {
    %c0_i32 = arith.constant 0 : i32
    %c0_i32_0 = arith.constant 0 : i32
    %c0_i32_1 = arith.constant 0 : i32
    return %c0_i32, %c0_i32_0 : i32, i32
  }
  func.func @transform_4(%arg0: i32) -> (i32, i32) {
    %c0_i32 = arith.constant 0 : i32
    %c0_i32_0 = arith.constant 0 : i32
    %c0_i32_1 = arith.constant 0 : i32
    return %c0_i32, %c0_i32_0 : i32, i32
  }
  func.func @transform_5(%arg0: i32) -> (i32, i32) {
    %c0_i32 = arith.constant 0 : i32
    %c0_i32_0 = arith.constant 0 : i32
    return %arg0, %c0_i32 : i32, i32
  }
  func.func @transform_6(%arg0: i32) -> (i32, i32) {
    %c0_i32 = arith.constant 0 : i32
    %c0_i32_0 = arith.constant 0 : i32
    return %arg0, %c0_i32 : i32, i32
  }
}

module attributes {stable_mosaic.version = 14 : i64} {
  func.func @_fin_body(%arg0: i32, %arg1: memref<2x10000x128xf32, #tpu.memory_space<vmem>>, %arg2: memref<10000x128xf32, #tpu.memory_space<vmem>>, %arg3: memref<10000x16xf32, #tpu.memory_space<vmem>>, %arg4: memref<10000x16xf32, #tpu.memory_space<vmem>>, %arg5: memref<1x1xf32, #tpu.memory_space<vmem>>, %arg6: memref<1x16xf32, #tpu.memory_space<vmem>>, %arg7: memref<1x1xf32, #tpu.memory_space<vmem>>, %arg8: memref<10000x1xf32, #tpu.memory_space<vmem>>, %arg9: memref<1x1xf32, #tpu.memory_space<vmem>>) attributes {dimension_semantics = [#tpu.dimension_semantics<arbitrary>], iteration_bounds = array<i64: 1>, scalar_prefetch = 0 : i64, scratch_operands = 0 : i64, tpu.core_type = #tpu.core_type<tc>, window_params = [{transform_indices = @transform_0, window_bounds = array<i64: 2, 10000, 128>}, {pipeline_mode = #tpu.pipeline_mode<synchronous>, transform_indices = @transform_1, window_bounds = array<i64: 10000, 128>}, {pipeline_mode = #tpu.pipeline_mode<synchronous>, transform_indices = @transform_2, window_bounds = array<i64: 10000, 16>}, {pipeline_mode = #tpu.pipeline_mode<synchronous>, transform_indices = @transform_3, window_bounds = array<i64: 10000, 16>}, {pipeline_mode = #tpu.pipeline_mode<synchronous>, transform_indices = @transform_4, window_bounds = array<i64: 1, 1>}, {pipeline_mode = #tpu.pipeline_mode<synchronous>, transform_indices = @transform_5, window_bounds = array<i64: 1, 16>}, {pipeline_mode = #tpu.pipeline_mode<synchronous>, transform_indices = @transform_6, window_bounds = array<i64: 1, 1>}, {pipeline_mode = #tpu.pipeline_mode<synchronous>, transform_indices = @transform_7, window_bounds = array<i64: 10000, 1>}, {pipeline_mode = #tpu.pipeline_mode<synchronous>, transform_indices = @transform_8, window_bounds = array<i64: 1, 1>}]} {
    %get3A = arith.constant 0 : index
    %get3A_0 = arith.constant 0 : index
    %get3A_1 = vector.load %arg3[%get3A, %get3A_0] : memref<10000x16xf32, #tpu.memory_space<vmem>>, vector<10000x16xf32>
    %get3A_2 = arith.constant 0 : index
    %get3A_3 = arith.constant 0 : index
    %get3A_4 = arith.constant 0 : index
    %get3A_5 = vector.load %arg1[%get3A_2, %get3A_3, %get3A_4] : memref<2x10000x128xf32, #tpu.memory_space<vmem>>, vector<1x10000x16xf32>
    %get3A_6 = vector.shape_cast %get3A_5 : vector<1x10000x16xf32> to vector<10000x16xf32>
    %get3A_7 = arith.constant 1 : index
    %get3A_8 = arith.constant 0 : index
    %get3A_9 = arith.constant 0 : index
    %get3A_10 = vector.load %arg1[%get3A_7, %get3A_8, %get3A_9] : memref<2x10000x128xf32, #tpu.memory_space<vmem>>, vector<1x10000x16xf32>
    %get3A_11 = vector.shape_cast %get3A_10 : vector<1x10000x16xf32> to vector<10000x16xf32>
    %add3A = arith.addf %get3A_6, %get3A_11 : vector<10000x16xf32>
    %get3A_12 = arith.constant 0 : index
    %get3A_13 = arith.constant 0 : index
    %get3A_14 = vector.load %arg2[%get3A_12, %get3A_13] : memref<10000x128xf32, #tpu.memory_space<vmem>>, vector<10000x16xf32>
    %add3A_15 = arith.addf %add3A, %get3A_14 : vector<10000x16xf32>
    %mul3A = arith.mulf %get3A_1, %add3A_15 : vector<10000x16xf32>
    %slice3A = vector.extract_strided_slice %mul3A {offsets = [0, 0], sizes = [10000, 1], strides = [1, 1]} : vector<10000x16xf32> to vector<10000x1xf32>
    %get3A_16 = arith.constant 0 : index
    %get3A_17 = arith.constant 0 : index
    %get3A_18 = vector.load %arg5[%get3A_16, %get3A_17] : memref<1x1xf32, #tpu.memory_space<vmem>>, vector<1x1xf32>
    %add3A_19 = vector.broadcast %get3A_18 : vector<1x1xf32> to vector<10000x1xf32>
    %add3A_20 = arith.addf %slice3A, %add3A_19 : vector<10000x1xf32>
    %reduce_max3A = vector.shape_cast %add3A_20 : vector<10000x1xf32> to vector<1x10000x1xf32>
    %reduce_max3A_21 = arith.constant dense<0xFF800000> : vector<1xf32>
    %reduce_max3A_22 = vector.multi_reduction <maximumf>, %reduce_max3A, %reduce_max3A_21 [1, 2] : vector<1x10000x1xf32> to vector<1xf32>
    %reduce_max3A_23 = vector.shape_cast %reduce_max3A_22 : vector<1xf32> to vector<1x1x1xf32>
    %reduce_max3A_24 = vector.extract %reduce_max3A_23[0, 0, 0] : f32 from vector<1x1x1xf32>
    %sub3A = vector.broadcast %reduce_max3A_24 : f32 to vector<10000x1xf32>
    %sub3A_25 = arith.subf %add3A_20, %sub3A : vector<10000x1xf32>
    %exp3A = math.exp %sub3A_25 : vector<10000x1xf32>
    %reduce_sum3A = vector.shape_cast %exp3A : vector<10000x1xf32> to vector<1x10000x1xf32>
    %reduce_sum3A_26 = arith.constant dense<0.000000e+00> : vector<1xf32>
    %reduce_sum3A_27 = vector.multi_reduction <add>, %reduce_sum3A, %reduce_sum3A_26 [1, 2] : vector<1x10000x1xf32> to vector<1xf32>
    %reduce_sum3A_28 = vector.shape_cast %reduce_sum3A_27 : vector<1xf32> to vector<1x1x1xf32>
    %reduce_sum3A_29 = vector.extract %reduce_sum3A_28[0, 0, 0] : f32 from vector<1x1x1xf32>
    %div3A = vector.broadcast %reduce_sum3A_29 : f32 to vector<10000x1xf32>
    %div3A_30 = arith.divf %exp3A, %div3A : vector<10000x1xf32>
    %swap3A = arith.constant 0 : index
    %swap3A_31 = arith.constant 0 : index
    %swap3A_32 = vector.load %arg8[%swap3A, %swap3A_31] : memref<10000x1xf32, #tpu.memory_space<vmem>>, vector<10000x1xf32>
    tpu.vector_store %arg8[%swap3A, %swap3A_31], %div3A_30 {strides = array<i32>} : memref<10000x1xf32, #tpu.memory_space<vmem>>, vector<10000x1xf32>,
    %get3A_33 = arith.constant 0 : index
    %get3A_34 = arith.constant 0 : index
    %get3A_35 = vector.load %arg4[%get3A_33, %get3A_34] : memref<10000x16xf32, #tpu.memory_space<vmem>>, vector<10000x16xf32>
    %reduce_sum3A_36 = arith.constant dense<0.000000e+00> : vector<16xf32>
    %reduce_sum3A_37 = vector.multi_reduction <add>, %get3A_35, %reduce_sum3A_36 [0] : vector<10000x16xf32> to vector<16xf32>
    %broadcast_in_dim3A = vector.shape_cast %reduce_sum3A_37 : vector<16xf32> to vector<1x16xf32>
    %div3A_38 = arith.constant 1.000000e+04 : f32
    %div3A_39 = vector.broadcast %div3A_38 : f32 to vector<1x16xf32>
    %div3A_40 = arith.divf %broadcast_in_dim3A, %div3A_39 : vector<1x16xf32>
    %get3A_41 = arith.constant 0 : index
    %get3A_42 = arith.constant 0 : index
    %get3A_43 = vector.load %arg6[%get3A_41, %get3A_42] : memref<1x16xf32, #tpu.memory_space<vmem>>, vector<1x16xf32>
    %mul3A_44 = arith.mulf %div3A_40, %get3A_43 : vector<1x16xf32>
    %reduce_sum3A_45 = vector.shape_cast %mul3A_44 : vector<1x16xf32> to vector<1x1x16xf32>
    %reduce_sum3A_46 = arith.constant dense<0.000000e+00> : vector<1xf32>
    %reduce_sum3A_47 = vector.multi_reduction <add>, %reduce_sum3A_45, %reduce_sum3A_46 [1, 2] : vector<1x1x16xf32> to vector<1xf32>
    %reduce_sum3A_48 = vector.shape_cast %reduce_sum3A_47 : vector<1xf32> to vector<1x1x1xf32>
    %reduce_sum3A_49 = vector.extract %reduce_sum3A_48[0, 0, 0] : f32 from vector<1x1x1xf32>
    %reshape3A = vector.broadcast %reduce_sum3A_49 : f32 to vector<1x1xf32>
    %get3A_50 = arith.constant 0 : index
    %get3A_51 = arith.constant 0 : index
    %get3A_52 = vector.load %arg7[%get3A_50, %get3A_51] : memref<1x1xf32, #tpu.memory_space<vmem>>, vector<1x1xf32>
    %add3A_53 = arith.addf %reshape3A, %get3A_52 : vector<1x1xf32>
    %swap3A_54 = arith.constant 0 : index
    %swap3A_55 = arith.constant 0 : index
    %swap3A_56 = vector.load %arg9[%swap3A_54, %swap3A_55] : memref<1x1xf32, #tpu.memory_space<vmem>>, vector<1x1xf32>
    tpu.vector_store %arg9[%swap3A_54, %swap3A_55], %add3A_53 {strides = array<i32>} : memref<1x1xf32, #tpu.memory_space<vmem>>, vector<1x1xf32>,
    return
  }
  func.func @transform_0(%arg0: i32) -> (i32, i32, i32) {
    %c0_i32 = arith.constant 0 : i32
    %c0_i32_0 = arith.constant 0 : i32
    %c0_i32_1 = arith.constant 0 : i32
    %c0_i32_2 = arith.constant 0 : i32
    return %c0_i32, %c0_i32_0, %c0_i32_1 : i32, i32, i32
  }
  func.func @transform_1(%arg0: i32) -> (i32, i32) {
    %c0_i32 = arith.constant 0 : i32
    %c0_i32_0 = arith.constant 0 : i32
    %c0_i32_1 = arith.constant 0 : i32
    return %c0_i32, %c0_i32_0 : i32, i32
  }
  func.func @transform_2(%arg0: i32) -> (i32, i32) {
    %c0_i32 = arith.constant 0 : i32
    %c0_i32_0 = arith.constant 0 : i32
    %c0_i32_1 = arith.constant 0 : i32
    return %c0_i32, %c0_i32_0 : i32, i32
  }
  func.func @transform_3(%arg0: i32) -> (i32, i32) {
    %c0_i32 = arith.constant 0 : i32
    %c0_i32_0 = arith.constant 0 : i32
    %c0_i32_1 = arith.constant 0 : i32
    return %c0_i32, %c0_i32_0 : i32, i32
  }
  func.func @transform_4(%arg0: i32) -> (i32, i32) {
    %c0_i32 = arith.constant 0 : i32
    %c0_i32_0 = arith.constant 0 : i32
    %c0_i32_1 = arith.constant 0 : i32
    return %c0_i32, %c0_i32_0 : i32, i32
  }
  func.func @transform_5(%arg0: i32) -> (i32, i32) {
    %c0_i32 = arith.constant 0 : i32
    %c0_i32_0 = arith.constant 0 : i32
    %c0_i32_1 = arith.constant 0 : i32
    return %c0_i32, %c0_i32_0 : i32, i32
  }
  func.func @transform_6(%arg0: i32) -> (i32, i32) {
    %c0_i32 = arith.constant 0 : i32
    %c0_i32_0 = arith.constant 0 : i32
    %c0_i32_1 = arith.constant 0 : i32
    return %c0_i32, %c0_i32_0 : i32, i32
  }
  func.func @transform_7(%arg0: i32) -> (i32, i32) {
    %c0_i32 = arith.constant 0 : i32
    %c0_i32_0 = arith.constant 0 : i32
    %c0_i32_1 = arith.constant 0 : i32
    return %c0_i32, %c0_i32_0 : i32, i32
  }
  func.func @transform_8(%arg0: i32) -> (i32, i32) {
    %c0_i32 = arith.constant 0 : i32
    %c0_i32_0 = arith.constant 0 : i32
    %c0_i32_1 = arith.constant 0 : i32
    return %c0_i32, %c0_i32_0 : i32, i32
  }
}

</mosaic_0001>

<sc_bundles>
// kernel: gcn_degree.3.cloned.1.call-start
scs
__scs_entry_jumppad:
0x0: {  	(pc) =	sbr.rel $0x88, $3  }
0x1: {  	(tag) =	ssettag $0x0;
	lr =	simm.s32 $0x1  }
0x2: {  	[smem:$0x3F97] =	sst lr;
	_ =	strace $0xD0000000  }
0x3: {  	_ = 	snop  }
0x4: {  	_ = 	snop  }
0x5: {  	_ = 	snop  }
0x6: {  	_ = 	snop  }
0x7: {  	_ = 	snop  }
__scs_overlays_trampoline_lowered:
0x8: {  	[smem:$0x3FA6] =	sst s0  }
0x9: {  	[smem:$0x3FA7] =	sst s1  }
0xa: {  	[smem:$0x3FA8] =	sst s2  }
0xb: {  	[smem:$0x3FA9] =	sst s3  }
0xc: {  	[smem:$0x3FAA] =	sst s4  }
0xd: {  	[smem:$0x3FAB] =	sst s5  }
0xe: {  	[smem:$0x3FAC] =	sst s6  }
0xf: {  	[smem:$0x3FAD] =	sst s7  }
0x10: {  	[smem:$0x3FAE] =	sst s8  }
0x11: {  	[smem:$0x3FAF] =	sst s9;
	s0 =	simm.s32 @!p0 $0x0  }
0x12: {  	s1 =	sld [smem:$0x3F95];
	s0 =	simm.s32 @p0 $0x1  }
0x13: {  	[smem:$0x3FB0] =	sst s0;
	s0 =	simm.s32 @!p1 $0x0  }
0x14: {  	s2 =	sld [smem:$0x3F94];
	s0 =	simm.s32 @p1 $0x1  }
0x15: {  	[smem:$0x3FB1] =	sst s0;
	s0 =	simm.s32 @!p2 $0x0  }
0x16: {  	s3 =	sld [smem:$0x3FDB];
	s0 =	simm.s32 @p2 $0x1  }
0x17: {  	s4 =	simm.s32 $0x1BF5;
	[smem:$0x3FB3] =	sst s0  }
0x18: {  	s0 =	sld [smem:$0x3F96];
	_ =	swait.ge [sflag:s4], $0x0  }
0x19: {  	s7 =	sld [smem:$0x3F97]  }
0x1a: {  	s8 =	sadd.s32 $0xFFFFE003, lr  }
0x1b: {  	s9 =	sadd.s32 $0xFFFFFEF7, lr;
	s5 =	simm.s32 $0xFFFFFFFF;
	p2 =	slt.u32 s8, $0xFFFFF086  }
0x1c: {  	p1 =	slt.u32 s9, $0xF7A;
	s5 =	simm.s32 @!p2 $0x0  }
0x1d: {  	s5 =	simm.s32 @p1 $0x1;
	p0 =	seq.s32 s7, s2  }
0x1e: {  	s7 =	smul.u32 @!p0 $0xF7A, s2;
	p2 =	seq.s32 @!p0 s5, $0x0  }
0x1f: {  	s9 =	smul.u32 $0xF7A, s1;
	s8 =	simm.s32 @!p0 $0x1BF5;
	p2 =	por !p2, p0  }
0x20: {  	[sflag:s8] =	ssyncset.s32 @!p0 $0xFFFFF086;
	s6 =	sadd.s32 @!p0 s3, s7;
	s7 =	simm.s32 @!p0 $0x108  }
0x21: {  	s3 =	sadd.s32 s3, s9;
	s6 =	sadd.s32 @!p0 $0x88, s6;
	s7 =	simm.s32 @p2 $0x1082  }
0x22: {  	[simem:s7], [sflag:s8] =	dma.local @!p0 [hbm:s6], $0xF7A  }
0x23: {  	s9 =	sor.u32 $0xD0000000, s2;
	s6 =	simm.s32 $0x108;
	_ =	swait.ge @!p0 [sflag:s8], $0x0  }
0x24: {  	s3 =	sadd.s32 $0x88, s3;
	s6 =	simm.s32 @!p1 $0x1082;
	[sflag:s4] =	ssyncset.s32 $0xFFFFF086  }
0x25: {  	[simem:s6], [sflag:s4] =	dma.local [hbm:s3], $0xF7A  }
0x26: {  	[smem:$0x3F97] =	sst s1;
	(tag) =	ssettag s2;
	_ =	strace s9  }
0x27: {  	s1 =	sld [smem:$0x3FA7]  }
0x28: {  	s2 =	sld [smem:$0x3FA8]  }
0x29: {  	s4 =	sld [smem:$0x3FAA]  }
0x2a: {  	p0 =	seq.s32 s5, $0x0;
	s5 =	sld [smem:$0x3FAB]  }
0x2b: {  	s6 =	sld [smem:$0x3FAC]  }
0x2c: {  	s7 =	sld [smem:$0x3FAD]  }
0x2d: {  	s3 =	simm.s32 $0x108;
	s8 =	sld [smem:$0x3FAE]  }
0x2e: {  	s3 =	simm.s32 @!p0 $0x1082;
	s9 =	sld [smem:$0x3FAF]  }
0x2f: {  	lr =	sadd.s32 s0, s3;
	s0 =	sld [smem:$0x3FA6]  }
0x30: {  	s3 =	sld [smem:$0x3FA9]  }
0x31: {  	[smem:$0x3FB2] =	sst s10  }
0x32: {  	s10 =	sld [smem:$0x3FB0];
	_ =	sdelay $0x3  }
0x33: {  	p0 =	seq.s32 s10, $0x1;
	s10 =	sld [smem:$0x3FB2];
	_ =	sdelay $0x3  }
0x34: {  	[smem:$0x3FB2] =	sst s10  }
0x35: {  	s10 =	sld [smem:$0x3FB1];
	_ =	sdelay $0x3  }
0x36: {  	p1 =	seq.s32 s10, $0x1;
	s10 =	sld [smem:$0x3FB2];
	_ =	sdelay $0x3  }
0x37: {  	[smem:$0x3FB2] =	sst s10  }
0x38: {  	s10 =	sld [smem:$0x3FB3]  }
0x39: {  	_ = 	snop;
	(pc) =	sbr.ind lr, $3  }
0x3a: {  	_ = 	snop  }
0x3b: {  	_ = 	snop  }
0x3c: {  	p2 =	seq.s32 s10, $0x1;
	s10 =	sld [smem:$0x3FB2]  }
0x3d: {  	_ =	shalt  }
0x3e: {  	_ =	shalt  }
0x3f: {  	_ =	shalt  }
0x40: {  	_ =	shalt  }
0x41: {  	_ =	shalt  }
0x42: {  	_ =	shalt  }
0x43: {  	_ =	shalt  }
0x44: {  	_ =	shalt  }
0x45: {  	_ =	shalt  }
0x46: {  	_ =	shalt  }
0x47: {  	_ =	shalt  }
0x48: {  	_ =	shalt  }
0x49: {  	_ =	shalt  }
0x4a: {  	_ =	shalt  }
0x4b: {  	_ =	shalt  }
0x4c: {  	_ =	shalt  }
0x4d: {  	_ =	shalt  }
0x4e: {  	_ =	shalt  }
0x4f: {  	_ =	shalt  }
0x50: {  	_ =	shalt  }
0x51: {  	_ =	shalt  }
0x52: {  	_ =	shalt  }
0x53: {  	_ =	shalt  }
0x54: {  	_ =	shalt  }
0x55: {  	_ =	shalt  }
0x56: {  	_ =	shalt  }
0x57: {  	_ =	shalt  }
0x58: {  	_ =	shalt  }
0x59: {  	_ =	shalt  }
0x5a: {  	_ =	shalt  }
0x5b: {  	_ =	shalt  }
0x5c: {  	_ =	shalt  }
0x5d: {  	_ =	shalt  }
0x5e: {  	_ =	shalt  }
0x5f: {  	_ =	shalt  }
0x60: {  	_ =	shalt  }
0x61: {  	_ =	shalt  }
0x62: {  	_ =	shalt  }
0x63: {  	_ =	shalt  }
0x64: {  	_ =	shalt  }
0x65: {  	_ =	shalt  }
0x66: {  	_ =	shalt  }
0x67: {  	_ =	shalt  }
0x68: {  	_ =	shalt  }
0x69: {  	_ =	shalt  }
0x6a: {  	_ =	shalt  }
0x6b: {  	_ =	shalt  }
0x6c: {  	_ =	shalt  }
0x6d: {  	_ =	shalt  }
0x6e: {  	_ =	shalt  }
0x6f: {  	_ =	shalt  }
0x70: {  	_ =	shalt  }
0x71: {  	_ =	shalt  }
0x72: {  	_ =	shalt  }
0x73: {  	_ =	shalt  }
0x74: {  	_ =	shalt  }
0x75: {  	_ =	shalt  }
0x76: {  	_ =	shalt  }
0x77: {  	_ =	shalt  }
0x78: {  	_ =	shalt  }
0x79: {  	_ =	shalt  }
0x7a: {  	_ =	shalt  }
0x7b: {  	_ =	shalt  }
0x7c: {  	_ =	shalt  }
0x7d: {  	_ =	shalt  }
0x7e: {  	_ =	shalt  }
0x7f: {  	_ =	shalt  }
0x80: {  	_ =	shalt  }
0x81: {  	_ =	shalt  }
0x82: {  	_ =	shalt  }
0x83: {  	_ =	shalt  }
0x84: {  	_ =	shalt  }
0x85: {  	_ =	shalt  }
0x86: {  	_ =	shalt  }
0x87: {  	_ =	shalt  }
.Lfunc_end0:
.L_simem_size_0:
called_computation_lowered:
.L_overlay_start_0:
0x88: {  	s2 =	sld [smem:$0x3FD9]  }
0x89: {  	s3 =	sld [smem:$0x3FFE];
	_ =	sdelay $0x1  }
0x8a: {  	s1 =	srdreg.scid  }
0x8b: {  	s0 =	sand.u32 $0x1, s1  }
0x8c: {  	s16 =	sshll.u32 s0, $0xA;
	s2 =	sadd.s32 s3, s2  }
0x8d: {  	s2 =	sadd.s32 s2, s16  }
0x8e: {  	[smem:$0x3FBE] =	sst s2  }
0x8f: {  	_ = 	snop  }
0x90: {  	(tm) =	ssettm $0x1  }
0x91: {  	s17 =	sld [smem:$0x3FFB];
	_ =	sdelay $0x3  }
0x92: {  	_ =	strace s17  }
0x93: {  	s2 =	sld [smem:$0x3FFC];
	_ =	sdelay $0x3  }
0x94: {  	_ =	strace s2  }
0x95: {  	s2 =	sld [smem:$0x3FFD];
	_ =	sdelay $0x3  }
0x96: {  	_ =	strace s2  }
0x97: {  	_ =	strace $0x8FFFFFFF  }
0x98: {  	s18 =	sld [smem:$0x3FDB];
	_ =	sdelay $0x1  }
0x99: {  	s19 =	simm.s32 $_scs_section_size  }
0x9a: {  	s4 =	simm.s32 $_size__tile_overlayer_lowered;
	s5 =	simm.s32 $_tile_overlayer_lowered  }
0x9b: {  	s22 =	simm.s32 $0x1BFF;
	s21 =	sshll.u32 s5, $0x1;
	s2 =	sadd.s32 s19, s18  }
0x9c: {  	s6 =	simm.s32 $0x0;
	s20 =	sshll.u32 s4, $0x1;
	s4 =	sadd.s32 s21, s2  }
0x9d: {  	[timem:s6], [sflag:s22] =	dma.local [hbm:s4], s20  }
0x9e: {  	_ =	swait.ge [sflag:s22], s20  }
0x9f: {  	s3 =	ssub.s32 $0x0, s20;
	[sflag:s22] =	ssyncset.done $0x0  }
0xa0: {  	[sflag:s22] =	ssyncadd.s32 s3;
	_ =	sdelay $0x1  }
0xa1: {  	s23 =	simm.s32 $0x1B8B  }
0xa2: {  	_ =	swait.ge [sflag:s23], $0x1  }
0xa3: {  	[sflag:s23] =	ssyncset.done $0x0  }
0xa4: {  	s25 =	simm.s32 $0x1B8E;
	s24 =	sld [smem:$0x3FFE];
	[sflag:s23] =	ssyncadd.s32 $0xFFFFFFFF  }
0xa5: {  	s26 =	simm.s32 $execute0_lowered;
	[smem:$0x3FD2] =	sst s25  }
0xa6: {  	s4 =	sshll.u32 s26, $0x1;
	_ =	strace $0x80000046;
	[dreg:$0x1] =	wrdreg $0xFFFFFFFF  }
0xa7: {  	s28 =	simm.s32 $_size_execute0_lowered;
	s2 =	sadd.s32 s2, s4;
	[dreg:$0x0] =	wrdreg $0x0  }
0xa8: {  	s4 =	sshll.u32 s28, $0x1;
	[dreg:$0x2] =	wrdreg s2  }
0xa9: {  	[dreg:$0x3] =	wrdreg s4  }
0xaa: {  	[dreg:$0x4] =	wrdreg $0xC0  }
0xab: {  	_ =	task [dreg:s6], $0x5FFFF  }
0xac: {  	[dreg:$0x1] =	wrdreg $0xFFFFFFFF  }
0xad: {  	[dreg:$0x0] =	wrdreg $0x60  }
0xae: {  	[dreg:$0x2] =	wrdreg s24  }
0xaf: {  	[dreg:$0x3] =	wrdreg $0x54000  }
0xb0: {  	[dreg:$0x4] =	wrdreg $0x9  }
0xb1: {  	_ =	task.clear_ibuf [dreg:s6], $0x5FFFF;
	_ =	strace $0x90000046  }
0xb2: {  	s29 =	simm.s32 $0x9;
	_ =	strace $0x80000048  }
0xb3: {  	_ =	swait.ge [sflag:s29], $0x1  }
0xb4: {  	[sflag:s29] =	ssyncadd.s32 $0xFFFFFFFF  }
0xb5: {  	_ =	strace $0x90000048  }
0xb6: {  	_ =	sfence  }
0xb7: {  	s30 =	sld [smem:$0x0];
	_ =	sdelay $0x2  }
0xb8: {  	s31 =	sshll.u32 s1, $0xD;
	s1 =	sshrl.u32 s1, $0x2  }
0xb9: {  	s3 =	sand.u32 $0x4000, s31;
	s1 =	sadd.s32 s1, s30  }
0xba: {  	s0 =	sor.u32 s3, s0;
	s1 =	sshll.u32 s1, $0x11  }
0xbb: {  	s0 =	sor.u32 s1, s0  }
0xbc: {  	s0 =	sadd.s32 $0x8F2B, s0  }
0xbd: {  	[sflag:s0] =	ssyncadd.remote.s32 $0x1  }
0xbe: {  	_ =	sfence.sel $0xFFFF  }
0xbf: {  	[dreg:$0x0] =	wrdreg $0xFFFFFFFF;
	(pc) =	sbr.abs _section_cstart, $3  }
0xc0: {  	[dreg:$0x1] =	wrdreg $0xFFFFFFFF  }
0xc1: {  	_ =	task.clear_ibuf [dreg:s6], $0x2FFFF;
	_ =	strace $0x9FFFFFFF  }
0xc2: {  	(tm) =	ssettm $0x7FFFFFFF  }
0xc3: {  	_ =	shalt  }
tec
execute0_lowered:
.L_overlay_start_1:
0x0: {  	(tag) =	ssettag $0x1  }
0x1: {  	s0 =	rddreg [dreg:$0x0]  }
0x2: {  	s2 =	rddreg [dreg:$0x1]  }
0x3: {  	s12 =	stileid.u32;
	s1 =	srdreg.scid  }
0x4: {  	s3 =	simm.s32 $0x0;
	s13 =	simm.s32 $0x1400;
	s14 =	simm.s32 $0x80  }
0x5: {  	s21 =	simm.s32 $0xD00;
	s22 =	simm.s32 $0xD80;
	s28 =	simm.s32 $0x1000  }
0x6: {  	s29 =	simm.s32 $0x1080;
	s30 =	simm.s32 $0x1100;
	s31 =	simm.s32 $0x1180  }
0x7: {  	s15 =	simm.s32 $0x1300;
	s16 =	simm.s32 $0x1;
	s17 =	simm.s32 $0x0  }
0x8: {  	s5 =	smul.u32 $0x14000, s12;
	s1 =	sand.u32 $0x1, s1;
	[smem:$0x7FF] =	sst s3  }
0x9: {  	s7 =	sadd.s32 $0x2E00, s0;
	s4 =	sadd.s32 $0x34E00, s0;
	s8 =	smul.u32 $0x50000, s12  }
0xa: {  	s24 =	sshll.u32 s12, $0x6;
	s26 =	sshll.u32 s12, $0x4;
	s6 =	smul.u32 $0x140000, s1  }
0xb: {  	_ =	strace $0x80000047;
	s23 =	ssub.s32 $0x2, s1;
	s1 =	sshll.u32 s1, $0x4  }
0xc: {  	s9 =	sshrl.u32 s23, $0x1;
	s8 =	sshrl.u32 s8, $0x2;
	s1 =	sor.u32 s12, s1  }
0xd: {  	s12 =	simm.s32 $0x2;
	s6 =	sadd.s32 s5, s6;
	s5 =	sshrl.u32 s5, $0x3  }
0xe: {  	s10 =	ssub.s32 s23, s9;
	s11 =	sadd.s32 s8, s2;
	s25 =	smul.u32 $0x270, s1  }
0xf: {  	s9 =	sadd.s32 s26, s7;
	p0 =	sgt.u32 s1, $0x1;
	s23 =	simm.s32 $0xE00  }
0x10: {  	s26 =	simm.s32 $0xF80;
	s1 =	simm.s32 $0x1280;
	s6 =	sshrl.u32 s6, $0x3  }
0x11: {  	s5 =	sadd.s32 s5, s0;
	s8 =	sadd.s32 $0x4E00, s9;
	s10 =	smax.u32 s10, $0x1  }
0x12: {  	s11 =	sshrl.u32 s11, $0x3;
	s0 =	sadd.s32 s6, s0;
	s5 =	sadd.s32 $0xCE00, s5  }
0x13: {  	s6 =	sor.u32 $0x1C02, s24;
	s7 =	sadd.s32 s7, s25;
	s24 =	simm.s32 $0xE80  }
0x14: {  	s25 =	simm.s32 $0xF00;
	s9 =	sadd.s32 $0x35600, s0;
	s0 =	simm.s32 $0x1200  }
.LBB2_1:
0x15: {  	[spmem:s11], [sflag:s6] =	dma.local [hbm:s5], $0x2800  }
0x16: {  	_ =	swait.ge [sflag:s12], $0x2800  }
0x17: {  	[sflag:s12] =	ssyncset.done $0x0  }
0x18: {  	[sflag:s12] =	ssyncadd.s32 $0xFFFFD800  }
0x19: {  	[bflag:$0x0] =	sbarrier.arrive $0xFFFF  }
0x1a: {  	[tilespmem:s3], [sflag:$0x2] =	stream.linear.gather [hbm4b:s7+s3], $0x1380, $0x38;
	[tilespmem:$0x19400] =	vst v63  }
0x1b: {  	_ =	swait.ge [sflag:s12], $0x1380  }
0x1c: {  	[sflag:s12] =	ssyncset.done $0x0  }
0x1d: {  	s18 =	simm.s32 @!p0 $0x0;
	s19 =	simm.s32 @!p0 $0x1380;
	[sflag:s12] =	ssyncadd.s32 $0xFFFFEC80  }
0x1e: {  	[tilespmem:s19], [sflag:$0x2] =	stream.linear.gather @!p0 [hbm4b:s8+s18], $0x80, $0x38;
	[tilespmem:$0x19400] =	vst v63  }
0x1f: {  	s18 =	simm.s32 @!p0 $0x2  }
0x20: {  	_ =	swait.ge @!p0 [sflag:s18], $0x80  }
0x21: {  	[sflag:s18] =	ssyncset.done @!p0 $0x0  }
0x22: {  	[sflag:s18] =	ssyncadd.s32 @!p0 $0xFFFFFF80  }
0x23: {  	[tilespmem:s13], [sflag:$0x2] =	stream.linear.gather [hbm4b:s4+s3], $0x4000, $0x38;
	[tilespmem:$0x19400] =	vst v63  }
0x24: {  	_ =	swait.ge [sflag:s12], $0x4000  }
0x25: {  	[sflag:s12] =	ssyncset.done $0x0  }
0x26: {  	[sflag:s12] =	ssyncadd.s32 $0xFFFFC000  }
0x27: {  	[spmem:s2] =	stream.indirect.scatter.add.f32 [tilespmem:s13], [sflag:$0x1], $0x80, s3, s14, $0xb8;
	[tilespmem:$0x19400] =	vst v63  }
0x28: {  	_ = 	snop  }
0x29: {  	[spmem:s2] =	stream.indirect.scatter.add.f32 [tilespmem:s13], [sflag:$0x1], $0x80, s14, s14, $0xb8;
	[tilespmem:$0x19400] =	vst v63  }
0x2a: {  	s20 =	simm.s32 $0x100  }
0x2b: {  	[spmem:s2] =	stream.indirect.scatter.add.f32 [tilespmem:s13], [sflag:$0x1], $0x80, s20, s14, $0xb8;
	[tilespmem:$0x19400] =	vst v63  }
0x2c: {  	s20 =	simm.s32 $0x180  }
0x2d: {  	[spmem:s2] =	stream.indirect.scatter.add.f32 [tilespmem:s13], [sflag:$0x1], $0x80, s20, s14, $0xb8;
	[tilespmem:$0x19400] =	vst v63  }
0x2e: {  	s20 =	simm.s32 $0x200  }
0x2f: {  	[spmem:s2] =	stream.indirect.scatter.add.f32 [tilespmem:s13], [sflag:$0x1], $0x80, s20, s14, $0xb8;
	[tilespmem:$0x19400] =	vst v63  }
0x30: {  	s20 =	simm.s32 $0x280  }
0x31: {  	[spmem:s2] =	stream.indirect.scatter.add.f32 [tilespmem:s13], [sflag:$0x1], $0x80, s20, s14, $0xb8;
	[tilespmem:$0x19400] =	vst v63  }
0x32: {  	s20 =	simm.s32 $0x300  }
0x33: {  	[spmem:s2] =	stream.indirect.scatter.add.f32 [tilespmem:s13], [sflag:$0x1], $0x80, s20, s14, $0xb8;
	[tilespmem:$0x19400] =	vst v63  }
0x34: {  	s20 =	simm.s32 $0x380  }
0x35: {  	[spmem:s2] =	stream.indirect.scatter.add.f32 [tilespmem:s13], [sflag:$0x1], $0x80, s20, s14, $0xb8;
	[tilespmem:$0x19400] =	vst v63  }
0x36: {  	s20 =	simm.s32 $0x400  }
0x37: {  	[spmem:s2] =	stream.indirect.scatter.add.f32 [tilespmem:s13], [sflag:$0x1], $0x80, s20, s14, $0xb8;
	[tilespmem:$0x19400] =	vst v63  }
0x38: {  	s20 =	simm.s32 $0x480  }
0x39: {  	[spmem:s2] =	stream.indirect.scatter.add.f32 [tilespmem:s13], [sflag:$0x1], $0x80, s20, s14, $0xb8;
	[tilespmem:$0x19400] =	vst v63  }
0x3a: {  	s20 =	simm.s32 $0x500  }
0x3b: {  	[spmem:s2] =	stream.indirect.scatter.add.f32 [tilespmem:s13], [sflag:$0x1], $0x80, s20, s14, $0xb8;
	[tilespmem:$0x19400] =	vst v63  }
0x3c: {  	s20 =	simm.s32 $0x580  }
0x3d: {  	[spmem:s2] =	stream.indirect.scatter.add.f32 [tilespmem:s13], [sflag:$0x1], $0x80, s20, s14, $0xb8;
	[tilespmem:$0x19400] =	vst v63  }
0x3e: {  	s20 =	simm.s32 $0x600  }
0x3f: {  	[spmem:s2] =	stream.indirect.scatter.add.f32 [tilespmem:s13], [sflag:$0x1], $0x80, s20, s14, $0xb8;
	[tilespmem:$0x19400] =	vst v63  }
0x40: {  	s20 =	simm.s32 $0x680  }
0x41: {  	[spmem:s2] =	stream.indirect.scatter.add.f32 [tilespmem:s13], [sflag:$0x1], $0x80, s20, s14, $0xb8;
	[tilespmem:$0x19400] =	vst v63  }
0x42: {  	s20 =	simm.s32 $0x700  }
0x43: {  	[spmem:s2] =	stream.indirect.scatter.add.f32 [tilespmem:s13], [sflag:$0x1], $0x80, s20, s14, $0xb8;
	[tilespmem:$0x19400] =	vst v63  }
0x44: {  	s20 =	simm.s32 $0x780  }
0x45: {  	[spmem:s2] =	stream.indirect.scatter.add.f32 [tilespmem:s13], [sflag:$0x1], $0x80, s20, s14, $0xb8;
	[tilespmem:$0x19400] =	vst v63  }
0x46: {  	s20 =	simm.s32 $0x800  }
0x47: {  	[spmem:s2] =	stream.indirect.scatter.add.f32 [tilespmem:s13], [sflag:$0x1], $0x80, s20, s14, $0xb8;
	[tilespmem:$0x19400] =	vst v63  }
0x48: {  	s20 =	simm.s32 $0x880  }
0x49: {  	[spmem:s2] =	stream.indirect.scatter.add.f32 [tilespmem:s13], [sflag:$0x1], $0x80, s20, s14, $0xb8;
	[tilespmem:$0x19400] =	vst v63  }
0x4a: {  	s20 =	simm.s32 $0x900  }
0x4b: {  	[spmem:s2] =	stream.indirect.scatter.add.f32 [tilespmem:s13], [sflag:$0x1], $0x80, s20, s14, $0xb8;
	[tilespmem:$0x19400] =	vst v63  }
0x4c: {  	s20 =	simm.s32 $0x980  }
0x4d: {  	[spmem:s2] =	stream.indirect.scatter.add.f32 [tilespmem:s13], [sflag:$0x1], $0x80, s20, s14, $0xb8;
	[tilespmem:$0x19400] =	vst v63  }
0x4e: {  	s20 =	simm.s32 $0xA00  }
0x4f: {  	[spmem:s2] =	stream.indirect.scatter.add.f32 [tilespmem:s13], [sflag:$0x1], $0x80, s20, s14, $0xb8;
	[tilespmem:$0x19400] =	vst v63  }
0x50: {  	s20 =	simm.s32 $0xA80  }
0x51: {  	[spmem:s2] =	stream.indirect.scatter.add.f32 [tilespmem:s13], [sflag:$0x1], $0x80, s20, s14, $0xb8;
	[tilespmem:$0x19400] =	vst v63  }
0x52: {  	s20 =	simm.s32 $0xB00  }
0x53: {  	[spmem:s2] =	stream.indirect.scatter.add.f32 [tilespmem:s13], [sflag:$0x1], $0x80, s20, s14, $0xb8;
	[tilespmem:$0x19400] =	vst v63  }
0x54: {  	s20 =	simm.s32 $0xB80  }
0x55: {  	[spmem:s2] =	stream.indirect.scatter.add.f32 [tilespmem:s13], [sflag:$0x1], $0x80, s20, s14, $0xb8;
	[tilespmem:$0x19400] =	vst v63  }
0x56: {  	s20 =	simm.s32 $0xC00  }
0x57: {  	[spmem:s2] =	stream.indirect.scatter.add.f32 [tilespmem:s13], [sflag:$0x1], $0x80, s20, s14, $0xb8;
	[tilespmem:$0x19400] =	vst v63  }
0x58: {  	s20 =	simm.s32 $0xC80  }
0x59: {  	[spmem:s2] =	stream.indirect.scatter.add.f32 [tilespmem:s13], [sflag:$0x1], $0x80, s20, s14, $0xb8;
	[tilespmem:$0x19400] =	vst v63  }
0x5a: {  	_ = 	snop  }
0x5b: {  	[spmem:s2] =	stream.indirect.scatter.add.f32 [tilespmem:s13], [sflag:$0x1], $0x80, s21, s14, $0xb8;
	[tilespmem:$0x19400] =	vst v63  }
0x5c: {  	_ = 	snop  }
0x5d: {  	[spmem:s2] =	stream.indirect.scatter.add.f32 [tilespmem:s13], [sflag:$0x1], $0x80, s22, s14, $0xb8;
	[tilespmem:$0x19400] =	vst v63  }
0x5e: {  	_ = 	snop  }
0x5f: {  	[spmem:s2] =	stream.indirect.scatter.add.f32 [tilespmem:s13], [sflag:$0x1], $0x80, s23, s14, $0xb8;
	[tilespmem:$0x19400] =	vst v63  }
0x60: {  	_ = 	snop  }
0x61: {  	[spmem:s2] =	stream.indirect.scatter.add.f32 [tilespmem:s13], [sflag:$0x1], $0x80, s24, s14, $0xb8;
	[tilespmem:$0x19400] =	vst v63  }
0x62: {  	_ = 	snop  }
0x63: {  	[spmem:s2] =	stream.indirect.scatter.add.f32 [tilespmem:s13], [sflag:$0x1], $0x80, s25, s14, $0xb8;
	[tilespmem:$0x19400] =	vst v63  }
0x64: {  	_ = 	snop  }
0x65: {  	[spmem:s2] =	stream.indirect.scatter.add.f32 [tilespmem:s13], [sflag:$0x1], $0x80, s26, s14, $0xb8;
	[tilespmem:$0x19400] =	vst v63  }
0x66: {  	_ = 	snop  }
0x67: {  	[spmem:s2] =	stream.indirect.scatter.add.f32 [tilespmem:s13], [sflag:$0x1], $0x80, s28, s14, $0xb8;
	[tilespmem:$0x19400] =	vst v63  }
0x68: {  	_ = 	snop  }
0x69: {  	[spmem:s2] =	stream.indirect.scatter.add.f32 [tilespmem:s13], [sflag:$0x1], $0x80, s29, s14, $0xb8;
	[tilespmem:$0x19400] =	vst v63  }
0x6a: {  	_ = 	snop  }
0x6b: {  	[spmem:s2] =	stream.indirect.scatter.add.f32 [tilespmem:s13], [sflag:$0x1], $0x80, s30, s14, $0xb8;
	[tilespmem:$0x19400] =	vst v63  }
0x6c: {  	_ = 	snop  }
0x6d: {  	[spmem:s2] =	stream.indirect.scatter.add.f32 [tilespmem:s13], [sflag:$0x1], $0x80, s31, s14, $0xb8;
	[tilespmem:$0x19400] =	vst v63  }
0x6e: {  	_ = 	snop  }
0x6f: {  	[spmem:s2] =	stream.indirect.scatter.add.f32 [tilespmem:s13], [sflag:$0x1], $0x80, s0, s14, $0xb8;
	[tilespmem:$0x19400] =	vst v63  }
0x70: {  	_ = 	snop  }
0x71: {  	[spmem:s2] =	stream.indirect.scatter.add.f32 [tilespmem:s13], [sflag:$0x1], $0x80, s1, s14, $0xb8;
	[tilespmem:$0x19400] =	vst v63  }
0x72: {  	_ = 	snop  }
0x73: {  	[spmem:s2] =	stream.indirect.scatter.add.f32 [tilespmem:s13], [sflag:$0x1], $0x80, s15, s14, $0xb8;
	[tilespmem:$0x19400] =	vst v63  }
0x74: {  	s18 =	simm.s32 @!p0 $0x80;
	s20 =	simm.s32 @!p0 $0x1400  }
0x75: {  	[spmem:s2] =	stream.indirect.scatter.add.f32 @!p0 [tilespmem:s20], [sflag:$0x1], $0x80, s19, s18, $0xb8;
	[tilespmem:$0x19400] =	vst v63  }
0x76: {  	s18 =	simm.s32 @!p0 $0x1  }
0x77: {  	_ =	swait.ge @!p0 [sflag:s18], $0x4000  }
0x78: {  	[sflag:s18] =	ssyncset.done @!p0 $0x0  }
0x79: {  	[sflag:s18] =	ssyncadd.s32 @!p0 $0xFFFFC000  }
0x7a: {  	_ =	swait.ge [sflag:s16], $0x4000  }
0x7b: {  	s18 =	simm.s32 $0x26;
	[sflag:s16] =	ssyncset.done $0x0  }
.LBB2_2:
0x7c: {  	p1 =	sne.s32 s18, $0x1;
	s18 =	sadd.s32 $0xFFFFFFFF, s18;
	[sflag:s16] =	ssyncadd.s32 $0xFFFFC000  }
.Ltmp0:
0x7d: {  	(pc) =	sbr.rel @p1 .LBB2_2-.Ltmp0, $3  }
0x7e: {  	_ =	sdelay $0x1  }
0x7f: {  	_ =	swait.ge [sflag:s16], $0x4000  }
0x80: {  	[sflag:s16] =	ssyncset.done $0x0  }
0x81: {  	s17 =	sadd.s32 $0x1, s17  }
0x82: {  	[sflag:s16] =	ssyncadd.s32 $0xFFFFC000;
	p1 =	sne.s32 s17, s10  }
.Ltmp1:
0x83: {  	[bflag:$0x0] =	sbarrier.arrive $0xFFFF;
	(pc) =	sbr.rel @p1 .LBB2_1-.Ltmp1, $4  }
0x84: {  	[hbm:s9], [sflag:s6] =	dma.local [spmem:s11], $0x2800  }
0x85: {  	_ =	swait.ge [sflag:s12], $0x2800  }
0x86: {  	[sflag:s12] =	ssyncset.done $0x0  }
0x87: {  	[sflag:s12] =	ssyncadd.s32 $0xFFFFD800  }
0x88: {  	_ =	sfence.sel $0x180000  }
0x89: {  	[bflag:$0x0] =	sbarrier.arrive $0xFFFF  }
0x8a: {  	_ =	strace $0x90000047  }
0x8b: {  	s0 =	stileid.u32;
	[bflag:$0x2] =	sbarrier.arrive $0xFFFF  }
0x8c: {  	p0 =	sne.s32 s0, $0x0;
	s0 =	rddreg [dreg:$0x2]  }
0x8d: {  	s0 =	sadd.s32 @!p0 $0x100000, s0  }
0x8e: {  	[sflag:s0] =	ssyncadd.tile.s32 @!p0 $0x1;
	_ =	shalt  }
.Lfunc_end2:
_tile_overlayer_lowered:
.L_overlay_start_2:
0x8f: {  	(tag) =	ssettag $0x2  }
0x90: {  	s0 =	rddreg [dreg:$0x0];
	s2 =	stileid.u32  }
0x91: {  	s1 =	rddreg [dreg:$0x1];
	p0 =	sne.s32 s2, $0x0  }
0x92: {  	s3 =	rddreg [dreg:$0x2];
	[bflag:$0x3] =	sbarrier.arrive $0xFFFF;
	s2 =	simm.s32 @!p0 $0x1C02  }
0x93: {  	[timem:s3], [sflag:s2] =	dma.local @!p0 [hbm:s0], s1  }
0x94: {  	s0 =	simm.s32 @!p0 $0x2  }
0x95: {  	_ =	swait.ge @!p0 [sflag:s0], s1  }
0x96: {  	s1 =	ssub.s32 @!p0 $0x0, s1;
	[sflag:s0] =	ssyncset.done @!p0 $0x0  }
0x97: {  	[sflag:s0] =	ssyncadd.s32 @!p0 s1  }
0x98: {  	[bflag:$0x3] =	sbarrier.arrive $0xFFFF  }
0x99: {  	_ =	shalt  }

// kernel: gcn_edge_prop.11.cloned.1.call-start
scs
__scs_entry_jumppad:
0x0: {  	(pc) =	sbr.rel $0x88, $3  }
0x1: {  	(tag) =	ssettag $0x0;
	lr =	simm.s32 $0x1  }
0x2: {  	[smem:$0x3F97] =	sst lr;
	_ =	strace $0xD0000000  }
0x3: {  	_ = 	snop  }
0x4: {  	_ = 	snop  }
0x5: {  	_ = 	snop  }
0x6: {  	_ = 	snop  }
0x7: {  	_ = 	snop  }
__scs_overlays_trampoline_lowered:
0x8: {  	[smem:$0x3FA6] =	sst s0  }
0x9: {  	[smem:$0x3FA7] =	sst s1  }
0xa: {  	[smem:$0x3FA8] =	sst s2  }
0xb: {  	[smem:$0x3FA9] =	sst s3  }
0xc: {  	[smem:$0x3FAA] =	sst s4  }
0xd: {  	[smem:$0x3FAB] =	sst s5  }
0xe: {  	[smem:$0x3FAC] =	sst s6  }
0xf: {  	[smem:$0x3FAD] =	sst s7  }
0x10: {  	[smem:$0x3FAE] =	sst s8  }
0x11: {  	[smem:$0x3FAF] =	sst s9;
	s0 =	simm.s32 @!p0 $0x0  }
0x12: {  	s1 =	sld [smem:$0x3F95];
	s0 =	simm.s32 @p0 $0x1  }
0x13: {  	[smem:$0x3FB0] =	sst s0;
	s0 =	simm.s32 @!p1 $0x0  }
0x14: {  	s2 =	sld [smem:$0x3F94];
	s0 =	simm.s32 @p1 $0x1  }
0x15: {  	[smem:$0x3FB1] =	sst s0;
	s0 =	simm.s32 @!p2 $0x0  }
0x16: {  	s3 =	sld [smem:$0x3FDB];
	s0 =	simm.s32 @p2 $0x1  }
0x17: {  	s4 =	simm.s32 $0x1BF5;
	[smem:$0x3FB3] =	sst s0  }
0x18: {  	s0 =	sld [smem:$0x3F96];
	_ =	swait.ge [sflag:s4], $0x0  }
0x19: {  	s7 =	sld [smem:$0x3F97]  }
0x1a: {  	s8 =	sadd.s32 $0xFFFFE003, lr  }
0x1b: {  	s9 =	sadd.s32 $0xFFFFFEF7, lr;
	s5 =	simm.s32 $0xFFFFFFFF;
	p2 =	slt.u32 s8, $0xFFFFF086  }
0x1c: {  	p1 =	slt.u32 s9, $0xF7A;
	s5 =	simm.s32 @!p2 $0x0  }
0x1d: {  	s5 =	simm.s32 @p1 $0x1;
	p0 =	seq.s32 s7, s2  }
0x1e: {  	s7 =	smul.u32 @!p0 $0xF7A, s2;
	p2 =	seq.s32 @!p0 s5, $0x0  }
0x1f: {  	s9 =	smul.u32 $0xF7A, s1;
	s8 =	simm.s32 @!p0 $0x1BF5;
	p2 =	por !p2, p0  }
0x20: {  	[sflag:s8] =	ssyncset.s32 @!p0 $0xFFFFF086;
	s6 =	sadd.s32 @!p0 s3, s7;
	s7 =	simm.s32 @!p0 $0x108  }
0x21: {  	s3 =	sadd.s32 s3, s9;
	s6 =	sadd.s32 @!p0 $0x88, s6;
	s7 =	simm.s32 @p2 $0x1082  }
0x22: {  	[simem:s7], [sflag:s8] =	dma.local @!p0 [hbm:s6], $0xF7A  }
0x23: {  	s9 =	sor.u32 $0xD0000000, s2;
	s6 =	simm.s32 $0x108;
	_ =	swait.ge @!p0 [sflag:s8], $0x0  }
0x24: {  	s3 =	sadd.s32 $0x88, s3;
	s6 =	simm.s32 @!p1 $0x1082;
	[sflag:s4] =	ssyncset.s32 $0xFFFFF086  }
0x25: {  	[simem:s6], [sflag:s4] =	dma.local [hbm:s3], $0xF7A  }
0x26: {  	[smem:$0x3F97] =	sst s1;
	(tag) =	ssettag s2;
	_ =	strace s9  }
0x27: {  	s1 =	sld [smem:$0x3FA7]  }
0x28: {  	s2 =	sld [smem:$0x3FA8]  }
0x29: {  	s4 =	sld [smem:$0x3FAA]  }
0x2a: {  	p0 =	seq.s32 s5, $0x0;
	s5 =	sld [smem:$0x3FAB]  }
0x2b: {  	s6 =	sld [smem:$0x3FAC]  }
0x2c: {  	s7 =	sld [smem:$0x3FAD]  }
0x2d: {  	s3 =	simm.s32 $0x108;
	s8 =	sld [smem:$0x3FAE]  }
0x2e: {  	s3 =	simm.s32 @!p0 $0x1082;
	s9 =	sld [smem:$0x3FAF]  }
0x2f: {  	lr =	sadd.s32 s0, s3;
	s0 =	sld [smem:$0x3FA6]  }
0x30: {  	s3 =	sld [smem:$0x3FA9]  }
0x31: {  	[smem:$0x3FB2] =	sst s10  }
0x32: {  	s10 =	sld [smem:$0x3FB0];
	_ =	sdelay $0x3  }
0x33: {  	p0 =	seq.s32 s10, $0x1;
	s10 =	sld [smem:$0x3FB2];
	_ =	sdelay $0x3  }
0x34: {  	[smem:$0x3FB2] =	sst s10  }
0x35: {  	s10 =	sld [smem:$0x3FB1];
	_ =	sdelay $0x3  }
0x36: {  	p1 =	seq.s32 s10, $0x1;
	s10 =	sld [smem:$0x3FB2];
	_ =	sdelay $0x3  }
0x37: {  	[smem:$0x3FB2] =	sst s10  }
0x38: {  	s10 =	sld [smem:$0x3FB3]  }
0x39: {  	_ = 	snop;
	(pc) =	sbr.ind lr, $3  }
0x3a: {  	_ = 	snop  }
0x3b: {  	_ = 	snop  }
0x3c: {  	p2 =	seq.s32 s10, $0x1;
	s10 =	sld [smem:$0x3FB2]  }
0x3d: {  	_ =	shalt  }
0x3e: {  	_ =	shalt  }
0x3f: {  	_ =	shalt  }
0x40: {  	_ =	shalt  }
0x41: {  	_ =	shalt  }
0x42: {  	_ =	shalt  }
0x43: {  	_ =	shalt  }
0x44: {  	_ =	shalt  }
0x45: {  	_ =	shalt  }
0x46: {  	_ =	shalt  }
0x47: {  	_ =	shalt  }
0x48: {  	_ =	shalt  }
0x49: {  	_ =	shalt  }
0x4a: {  	_ =	shalt  }
0x4b: {  	_ =	shalt  }
0x4c: {  	_ =	shalt  }
0x4d: {  	_ =	shalt  }
0x4e: {  	_ =	shalt  }
0x4f: {  	_ =	shalt  }
0x50: {  	_ =	shalt  }
0x51: {  	_ =	shalt  }
0x52: {  	_ =	shalt  }
0x53: {  	_ =	shalt  }
0x54: {  	_ =	shalt  }
0x55: {  	_ =	shalt  }
0x56: {  	_ =	shalt  }
0x57: {  	_ =	shalt  }
0x58: {  	_ =	shalt  }
0x59: {  	_ =	shalt  }
0x5a: {  	_ =	shalt  }
0x5b: {  	_ =	shalt  }
0x5c: {  	_ =	shalt  }
0x5d: {  	_ =	shalt  }
0x5e: {  	_ =	shalt  }
0x5f: {  	_ =	shalt  }
0x60: {  	_ =	shalt  }
0x61: {  	_ =	shalt  }
0x62: {  	_ =	shalt  }
0x63: {  	_ =	shalt  }
0x64: {  	_ =	shalt  }
0x65: {  	_ =	shalt  }
0x66: {  	_ =	shalt  }
0x67: {  	_ =	shalt  }
0x68: {  	_ =	shalt  }
0x69: {  	_ =	shalt  }
0x6a: {  	_ =	shalt  }
0x6b: {  	_ =	shalt  }
0x6c: {  	_ =	shalt  }
0x6d: {  	_ =	shalt  }
0x6e: {  	_ =	shalt  }
0x6f: {  	_ =	shalt  }
0x70: {  	_ =	shalt  }
0x71: {  	_ =	shalt  }
0x72: {  	_ =	shalt  }
0x73: {  	_ =	shalt  }
0x74: {  	_ =	shalt  }
0x75: {  	_ =	shalt  }
0x76: {  	_ =	shalt  }
0x77: {  	_ =	shalt  }
0x78: {  	_ =	shalt  }
0x79: {  	_ =	shalt  }
0x7a: {  	_ =	shalt  }
0x7b: {  	_ =	shalt  }
0x7c: {  	_ =	shalt  }
0x7d: {  	_ =	shalt  }
0x7e: {  	_ =	shalt  }
0x7f: {  	_ =	shalt  }
0x80: {  	_ =	shalt  }
0x81: {  	_ =	shalt  }
0x82: {  	_ =	shalt  }
0x83: {  	_ =	shalt  }
0x84: {  	_ =	shalt  }
0x85: {  	_ =	shalt  }
0x86: {  	_ =	shalt  }
0x87: {  	_ =	shalt  }
.Lfunc_end0:
.L_simem_size_0:
called_computation.3_lowered:
.L_overlay_start_0:
0x88: {  	s2 =	sld [smem:$0x3FD9]  }
0x89: {  	s3 =	sld [smem:$0x3FFE];
	_ =	sdelay $0x1  }
0x8a: {  	s1 =	srdreg.scid  }
0x8b: {  	s0 =	sand.u32 $0x1, s1  }
0x8c: {  	s16 =	sshll.u32 s0, $0xA;
	s2 =	sadd.s32 s3, s2  }
0x8d: {  	s2 =	sadd.s32 s2, s16  }
0x8e: {  	[smem:$0x3FBE] =	sst s2  }
0x8f: {  	_ = 	snop  }
0x90: {  	(tm) =	ssettm $0x1  }
0x91: {  	s17 =	sld [smem:$0x3FFB];
	_ =	sdelay $0x3  }
0x92: {  	_ =	strace s17  }
0x93: {  	s2 =	sld [smem:$0x3FFC];
	_ =	sdelay $0x3  }
0x94: {  	_ =	strace s2  }
0x95: {  	s2 =	sld [smem:$0x3FFD];
	_ =	sdelay $0x3  }
0x96: {  	_ =	strace s2  }
0x97: {  	_ =	strace $0x8FFFFFFF  }
0x98: {  	s18 =	sld [smem:$0x3FDB];
	_ =	sdelay $0x1  }
0x99: {  	s19 =	simm.s32 $_scs_section_size  }
0x9a: {  	s4 =	simm.s32 $_size__tile_overlayer_lowered;
	s5 =	simm.s32 $_tile_overlayer_lowered  }
0x9b: {  	s22 =	simm.s32 $0x1BFF;
	s21 =	sshll.u32 s5, $0x1;
	s2 =	sadd.s32 s19, s18  }
0x9c: {  	s6 =	simm.s32 $0x0;
	s20 =	sshll.u32 s4, $0x1;
	s4 =	sadd.s32 s21, s2  }
0x9d: {  	[timem:s6], [sflag:s22] =	dma.local [hbm:s4], s20  }
0x9e: {  	_ =	swait.ge [sflag:s22], s20  }
0x9f: {  	s3 =	ssub.s32 $0x0, s20;
	[sflag:s22] =	ssyncset.done $0x0  }
0xa0: {  	[sflag:s22] =	ssyncadd.s32 s3;
	_ =	sdelay $0x1  }
0xa1: {  	s23 =	simm.s32 $0x1B8B  }
0xa2: {  	_ =	swait.ge [sflag:s23], $0x1  }
0xa3: {  	[sflag:s23] =	ssyncset.done $0x0  }
0xa4: {  	s25 =	simm.s32 $0x1B8E;
	s24 =	sld [smem:$0x3FFE];
	[sflag:s23] =	ssyncadd.s32 $0xFFFFFFFF  }
0xa5: {  	s26 =	simm.s32 $execute0_lowered;
	[smem:$0x3FD2] =	sst s25  }
0xa6: {  	s4 =	sshll.u32 s26, $0x1;
	_ =	strace $0x8000004F;
	[dreg:$0x1] =	wrdreg $0xFFFFFFFF  }
0xa7: {  	s28 =	simm.s32 $_size_execute0_lowered;
	s2 =	sadd.s32 s2, s4;
	[dreg:$0x0] =	wrdreg $0x0  }
0xa8: {  	s4 =	sshll.u32 s28, $0x1;
	[dreg:$0x2] =	wrdreg s2  }
0xa9: {  	[dreg:$0x3] =	wrdreg s4  }
0xaa: {  	[dreg:$0x4] =	wrdreg $0xC0  }
0xab: {  	_ =	task [dreg:s6], $0x5FFFF  }
0xac: {  	[dreg:$0x1] =	wrdreg $0xFFFFFFFF  }
0xad: {  	[dreg:$0x0] =	wrdreg $0x60  }
0xae: {  	[dreg:$0x2] =	wrdreg s24  }
0xaf: {  	[dreg:$0x3] =	wrdreg $0xA8000  }
0xb0: {  	[dreg:$0x4] =	wrdreg $0x9  }
0xb1: {  	_ =	task.clear_ibuf [dreg:s6], $0x5FFFF;
	_ =	strace $0x9000004F  }
0xb2: {  	s29 =	simm.s32 $0x9;
	_ =	strace $0x80000051  }
0xb3: {  	_ =	swait.ge [sflag:s29], $0x1  }
0xb4: {  	[sflag:s29] =	ssyncadd.s32 $0xFFFFFFFF  }
0xb5: {  	_ =	strace $0x90000051  }
0xb6: {  	_ =	sfence  }
0xb7: {  	s30 =	sld [smem:$0x0];
	_ =	sdelay $0x2  }
0xb8: {  	s31 =	sshll.u32 s1, $0xD;
	s1 =	sshrl.u32 s1, $0x2  }
0xb9: {  	s3 =	sand.u32 $0x4000, s31;
	s1 =	sadd.s32 s1, s30  }
0xba: {  	s0 =	sor.u32 s3, s0;
	s1 =	sshll.u32 s1, $0x11  }
0xbb: {  	s0 =	sor.u32 s1, s0  }
0xbc: {  	s0 =	sadd.s32 $0x8F2B, s0  }
0xbd: {  	[sflag:s0] =	ssyncadd.remote.s32 $0x1  }
0xbe: {  	_ =	sfence.sel $0xFFFF  }
0xbf: {  	[dreg:$0x0] =	wrdreg $0xFFFFFFFF;
	(pc) =	sbr.abs _section_cstart, $3  }
0xc0: {  	[dreg:$0x1] =	wrdreg $0xFFFFFFFF  }
0xc1: {  	_ =	task.clear_ibuf [dreg:s6], $0x2FFFF;
	_ =	strace $0x9FFFFFFF  }
0xc2: {  	(tm) =	ssettm $0x7FFFFFFF  }
0xc3: {  	_ =	shalt  }
tec
execute0_lowered:
.L_overlay_start_1:
0x0: {  	(tag) =	ssettag $0x1  }
0x1: {  	s5 =	rddreg [dreg:$0x0]  }
0x2: {  	s2 =	rddreg [dreg:$0x1]  }
0x3: {  	s0 =	rddreg [dreg:$0x2]  }
0x4: {  	s1 =	stileid.u32;
	s4 =	srdreg.scid;
	s3 =	simm.s32 $0x0  }
0x5: {  	s16 =	simm.s32 $0x2800;
	s17 =	simm.s32 $0x1;
	s18 =	simm.s32 $0x1400  }
0x6: {  	s19 =	simm.s32 $0x6800;
	s20 =	simm.s32 $0x2;
	s21 =	simm.s32 $0x1480  }
0x7: {  	s22 =	simm.s32 $0x3;
	s23 =	simm.s32 $0x100;
	s24 =	simm.s32 $0x4  }
0x8: {  	s25 =	simm.s32 $0x2700;
	s6 =	smul.u32 $0x14000, s1;
	s7 =	sand.u32 $0x1, s4  }
0x9: {  	[smem:$0x7FF] =	sst s3;
	s9 =	sadd.s32 $0x7E00, s5;
	s10 =	sadd.s32 $0x2E00, s5  }
0xa: {  	s4 =	sadd.s32 $0x34E00, s5;
	s11 =	smul.u32 $0x50000, s1;
	s29 =	sshll.u32 s1, $0x6  }
0xb: {  	s31 =	sshll.u32 s1, $0x4;
	s8 =	smul.u32 $0x140000, s7;
	s26 =	ssub.s32 $0x2, s7  }
0xc: {  	_ =	strace $0x80000050;
	s7 =	sshll.u32 s7, $0x4;
	s28 =	sshrl.u32 s26, $0x1  }
0xd: {  	s11 =	sshrl.u32 s11, $0x2;
	s14 =	sor.u32 s1, s7;
	s8 =	sadd.s32 s6, s8  }
0xe: {  	s6 =	sshrl.u32 s6, $0x3;
	s13 =	ssub.s32 s26, s28;
	s15 =	sadd.s32 s11, s2  }
0xf: {  	s30 =	smul.u32 $0x270, s14;
	s11 =	sor.u32 $0x4E00, s31;
	p0 =	sgt.u32 s14, $0x1  }
0x10: {  	s14 =	simm.s32 $0x5;
	s8 =	sshrl.u32 s8, $0x3;
	s6 =	sadd.s32 s6, s5  }
0x11: {  	s26 =	simm.s32 $0x0;
	s12 =	sadd.s32 s8, s5;
	s5 =	sadd.s32 $0xCE00, s6  }
0x12: {  	s6 =	sor.u32 $0x1C05, s29;
	s7 =	sadd.s32 s9, s30;
	s8 =	sadd.s32 s10, s30  }
0x13: {  	s9 =	sadd.s32 s9, s11;
	s10 =	sadd.s32 s10, s11;
	s11 =	sadd.s32 $0x5C000, s12  }
0x14: {  	s12 =	smax.u32 s13, $0x1;
	s13 =	sshrl.u32 s15, $0x3;
	s15 =	simm.s32 $0x80  }
.LBB2_1:
0x15: {  	[spmem:s13], [sflag:s6] =	dma.local [hbm:s5], $0x2800  }
0x16: {  	_ =	swait.ge [sflag:s14], $0x2800  }
0x17: {  	[sflag:s14] =	ssyncset.done $0x0  }
0x18: {  	[sflag:s14] =	ssyncadd.s32 $0xFFFFD800  }
0x19: {  	[bflag:$0x0] =	sbarrier.arrive $0xFFFF  }
0x1a: {  	[tilespmem:s3], [sflag:$0x5] =	stream.linear.gather [hbm4b:s7+s3], $0x1380, $0x38;
	[tilespmem:$0x1E800] =	vst v63  }
0x1b: {  	_ =	swait.ge [sflag:s14], $0x1380  }
0x1c: {  	[sflag:s14] =	ssyncset.done $0x0  }
0x1d: {  	s28 =	simm.s32 @p0 $0x0;
	s29 =	simm.s32 @p0 $0x1400;
	[sflag:s14] =	ssyncadd.s32 $0xFFFFEC80  }
0x1e: {  	[tilespmem:s29], [sflag:$0x5] =	stream.linear.gather @p0 [hbm4b:s8+s28], $0x1380, $0x38;
	[tilespmem:$0x1E800] =	vst v63  }
0x1f: {  	s28 =	simm.s32 @p0 $0x5  }
0x20: {  	_ =	swait.ge @p0 [sflag:s28], $0x1380  }
0x21: {  	[sflag:s28] =	ssyncset.done @p0 $0x0  }
0x22: {  	s29 =	simm.s32 @!p0 $0x1380;
	[sflag:s28] =	ssyncadd.s32 @p0 $0xFFFFEC80;
	s28 =	simm.s32 @!p0 $0x0  }
0x23: {  	[tilespmem:s29], [sflag:$0x5] =	stream.linear.gather @!p0 [hbm4b:s9+s28], $0x80, $0x38;
	[tilespmem:$0x1E800] =	vst v63  }
0x24: {  	s29 =	simm.s32 @!p0 $0x5  }
0x25: {  	_ =	swait.ge @!p0 [sflag:s29], $0x80  }
0x26: {  	[sflag:s29] =	ssyncset.done @!p0 $0x0  }
0x27: {  	s30 =	simm.s32 @!p0 $0x1400;
	[sflag:s29] =	ssyncadd.s32 @!p0 $0xFFFFFF80  }
0x28: {  	[tilespmem:s30], [sflag:$0x5] =	stream.linear.gather @!p0 [hbm4b:s8+s28], $0x1380, $0x38;
	[tilespmem:$0x1E800] =	vst v63  }
0x29: {  	_ =	swait.ge @!p0 [sflag:s29], $0x1380  }
0x2a: {  	[sflag:s29] =	ssyncset.done @!p0 $0x0  }
0x2b: {  	s30 =	simm.s32 @!p0 $0x2780;
	[sflag:s29] =	ssyncadd.s32 @!p0 $0xFFFFEC80  }
0x2c: {  	[tilespmem:s30], [sflag:$0x5] =	stream.linear.gather @!p0 [hbm4b:s10+s28], $0x80, $0x38;
	[tilespmem:$0x1E800] =	vst v63  }
0x2d: {  	_ =	swait.ge @!p0 [sflag:s29], $0x80  }
0x2e: {  	[sflag:s29] =	ssyncset.done @!p0 $0x0  }
0x2f: {  	[sflag:s29] =	ssyncadd.s32 @!p0 $0xFFFFFF80  }
0x30: {  	[tilespmem:s16], [sflag:$0x1] =	stream.indirect.gather [hbm4b:s4+s15], $0x80, s3, s15, $0xb8;
	[tilespmem:$0x1E800] =	vst v63  }
0x31: {  	_ =	swait.ge [sflag:s17], $0x4000  }
0x32: {  	[sflag:s17] =	ssyncset.done $0x0  }
0x33: {  	[sflag:s17] =	ssyncadd.s32 $0xFFFFC000  }
0x34: {  	[spmem:s2] =	stream.indirect.scatter.add.f32 [tilespmem:s16], [sflag:$0x3], $0x80, s18, s15, $0xb8;
	[tilespmem:$0x1E800] =	vst v63  }
0x35: {  	_ = 	snop  }
0x36: {  	[tilespmem:s19], [sflag:$0x2] =	stream.indirect.gather [hbm4b:s4+s15], $0x80, s15, s15, $0xb8;
	[tilespmem:$0x1E800] =	vst v63  }
0x37: {  	_ =	swait.ge [sflag:s20], $0x4000  }
0x38: {  	[sflag:s20] =	ssyncset.done $0x0  }
0x39: {  	[sflag:s20] =	ssyncadd.s32 $0xFFFFC000  }
0x3a: {  	[spmem:s2] =	stream.indirect.scatter.add.f32 [tilespmem:s19], [sflag:$0x4], $0x80, s21, s15, $0xb8;
	[tilespmem:$0x1E800] =	vst v63  }
0x3b: {  	_ =	swait.ge [sflag:s22], $0x4000  }
0x3c: {  	[sflag:s22] =	ssyncset.done $0x0  }
0x3d: {  	[sflag:s22] =	ssyncadd.s32 $0xFFFFC000  }
0x3e: {  	[tilespmem:s16], [sflag:$0x1] =	stream.indirect.gather [hbm4b:s4+s15], $0x80, s23, s15, $0xb8;
	[tilespmem:$0x1E800] =	vst v63  }
0x3f: {  	_ =	swait.ge [sflag:s17], $0x4000  }
0x40: {  	[sflag:s17] =	ssyncset.done $0x0  }
0x41: {  	s28 =	simm.s32 $0x1500;
	[sflag:s17] =	ssyncadd.s32 $0xFFFFC000  }
0x42: {  	[spmem:s2] =	stream.indirect.scatter.add.f32 [tilespmem:s16], [sflag:$0x3], $0x80, s28, s15, $0xb8;
	[tilespmem:$0x1E800] =	vst v63  }
0x43: {  	_ =	swait.ge [sflag:s24], $0x4000  }
0x44: {  	[sflag:s24] =	ssyncset.done $0x0  }
0x45: {  	s28 =	simm.s32 $0x180;
	[sflag:s24] =	ssyncadd.s32 $0xFFFFC000  }
0x46: {  	[tilespmem:s19], [sflag:$0x2] =	stream.indirect.gather [hbm4b:s4+s15], $0x80, s28, s15, $0xb8;
	[tilespmem:$0x1E800] =	vst v63  }
0x47: {  	_ =	swait.ge [sflag:s20], $0x4000  }
0x48: {  	[sflag:s20] =	ssyncset.done $0x0  }
0x49: {  	s28 =	simm.s32 $0x1580;
	[sflag:s20] =	ssyncadd.s32 $0xFFFFC000  }
0x4a: {  	[spmem:s2] =	stream.indirect.scatter.add.f32 [tilespmem:s19], [sflag:$0x4], $0x80, s28, s15, $0xb8;
	[tilespmem:$0x1E800] =	vst v63  }
0x4b: {  	_ =	swait.ge [sflag:s22], $0x4000  }
0x4c: {  	[sflag:s22] =	ssyncset.done $0x0  }
0x4d: {  	s29 =	simm.s32 $0x200;
	s28 =	simm.s32 $0xFFFFBC00;
	[sflag:s22] =	ssyncadd.s32 $0xFFFFC000  }
.LBB2_2:
0x4e: {  	[tilespmem:s16], [sflag:$0x1] =	stream.indirect.gather [hbm4b:s4+s15], $0x80, s29, s15, $0xb8;
	[tilespmem:$0x1E800] =	vst v63  }
0x4f: {  	s29 =	smov.u32 s28  }
0x50: {  	p1 =	sne.s32 s28, $0xFFFFFC00;
	s28 =	sadd.s32 $0x400, s28;
	_ =	swait.ge [sflag:s17], $0x4000  }
0x51: {  	s29 =	sshra.s32 s29, $0x2;
	[sflag:s17] =	ssyncset.done $0x0  }
0x52: {  	s30 =	sadd.s32 $0x2700, s29;
	[sflag:s17] =	ssyncadd.s32 $0xFFFFC000  }
0x53: {  	[spmem:s2] =	stream.indirect.scatter.add.f32 [tilespmem:s16], [sflag:$0x3], $0x80, s30, s15, $0xb8;
	[tilespmem:$0x1E800] =	vst v63  }
0x54: {  	_ =	swait.ge [sflag:s24], $0x4000  }
0x55: {  	[sflag:s24] =	ssyncset.done $0x0  }
0x56: {  	s30 =	sadd.s32 $0x1380, s29;
	[sflag:s24] =	ssyncadd.s32 $0xFFFFC000  }
0x57: {  	[tilespmem:s19], [sflag:$0x2] =	stream.indirect.gather [hbm4b:s4+s15], $0x80, s30, s15, $0xb8;
	[tilespmem:$0x1E800] =	vst v63  }
0x58: {  	_ =	swait.ge [sflag:s20], $0x4000  }
0x59: {  	[sflag:s20] =	ssyncset.done $0x0  }
.Ltmp0:
0x5a: {  	s30 =	sadd.s32 $0x2780, s29;
	[sflag:s20] =	ssyncadd.s32 $0xFFFFC000;
	(pc) =	sbr.rel @p1 .LBB2_2-.Ltmp0, $4  }
0x5b: {  	[spmem:s2] =	stream.indirect.scatter.add.f32 [tilespmem:s19], [sflag:$0x4], $0x80, s30, s15, $0xb8;
	[tilespmem:$0x1E800] =	vst v63  }
0x5c: {  	_ =	swait.ge [sflag:s22], $0x4000  }
0x5d: {  	[sflag:s22] =	ssyncset.done $0x0  }
0x5e: {  	s29 =	sadd.s32 $0x1400, s29;
	[sflag:s22] =	ssyncadd.s32 $0xFFFFC000  }
0x5f: {  	[tilespmem:s16], [sflag:$0x1] =	stream.indirect.gather [hbm4b:s4+s15], $0x80, s29, s15, $0xb8;
	[tilespmem:$0x1E800] =	vst v63  }
0x60: {  	_ =	swait.ge [sflag:s17], $0x4000  }
0x61: {  	[sflag:s17] =	ssyncset.done $0x0  }
0x62: {  	[sflag:s17] =	ssyncadd.s32 $0xFFFFC000  }
0x63: {  	[spmem:s2] =	stream.indirect.scatter.add.f32 [tilespmem:s16], [sflag:$0x3], $0x80, s25, s15, $0xb8;
	[tilespmem:$0x1E800] =	vst v63  }
0x64: {  	_ =	swait.ge [sflag:s24], $0x4000  }
0x65: {  	s28 =	simm.s32 @!p0 $0x80;
	[sflag:s24] =	ssyncset.done $0x0  }
0x66: {  	s29 =	simm.s32 @!p0 $0x1380;
	s30 =	simm.s32 @!p0 $0x6800;
	[sflag:s24] =	ssyncadd.s32 $0xFFFFC000  }
0x67: {  	[tilespmem:s30], [sflag:$0x2] =	stream.indirect.gather @!p0 [hbm4b:s4+s28], $0x80, s29, s28, $0xb8;
	[tilespmem:$0x1E800] =	vst v63  }
0x68: {  	s29 =	simm.s32 @!p0 $0x2  }
0x69: {  	_ =	swait.ge @!p0 [sflag:s29], $0x4000  }
0x6a: {  	[sflag:s29] =	ssyncset.done @!p0 $0x0  }
0x6b: {  	[sflag:s29] =	ssyncadd.s32 @!p0 $0xFFFFC000;
	s29 =	simm.s32 @!p0 $0x2780  }
0x6c: {  	[spmem:s2] =	stream.indirect.scatter.add.f32 @!p0 [tilespmem:s30], [sflag:$0x4], $0x80, s29, s28, $0xb8;
	[tilespmem:$0x1E800] =	vst v63  }
0x6d: {  	s28 =	simm.s32 @!p0 $0x4  }
0x6e: {  	_ =	swait.ge @!p0 [sflag:s28], $0x4000  }
0x6f: {  	[sflag:s28] =	ssyncset.done @!p0 $0x0  }
0x70: {  	[sflag:s28] =	ssyncadd.s32 @!p0 $0xFFFFC000  }
0x71: {  	_ =	swait.ge [sflag:s22], $0x4000  }
0x72: {  	s26 =	sadd.s32 $0x1, s26;
	[sflag:s22] =	ssyncset.done $0x0  }
0x73: {  	p1 =	sne.s32 s26, s12;
	[sflag:s22] =	ssyncadd.s32 $0xFFFFC000  }
.Ltmp1:
0x74: {  	[bflag:$0x0] =	sbarrier.arrive $0xFFFF;
	(pc) =	sbr.rel @p1 .LBB2_1-.Ltmp1, $4  }
0x75: {  	[hbm:s11], [sflag:s6] =	dma.local [spmem:s13], $0x2800  }
0x76: {  	_ =	swait.ge [sflag:s14], $0x2800  }
0x77: {  	[sflag:s14] =	ssyncset.done $0x0  }
0x78: {  	[sflag:s14] =	ssyncadd.s32 $0xFFFFD800  }
0x79: {  	_ =	sfence.sel $0x180000  }
0x7a: {  	[bflag:$0x0] =	sbarrier.arrive $0xFFFF  }
0x7b: {  	p0 =	sne.s32 s1, $0x0;
	_ =	strace $0x90000050  }
0x7c: {  	s0 =	sadd.s32 @!p0 $0x100000, s0;
	[bflag:$0x2] =	sbarrier.arrive $0xFFFF  }
0x7d: {  	[sflag:s0] =	ssyncadd.tile.s32 @!p0 $0x1;
	_ =	shalt  }
.Lfunc_end2:
_tile_overlayer_lowered:
.L_overlay_start_2:
0x7e: {  	(tag) =	ssettag $0x2  }
0x7f: {  	s0 =	rddreg [dreg:$0x0];
	s2 =	stileid.u32  }
0x80: {  	s1 =	rddreg [dreg:$0x1];
	p0 =	sne.s32 s2, $0x0  }
0x81: {  	s3 =	rddreg [dreg:$0x2];
	[bflag:$0x3] =	sbarrier.arrive $0xFFFF;
	s2 =	simm.s32 @!p0 $0x1C05  }
0x82: {  	[timem:s3], [sflag:s2] =	dma.local @!p0 [hbm:s0], s1  }
0x83: {  	s0 =	simm.s32 @!p0 $0x5  }
0x84: {  	_ =	swait.ge @!p0 [sflag:s0], s1  }
0x85: {  	s1 =	ssub.s32 @!p0 $0x0, s1;
	[sflag:s0] =	ssyncset.done @!p0 $0x0  }
0x86: {  	[sflag:s0] =	ssyncadd.s32 @!p0 s1  }
0x87: {  	[bflag:$0x3] =	sbarrier.arrive $0xFFFF  }
0x88: {  	_ =	shalt  }

// kernel: gcn_edge_prop.5.cloned.1.call-start
scs
__scs_entry_jumppad:
0x0: {  	(pc) =	sbr.rel $0x88, $3  }
0x1: {  	(tag) =	ssettag $0x0;
	lr =	simm.s32 $0x1  }
0x2: {  	[smem:$0x3F97] =	sst lr;
	_ =	strace $0xD0000000  }
0x3: {  	_ = 	snop  }
0x4: {  	_ = 	snop  }
0x5: {  	_ = 	snop  }
0x6: {  	_ = 	snop  }
0x7: {  	_ = 	snop  }
__scs_overlays_trampoline_lowered:
0x8: {  	[smem:$0x3FA6] =	sst s0  }
0x9: {  	[smem:$0x3FA7] =	sst s1  }
0xa: {  	[smem:$0x3FA8] =	sst s2  }
0xb: {  	[smem:$0x3FA9] =	sst s3  }
0xc: {  	[smem:$0x3FAA] =	sst s4  }
0xd: {  	[smem:$0x3FAB] =	sst s5  }
0xe: {  	[smem:$0x3FAC] =	sst s6  }
0xf: {  	[smem:$0x3FAD] =	sst s7  }
0x10: {  	[smem:$0x3FAE] =	sst s8  }
0x11: {  	[smem:$0x3FAF] =	sst s9;
	s0 =	simm.s32 @!p0 $0x0  }
0x12: {  	s1 =	sld [smem:$0x3F95];
	s0 =	simm.s32 @p0 $0x1  }
0x13: {  	[smem:$0x3FB0] =	sst s0;
	s0 =	simm.s32 @!p1 $0x0  }
0x14: {  	s2 =	sld [smem:$0x3F94];
	s0 =	simm.s32 @p1 $0x1  }
0x15: {  	[smem:$0x3FB1] =	sst s0;
	s0 =	simm.s32 @!p2 $0x0  }
0x16: {  	s3 =	sld [smem:$0x3FDB];
	s0 =	simm.s32 @p2 $0x1  }
0x17: {  	s4 =	simm.s32 $0x1BF5;
	[smem:$0x3FB3] =	sst s0  }
0x18: {  	s0 =	sld [smem:$0x3F96];
	_ =	swait.ge [sflag:s4], $0x0  }
0x19: {  	s7 =	sld [smem:$0x3F97]  }
0x1a: {  	s8 =	sadd.s32 $0xFFFFE003, lr  }
0x1b: {  	s9 =	sadd.s32 $0xFFFFFEF7, lr;
	s5 =	simm.s32 $0xFFFFFFFF;
	p2 =	slt.u32 s8, $0xFFFFF086  }
0x1c: {  	p1 =	slt.u32 s9, $0xF7A;
	s5 =	simm.s32 @!p2 $0x0  }
0x1d: {  	s5 =	simm.s32 @p1 $0x1;
	p0 =	seq.s32 s7, s2  }
0x1e: {  	s7 =	smul.u32 @!p0 $0xF7A, s2;
	p2 =	seq.s32 @!p0 s5, $0x0  }
0x1f: {  	s9 =	smul.u32 $0xF7A, s1;
	s8 =	simm.s32 @!p0 $0x1BF5;
	p2 =	por !p2, p0  }
0x20: {  	[sflag:s8] =	ssyncset.s32 @!p0 $0xFFFFF086;
	s6 =	sadd.s32 @!p0 s3, s7;
	s7 =	simm.s32 @!p0 $0x108  }
0x21: {  	s3 =	sadd.s32 s3, s9;
	s6 =	sadd.s32 @!p0 $0x88, s6;
	s7 =	simm.s32 @p2 $0x1082  }
0x22: {  	[simem:s7], [sflag:s8] =	dma.local @!p0 [hbm:s6], $0xF7A  }
0x23: {  	s9 =	sor.u32 $0xD0000000, s2;
	s6 =	simm.s32 $0x108;
	_ =	swait.ge @!p0 [sflag:s8], $0x0  }
0x24: {  	s3 =	sadd.s32 $0x88, s3;
	s6 =	simm.s32 @!p1 $0x1082;
	[sflag:s4] =	ssyncset.s32 $0xFFFFF086  }
0x25: {  	[simem:s6], [sflag:s4] =	dma.local [hbm:s3], $0xF7A  }
0x26: {  	[smem:$0x3F97] =	sst s1;
	(tag) =	ssettag s2;
	_ =	strace s9  }
0x27: {  	s1 =	sld [smem:$0x3FA7]  }
0x28: {  	s2 =	sld [smem:$0x3FA8]  }
0x29: {  	s4 =	sld [smem:$0x3FAA]  }
0x2a: {  	p0 =	seq.s32 s5, $0x0;
	s5 =	sld [smem:$0x3FAB]  }
0x2b: {  	s6 =	sld [smem:$0x3FAC]  }
0x2c: {  	s7 =	sld [smem:$0x3FAD]  }
0x2d: {  	s3 =	simm.s32 $0x108;
	s8 =	sld [smem:$0x3FAE]  }
0x2e: {  	s3 =	simm.s32 @!p0 $0x1082;
	s9 =	sld [smem:$0x3FAF]  }
0x2f: {  	lr =	sadd.s32 s0, s3;
	s0 =	sld [smem:$0x3FA6]  }
0x30: {  	s3 =	sld [smem:$0x3FA9]  }
0x31: {  	[smem:$0x3FB2] =	sst s10  }
0x32: {  	s10 =	sld [smem:$0x3FB0];
	_ =	sdelay $0x3  }
0x33: {  	p0 =	seq.s32 s10, $0x1;
	s10 =	sld [smem:$0x3FB2];
	_ =	sdelay $0x3  }
0x34: {  	[smem:$0x3FB2] =	sst s10  }
0x35: {  	s10 =	sld [smem:$0x3FB1];
	_ =	sdelay $0x3  }
0x36: {  	p1 =	seq.s32 s10, $0x1;
	s10 =	sld [smem:$0x3FB2];
	_ =	sdelay $0x3  }
0x37: {  	[smem:$0x3FB2] =	sst s10  }
0x38: {  	s10 =	sld [smem:$0x3FB3]  }
0x39: {  	_ = 	snop;
	(pc) =	sbr.ind lr, $3  }
0x3a: {  	_ = 	snop  }
0x3b: {  	_ = 	snop  }
0x3c: {  	p2 =	seq.s32 s10, $0x1;
	s10 =	sld [smem:$0x3FB2]  }
0x3d: {  	_ =	shalt  }
0x3e: {  	_ =	shalt  }
0x3f: {  	_ =	shalt  }
0x40: {  	_ =	shalt  }
0x41: {  	_ =	shalt  }
0x42: {  	_ =	shalt  }
0x43: {  	_ =	shalt  }
0x44: {  	_ =	shalt  }
0x45: {  	_ =	shalt  }
0x46: {  	_ =	shalt  }
0x47: {  	_ =	shalt  }
0x48: {  	_ =	shalt  }
0x49: {  	_ =	shalt  }
0x4a: {  	_ =	shalt  }
0x4b: {  	_ =	shalt  }
0x4c: {  	_ =	shalt  }
0x4d: {  	_ =	shalt  }
0x4e: {  	_ =	shalt  }
0x4f: {  	_ =	shalt  }
0x50: {  	_ =	shalt  }
0x51: {  	_ =	shalt  }
0x52: {  	_ =	shalt  }
0x53: {  	_ =	shalt  }
0x54: {  	_ =	shalt  }
0x55: {  	_ =	shalt  }
0x56: {  	_ =	shalt  }
0x57: {  	_ =	shalt  }
0x58: {  	_ =	shalt  }
0x59: {  	_ =	shalt  }
0x5a: {  	_ =	shalt  }
0x5b: {  	_ =	shalt  }
0x5c: {  	_ =	shalt  }
0x5d: {  	_ =	shalt  }
0x5e: {  	_ =	shalt  }
0x5f: {  	_ =	shalt  }
0x60: {  	_ =	shalt  }
0x61: {  	_ =	shalt  }
0x62: {  	_ =	shalt  }
0x63: {  	_ =	shalt  }
0x64: {  	_ =	shalt  }
0x65: {  	_ =	shalt  }
0x66: {  	_ =	shalt  }
0x67: {  	_ =	shalt  }
0x68: {  	_ =	shalt  }
0x69: {  	_ =	shalt  }
0x6a: {  	_ =	shalt  }
0x6b: {  	_ =	shalt  }
0x6c: {  	_ =	shalt  }
0x6d: {  	_ =	shalt  }
0x6e: {  	_ =	shalt  }
0x6f: {  	_ =	shalt  }
0x70: {  	_ =	shalt  }
0x71: {  	_ =	shalt  }
0x72: {  	_ =	shalt  }
0x73: {  	_ =	shalt  }
0x74: {  	_ =	shalt  }
0x75: {  	_ =	shalt  }
0x76: {  	_ =	shalt  }
0x77: {  	_ =	shalt  }
0x78: {  	_ =	shalt  }
0x79: {  	_ =	shalt  }
0x7a: {  	_ =	shalt  }
0x7b: {  	_ =	shalt  }
0x7c: {  	_ =	shalt  }
0x7d: {  	_ =	shalt  }
0x7e: {  	_ =	shalt  }
0x7f: {  	_ =	shalt  }
0x80: {  	_ =	shalt  }
0x81: {  	_ =	shalt  }
0x82: {  	_ =	shalt  }
0x83: {  	_ =	shalt  }
0x84: {  	_ =	shalt  }
0x85: {  	_ =	shalt  }
0x86: {  	_ =	shalt  }
0x87: {  	_ =	shalt  }
.Lfunc_end0:
.L_simem_size_0:
called_computation.1_lowered:
.L_overlay_start_0:
0x88: {  	s2 =	sld [smem:$0x3FD9]  }
0x89: {  	s3 =	sld [smem:$0x3FFE];
	_ =	sdelay $0x1  }
0x8a: {  	s1 =	srdreg.scid  }
0x8b: {  	s0 =	sand.u32 $0x1, s1  }
0x8c: {  	s16 =	sshll.u32 s0, $0xA;
	s2 =	sadd.s32 s3, s2  }
0x8d: {  	s2 =	sadd.s32 s2, s16  }
0x8e: {  	[smem:$0x3FBE] =	sst s2  }
0x8f: {  	_ = 	snop  }
0x90: {  	(tm) =	ssettm $0x1  }
0x91: {  	s17 =	sld [smem:$0x3FFB];
	_ =	sdelay $0x3  }
0x92: {  	_ =	strace s17  }
0x93: {  	s2 =	sld [smem:$0x3FFC];
	_ =	sdelay $0x3  }
0x94: {  	_ =	strace s2  }
0x95: {  	s2 =	sld [smem:$0x3FFD];
	_ =	sdelay $0x3  }
0x96: {  	_ =	strace s2  }
0x97: {  	_ =	strace $0x8FFFFFFF  }
0x98: {  	s18 =	sld [smem:$0x3FDB];
	_ =	sdelay $0x1  }
0x99: {  	s19 =	simm.s32 $_scs_section_size  }
0x9a: {  	s4 =	simm.s32 $_size__tile_overlayer_lowered;
	s5 =	simm.s32 $_tile_overlayer_lowered  }
0x9b: {  	s22 =	simm.s32 $0x1BFF;
	s21 =	sshll.u32 s5, $0x1;
	s2 =	sadd.s32 s19, s18  }
0x9c: {  	s6 =	simm.s32 $0x0;
	s20 =	sshll.u32 s4, $0x1;
	s4 =	sadd.s32 s21, s2  }
0x9d: {  	[timem:s6], [sflag:s22] =	dma.local [hbm:s4], s20  }
0x9e: {  	_ =	swait.ge [sflag:s22], s20  }
0x9f: {  	s3 =	ssub.s32 $0x0, s20;
	[sflag:s22] =	ssyncset.done $0x0  }
0xa0: {  	[sflag:s22] =	ssyncadd.s32 s3;
	_ =	sdelay $0x1  }
0xa1: {  	s23 =	simm.s32 $0x1B8B  }
0xa2: {  	_ =	swait.ge [sflag:s23], $0x1  }
0xa3: {  	[sflag:s23] =	ssyncset.done $0x0  }
0xa4: {  	s25 =	simm.s32 $0x1B8E;
	s24 =	sld [smem:$0x3FFE];
	[sflag:s23] =	ssyncadd.s32 $0xFFFFFFFF  }
0xa5: {  	s26 =	simm.s32 $execute0_lowered;
	[smem:$0x3FD2] =	sst s25  }
0xa6: {  	s4 =	sshll.u32 s26, $0x1;
	_ =	strace $0x80000049;
	[dreg:$0x1] =	wrdreg $0xFFFFFFFF  }
0xa7: {  	s28 =	simm.s32 $_size_execute0_lowered;
	s2 =	sadd.s32 s2, s4;
	[dreg:$0x0] =	wrdreg $0x0  }
0xa8: {  	s4 =	sshll.u32 s28, $0x1;
	[dreg:$0x2] =	wrdreg s2  }
0xa9: {  	[dreg:$0x3] =	wrdreg s4  }
0xaa: {  	[dreg:$0x4] =	wrdreg $0xC0  }
0xab: {  	_ =	task [dreg:s6], $0x5FFFF  }
0xac: {  	[dreg:$0x1] =	wrdreg $0xFFFFFFFF  }
0xad: {  	[dreg:$0x0] =	wrdreg $0x60  }
0xae: {  	[dreg:$0x2] =	wrdreg s24  }
0xaf: {  	[dreg:$0x3] =	wrdreg $0xA8000  }
0xb0: {  	[dreg:$0x4] =	wrdreg $0x9  }
0xb1: {  	_ =	task.clear_ibuf [dreg:s6], $0x5FFFF;
	_ =	strace $0x90000049  }
0xb2: {  	s29 =	simm.s32 $0x9;
	_ =	strace $0x8000004B  }
0xb3: {  	_ =	swait.ge [sflag:s29], $0x1  }
0xb4: {  	[sflag:s29] =	ssyncadd.s32 $0xFFFFFFFF  }
0xb5: {  	_ =	strace $0x9000004B  }
0xb6: {  	_ =	sfence  }
0xb7: {  	s30 =	sld [smem:$0x0];
	_ =	sdelay $0x2  }
0xb8: {  	s31 =	sshll.u32 s1, $0xD;
	s1 =	sshrl.u32 s1, $0x2  }
0xb9: {  	s3 =	sand.u32 $0x4000, s31;
	s1 =	sadd.s32 s1, s30  }
0xba: {  	s0 =	sor.u32 s3, s0;
	s1 =	sshll.u32 s1, $0x11  }
0xbb: {  	s0 =	sor.u32 s1, s0  }
0xbc: {  	s0 =	sadd.s32 $0x8F2B, s0  }
0xbd: {  	[sflag:s0] =	ssyncadd.remote.s32 $0x1  }
0xbe: {  	_ =	sfence.sel $0xFFFF  }
0xbf: {  	[dreg:$0x0] =	wrdreg $0xFFFFFFFF;
	(pc) =	sbr.abs _section_cstart, $3  }
0xc0: {  	[dreg:$0x1] =	wrdreg $0xFFFFFFFF  }
0xc1: {  	_ =	task.clear_ibuf [dreg:s6], $0x2FFFF;
	_ =	strace $0x9FFFFFFF  }
0xc2: {  	(tm) =	ssettm $0x7FFFFFFF  }
0xc3: {  	_ =	shalt  }
tec
execute0_lowered:
.L_overlay_start_1:
0x0: {  	(tag) =	ssettag $0x1  }
0x1: {  	s5 =	rddreg [dreg:$0x0]  }
0x2: {  	s2 =	rddreg [dreg:$0x1]  }
0x3: {  	s0 =	rddreg [dreg:$0x2]  }
0x4: {  	s1 =	stileid.u32;
	s4 =	srdreg.scid;
	s3 =	simm.s32 $0x0  }
0x5: {  	s16 =	simm.s32 $0x2800;
	s17 =	simm.s32 $0x1;
	s18 =	simm.s32 $0x1400  }
0x6: {  	s19 =	simm.s32 $0x6800;
	s20 =	simm.s32 $0x2;
	s21 =	simm.s32 $0x1480  }
0x7: {  	s22 =	simm.s32 $0x3;
	s23 =	simm.s32 $0x100;
	s24 =	simm.s32 $0x4  }
0x8: {  	s25 =	simm.s32 $0x2700;
	s6 =	smul.u32 $0x14000, s1;
	s7 =	sand.u32 $0x1, s4  }
0x9: {  	[smem:$0x7FF] =	sst s3;
	s9 =	sadd.s32 $0x7E00, s5;
	s10 =	sadd.s32 $0x2E00, s5  }
0xa: {  	s4 =	sadd.s32 $0x34E00, s5;
	s11 =	smul.u32 $0x50000, s1;
	s29 =	sshll.u32 s1, $0x6  }
0xb: {  	s31 =	sshll.u32 s1, $0x4;
	s8 =	smul.u32 $0x140000, s7;
	s26 =	ssub.s32 $0x2, s7  }
0xc: {  	_ =	strace $0x8000004A;
	s7 =	sshll.u32 s7, $0x4;
	s28 =	sshrl.u32 s26, $0x1  }
0xd: {  	s11 =	sshrl.u32 s11, $0x2;
	s14 =	sor.u32 s1, s7;
	s8 =	sadd.s32 s6, s8  }
0xe: {  	s6 =	sshrl.u32 s6, $0x3;
	s13 =	ssub.s32 s26, s28;
	s15 =	sadd.s32 s11, s2  }
0xf: {  	s30 =	smul.u32 $0x270, s14;
	s11 =	sor.u32 $0x4E00, s31;
	p0 =	sgt.u32 s14, $0x1  }
0x10: {  	s14 =	simm.s32 $0x5;
	s8 =	sshrl.u32 s8, $0x3;
	s6 =	sadd.s32 s6, s5  }
0x11: {  	s26 =	simm.s32 $0x0;
	s12 =	sadd.s32 s8, s5;
	s5 =	sadd.s32 $0xCE00, s6  }
0x12: {  	s6 =	sor.u32 $0x1C05, s29;
	s7 =	sadd.s32 s9, s30;
	s8 =	sadd.s32 s10, s30  }
0x13: {  	s9 =	sadd.s32 s9, s11;
	s10 =	sadd.s32 s10, s11;
	s11 =	sadd.s32 $0x5C000, s12  }
0x14: {  	s12 =	smax.u32 s13, $0x1;
	s13 =	sshrl.u32 s15, $0x3;
	s15 =	simm.s32 $0x80  }
.LBB2_1:
0x15: {  	[spmem:s13], [sflag:s6] =	dma.local [hbm:s5], $0x2800  }
0x16: {  	_ =	swait.ge [sflag:s14], $0x2800  }
0x17: {  	[sflag:s14] =	ssyncset.done $0x0  }
0x18: {  	[sflag:s14] =	ssyncadd.s32 $0xFFFFD800  }
0x19: {  	[bflag:$0x0] =	sbarrier.arrive $0xFFFF  }
0x1a: {  	[tilespmem:s3], [sflag:$0x5] =	stream.linear.gather [hbm4b:s7+s3], $0x1380, $0x38;
	[tilespmem:$0x1E800] =	vst v63  }
0x1b: {  	_ =	swait.ge [sflag:s14], $0x1380  }
0x1c: {  	[sflag:s14] =	ssyncset.done $0x0  }
0x1d: {  	s28 =	simm.s32 @p0 $0x0;
	s29 =	simm.s32 @p0 $0x1400;
	[sflag:s14] =	ssyncadd.s32 $0xFFFFEC80  }
0x1e: {  	[tilespmem:s29], [sflag:$0x5] =	stream.linear.gather @p0 [hbm4b:s8+s28], $0x1380, $0x38;
	[tilespmem:$0x1E800] =	vst v63  }
0x1f: {  	s28 =	simm.s32 @p0 $0x5  }
0x20: {  	_ =	swait.ge @p0 [sflag:s28], $0x1380  }
0x21: {  	[sflag:s28] =	ssyncset.done @p0 $0x0  }
0x22: {  	s29 =	simm.s32 @!p0 $0x1380;
	[sflag:s28] =	ssyncadd.s32 @p0 $0xFFFFEC80;
	s28 =	simm.s32 @!p0 $0x0  }
0x23: {  	[tilespmem:s29], [sflag:$0x5] =	stream.linear.gather @!p0 [hbm4b:s9+s28], $0x80, $0x38;
	[tilespmem:$0x1E800] =	vst v63  }
0x24: {  	s29 =	simm.s32 @!p0 $0x5  }
0x25: {  	_ =	swait.ge @!p0 [sflag:s29], $0x80  }
0x26: {  	[sflag:s29] =	ssyncset.done @!p0 $0x0  }
0x27: {  	s30 =	simm.s32 @!p0 $0x1400;
	[sflag:s29] =	ssyncadd.s32 @!p0 $0xFFFFFF80  }
0x28: {  	[tilespmem:s30], [sflag:$0x5] =	stream.linear.gather @!p0 [hbm4b:s8+s28], $0x1380, $0x38;
	[tilespmem:$0x1E800] =	vst v63  }
0x29: {  	_ =	swait.ge @!p0 [sflag:s29], $0x1380  }
0x2a: {  	[sflag:s29] =	ssyncset.done @!p0 $0x0  }
0x2b: {  	s30 =	simm.s32 @!p0 $0x2780;
	[sflag:s29] =	ssyncadd.s32 @!p0 $0xFFFFEC80  }
0x2c: {  	[tilespmem:s30], [sflag:$0x5] =	stream.linear.gather @!p0 [hbm4b:s10+s28], $0x80, $0x38;
	[tilespmem:$0x1E800] =	vst v63  }
0x2d: {  	_ =	swait.ge @!p0 [sflag:s29], $0x80  }
0x2e: {  	[sflag:s29] =	ssyncset.done @!p0 $0x0  }
0x2f: {  	[sflag:s29] =	ssyncadd.s32 @!p0 $0xFFFFFF80  }
0x30: {  	[tilespmem:s16], [sflag:$0x1] =	stream.indirect.gather [hbm4b:s4+s15], $0x80, s3, s15, $0xb8;
	[tilespmem:$0x1E800] =	vst v63  }
0x31: {  	_ =	swait.ge [sflag:s17], $0x4000  }
0x32: {  	[sflag:s17] =	ssyncset.done $0x0  }
0x33: {  	[sflag:s17] =	ssyncadd.s32 $0xFFFFC000  }
0x34: {  	[spmem:s2] =	stream.indirect.scatter.add.f32 [tilespmem:s16], [sflag:$0x3], $0x80, s18, s15, $0xb8;
	[tilespmem:$0x1E800] =	vst v63  }
0x35: {  	_ = 	snop  }
0x36: {  	[tilespmem:s19], [sflag:$0x2] =	stream.indirect.gather [hbm4b:s4+s15], $0x80, s15, s15, $0xb8;
	[tilespmem:$0x1E800] =	vst v63  }
0x37: {  	_ =	swait.ge [sflag:s20], $0x4000  }
0x38: {  	[sflag:s20] =	ssyncset.done $0x0  }
0x39: {  	[sflag:s20] =	ssyncadd.s32 $0xFFFFC000  }
0x3a: {  	[spmem:s2] =	stream.indirect.scatter.add.f32 [tilespmem:s19], [sflag:$0x4], $0x80, s21, s15, $0xb8;
	[tilespmem:$0x1E800] =	vst v63  }
0x3b: {  	_ =	swait.ge [sflag:s22], $0x4000  }
0x3c: {  	[sflag:s22] =	ssyncset.done $0x0  }
0x3d: {  	[sflag:s22] =	ssyncadd.s32 $0xFFFFC000  }
0x3e: {  	[tilespmem:s16], [sflag:$0x1] =	stream.indirect.gather [hbm4b:s4+s15], $0x80, s23, s15, $0xb8;
	[tilespmem:$0x1E800] =	vst v63  }
0x3f: {  	_ =	swait.ge [sflag:s17], $0x4000  }
0x40: {  	[sflag:s17] =	ssyncset.done $0x0  }
0x41: {  	s28 =	simm.s32 $0x1500;
	[sflag:s17] =	ssyncadd.s32 $0xFFFFC000  }
0x42: {  	[spmem:s2] =	stream.indirect.scatter.add.f32 [tilespmem:s16], [sflag:$0x3], $0x80, s28, s15, $0xb8;
	[tilespmem:$0x1E800] =	vst v63  }
0x43: {  	_ =	swait.ge [sflag:s24], $0x4000  }
0x44: {  	[sflag:s24] =	ssyncset.done $0x0  }
0x45: {  	s28 =	simm.s32 $0x180;
	[sflag:s24] =	ssyncadd.s32 $0xFFFFC000  }
0x46: {  	[tilespmem:s19], [sflag:$0x2] =	stream.indirect.gather [hbm4b:s4+s15], $0x80, s28, s15, $0xb8;
	[tilespmem:$0x1E800] =	vst v63  }
0x47: {  	_ =	swait.ge [sflag:s20], $0x4000  }
0x48: {  	[sflag:s20] =	ssyncset.done $0x0  }
0x49: {  	s28 =	simm.s32 $0x1580;
	[sflag:s20] =	ssyncadd.s32 $0xFFFFC000  }
0x4a: {  	[spmem:s2] =	stream.indirect.scatter.add.f32 [tilespmem:s19], [sflag:$0x4], $0x80, s28, s15, $0xb8;
	[tilespmem:$0x1E800] =	vst v63  }
0x4b: {  	_ =	swait.ge [sflag:s22], $0x4000  }
0x4c: {  	[sflag:s22] =	ssyncset.done $0x0  }
0x4d: {  	s29 =	simm.s32 $0x200;
	s28 =	simm.s32 $0xFFFFBC00;
	[sflag:s22] =	ssyncadd.s32 $0xFFFFC000  }
.LBB2_2:
0x4e: {  	[tilespmem:s16], [sflag:$0x1] =	stream.indirect.gather [hbm4b:s4+s15], $0x80, s29, s15, $0xb8;
	[tilespmem:$0x1E800] =	vst v63  }
0x4f: {  	s29 =	smov.u32 s28  }
0x50: {  	p1 =	sne.s32 s28, $0xFFFFFC00;
	s28 =	sadd.s32 $0x400, s28;
	_ =	swait.ge [sflag:s17], $0x4000  }
0x51: {  	s29 =	sshra.s32 s29, $0x2;
	[sflag:s17] =	ssyncset.done $0x0  }
0x52: {  	s30 =	sadd.s32 $0x2700, s29;
	[sflag:s17] =	ssyncadd.s32 $0xFFFFC000  }
0x53: {  	[spmem:s2] =	stream.indirect.scatter.add.f32 [tilespmem:s16], [sflag:$0x3], $0x80, s30, s15, $0xb8;
	[tilespmem:$0x1E800] =	vst v63  }
0x54: {  	_ =	swait.ge [sflag:s24], $0x4000  }
0x55: {  	[sflag:s24] =	ssyncset.done $0x0  }
0x56: {  	s30 =	sadd.s32 $0x1380, s29;
	[sflag:s24] =	ssyncadd.s32 $0xFFFFC000  }
0x57: {  	[tilespmem:s19], [sflag:$0x2] =	stream.indirect.gather [hbm4b:s4+s15], $0x80, s30, s15, $0xb8;
	[tilespmem:$0x1E800] =	vst v63  }
0x58: {  	_ =	swait.ge [sflag:s20], $0x4000  }
0x59: {  	[sflag:s20] =	ssyncset.done $0x0  }
.Ltmp0:
0x5a: {  	s30 =	sadd.s32 $0x2780, s29;
	[sflag:s20] =	ssyncadd.s32 $0xFFFFC000;
	(pc) =	sbr.rel @p1 .LBB2_2-.Ltmp0, $4  }
0x5b: {  	[spmem:s2] =	stream.indirect.scatter.add.f32 [tilespmem:s19], [sflag:$0x4], $0x80, s30, s15, $0xb8;
	[tilespmem:$0x1E800] =	vst v63  }
0x5c: {  	_ =	swait.ge [sflag:s22], $0x4000  }
0x5d: {  	[sflag:s22] =	ssyncset.done $0x0  }
0x5e: {  	s29 =	sadd.s32 $0x1400, s29;
	[sflag:s22] =	ssyncadd.s32 $0xFFFFC000  }
0x5f: {  	[tilespmem:s16], [sflag:$0x1] =	stream.indirect.gather [hbm4b:s4+s15], $0x80, s29, s15, $0xb8;
	[tilespmem:$0x1E800] =	vst v63  }
0x60: {  	_ =	swait.ge [sflag:s17], $0x4000  }
0x61: {  	[sflag:s17] =	ssyncset.done $0x0  }
0x62: {  	[sflag:s17] =	ssyncadd.s32 $0xFFFFC000  }
0x63: {  	[spmem:s2] =	stream.indirect.scatter.add.f32 [tilespmem:s16], [sflag:$0x3], $0x80, s25, s15, $0xb8;
	[tilespmem:$0x1E800] =	vst v63  }
0x64: {  	_ =	swait.ge [sflag:s24], $0x4000  }
0x65: {  	s28 =	simm.s32 @!p0 $0x80;
	[sflag:s24] =	ssyncset.done $0x0  }
0x66: {  	s29 =	simm.s32 @!p0 $0x1380;
	s30 =	simm.s32 @!p0 $0x6800;
	[sflag:s24] =	ssyncadd.s32 $0xFFFFC000  }
0x67: {  	[tilespmem:s30], [sflag:$0x2] =	stream.indirect.gather @!p0 [hbm4b:s4+s28], $0x80, s29, s28, $0xb8;
	[tilespmem:$0x1E800] =	vst v63  }
0x68: {  	s29 =	simm.s32 @!p0 $0x2  }
0x69: {  	_ =	swait.ge @!p0 [sflag:s29], $0x4000  }
0x6a: {  	[sflag:s29] =	ssyncset.done @!p0 $0x0  }
0x6b: {  	[sflag:s29] =	ssyncadd.s32 @!p0 $0xFFFFC000;
	s29 =	simm.s32 @!p0 $0x2780  }
0x6c: {  	[spmem:s2] =	stream.indirect.scatter.add.f32 @!p0 [tilespmem:s30], [sflag:$0x4], $0x80, s29, s28, $0xb8;
	[tilespmem:$0x1E800] =	vst v63  }
0x6d: {  	s28 =	simm.s32 @!p0 $0x4  }
0x6e: {  	_ =	swait.ge @!p0 [sflag:s28], $0x4000  }
0x6f: {  	[sflag:s28] =	ssyncset.done @!p0 $0x0  }
0x70: {  	[sflag:s28] =	ssyncadd.s32 @!p0 $0xFFFFC000  }
0x71: {  	_ =	swait.ge [sflag:s22], $0x4000  }
0x72: {  	s26 =	sadd.s32 $0x1, s26;
	[sflag:s22] =	ssyncset.done $0x0  }
0x73: {  	p1 =	sne.s32 s26, s12;
	[sflag:s22] =	ssyncadd.s32 $0xFFFFC000  }
.Ltmp1:
0x74: {  	[bflag:$0x0] =	sbarrier.arrive $0xFFFF;
	(pc) =	sbr.rel @p1 .LBB2_1-.Ltmp1, $4  }
0x75: {  	[hbm:s11], [sflag:s6] =	dma.local [spmem:s13], $0x2800  }
0x76: {  	_ =	swait.ge [sflag:s14], $0x2800  }
0x77: {  	[sflag:s14] =	ssyncset.done $0x0  }
0x78: {  	[sflag:s14] =	ssyncadd.s32 $0xFFFFD800  }
0x79: {  	_ =	sfence.sel $0x180000  }
0x7a: {  	[bflag:$0x0] =	sbarrier.arrive $0xFFFF  }
0x7b: {  	p0 =	sne.s32 s1, $0x0;
	_ =	strace $0x9000004A  }
0x7c: {  	s0 =	sadd.s32 @!p0 $0x100000, s0;
	[bflag:$0x2] =	sbarrier.arrive $0xFFFF  }
0x7d: {  	[sflag:s0] =	ssyncadd.tile.s32 @!p0 $0x1;
	_ =	shalt  }
.Lfunc_end2:
_tile_overlayer_lowered:
.L_overlay_start_2:
0x7e: {  	(tag) =	ssettag $0x2  }
0x7f: {  	s0 =	rddreg [dreg:$0x0];
	s2 =	stileid.u32  }
0x80: {  	s1 =	rddreg [dreg:$0x1];
	p0 =	sne.s32 s2, $0x0  }
0x81: {  	s3 =	rddreg [dreg:$0x2];
	[bflag:$0x3] =	sbarrier.arrive $0xFFFF;
	s2 =	simm.s32 @!p0 $0x1C05  }
0x82: {  	[timem:s3], [sflag:s2] =	dma.local @!p0 [hbm:s0], s1  }
0x83: {  	s0 =	simm.s32 @!p0 $0x5  }
0x84: {  	_ =	swait.ge @!p0 [sflag:s0], s1  }
0x85: {  	s1 =	ssub.s32 @!p0 $0x0, s1;
	[sflag:s0] =	ssyncset.done @!p0 $0x0  }
0x86: {  	[sflag:s0] =	ssyncadd.s32 @!p0 s1  }
0x87: {  	[bflag:$0x3] =	sbarrier.arrive $0xFFFF  }
0x88: {  	_ =	shalt  }

// kernel: gcn_edge_prop.8.cloned.1.call-start
scs
__scs_entry_jumppad:
0x0: {  	(pc) =	sbr.rel $0x88, $3  }
0x1: {  	(tag) =	ssettag $0x0;
	lr =	simm.s32 $0x1  }
0x2: {  	[smem:$0x3F97] =	sst lr;
	_ =	strace $0xD0000000  }
0x3: {  	_ = 	snop  }
0x4: {  	_ = 	snop  }
0x5: {  	_ = 	snop  }
0x6: {  	_ = 	snop  }
0x7: {  	_ = 	snop  }
__scs_overlays_trampoline_lowered:
0x8: {  	[smem:$0x3FA6] =	sst s0  }
0x9: {  	[smem:$0x3FA7] =	sst s1  }
0xa: {  	[smem:$0x3FA8] =	sst s2  }
0xb: {  	[smem:$0x3FA9] =	sst s3  }
0xc: {  	[smem:$0x3FAA] =	sst s4  }
0xd: {  	[smem:$0x3FAB] =	sst s5  }
0xe: {  	[smem:$0x3FAC] =	sst s6  }
0xf: {  	[smem:$0x3FAD] =	sst s7  }
0x10: {  	[smem:$0x3FAE] =	sst s8  }
0x11: {  	[smem:$0x3FAF] =	sst s9;
	s0 =	simm.s32 @!p0 $0x0  }
0x12: {  	s1 =	sld [smem:$0x3F95];
	s0 =	simm.s32 @p0 $0x1  }
0x13: {  	[smem:$0x3FB0] =	sst s0;
	s0 =	simm.s32 @!p1 $0x0  }
0x14: {  	s2 =	sld [smem:$0x3F94];
	s0 =	simm.s32 @p1 $0x1  }
0x15: {  	[smem:$0x3FB1] =	sst s0;
	s0 =	simm.s32 @!p2 $0x0  }
0x16: {  	s3 =	sld [smem:$0x3FDB];
	s0 =	simm.s32 @p2 $0x1  }
0x17: {  	s4 =	simm.s32 $0x1BF5;
	[smem:$0x3FB3] =	sst s0  }
0x18: {  	s0 =	sld [smem:$0x3F96];
	_ =	swait.ge [sflag:s4], $0x0  }
0x19: {  	s7 =	sld [smem:$0x3F97]  }
0x1a: {  	s8 =	sadd.s32 $0xFFFFE003, lr  }
0x1b: {  	s9 =	sadd.s32 $0xFFFFFEF7, lr;
	s5 =	simm.s32 $0xFFFFFFFF;
	p2 =	slt.u32 s8, $0xFFFFF086  }
0x1c: {  	p1 =	slt.u32 s9, $0xF7A;
	s5 =	simm.s32 @!p2 $0x0  }
0x1d: {  	s5 =	simm.s32 @p1 $0x1;
	p0 =	seq.s32 s7, s2  }
0x1e: {  	s7 =	smul.u32 @!p0 $0xF7A, s2;
	p2 =	seq.s32 @!p0 s5, $0x0  }
0x1f: {  	s9 =	smul.u32 $0xF7A, s1;
	s8 =	simm.s32 @!p0 $0x1BF5;
	p2 =	por !p2, p0  }
0x20: {  	[sflag:s8] =	ssyncset.s32 @!p0 $0xFFFFF086;
	s6 =	sadd.s32 @!p0 s3, s7;
	s7 =	simm.s32 @!p0 $0x108  }
0x21: {  	s3 =	sadd.s32 s3, s9;
	s6 =	sadd.s32 @!p0 $0x88, s6;
	s7 =	simm.s32 @p2 $0x1082  }
0x22: {  	[simem:s7], [sflag:s8] =	dma.local @!p0 [hbm:s6], $0xF7A  }
0x23: {  	s9 =	sor.u32 $0xD0000000, s2;
	s6 =	simm.s32 $0x108;
	_ =	swait.ge @!p0 [sflag:s8], $0x0  }
0x24: {  	s3 =	sadd.s32 $0x88, s3;
	s6 =	simm.s32 @!p1 $0x1082;
	[sflag:s4] =	ssyncset.s32 $0xFFFFF086  }
0x25: {  	[simem:s6], [sflag:s4] =	dma.local [hbm:s3], $0xF7A  }
0x26: {  	[smem:$0x3F97] =	sst s1;
	(tag) =	ssettag s2;
	_ =	strace s9  }
0x27: {  	s1 =	sld [smem:$0x3FA7]  }
0x28: {  	s2 =	sld [smem:$0x3FA8]  }
0x29: {  	s4 =	sld [smem:$0x3FAA]  }
0x2a: {  	p0 =	seq.s32 s5, $0x0;
	s5 =	sld [smem:$0x3FAB]  }
0x2b: {  	s6 =	sld [smem:$0x3FAC]  }
0x2c: {  	s7 =	sld [smem:$0x3FAD]  }
0x2d: {  	s3 =	simm.s32 $0x108;
	s8 =	sld [smem:$0x3FAE]  }
0x2e: {  	s3 =	simm.s32 @!p0 $0x1082;
	s9 =	sld [smem:$0x3FAF]  }
0x2f: {  	lr =	sadd.s32 s0, s3;
	s0 =	sld [smem:$0x3FA6]  }
0x30: {  	s3 =	sld [smem:$0x3FA9]  }
0x31: {  	[smem:$0x3FB2] =	sst s10  }
0x32: {  	s10 =	sld [smem:$0x3FB0];
	_ =	sdelay $0x3  }
0x33: {  	p0 =	seq.s32 s10, $0x1;
	s10 =	sld [smem:$0x3FB2];
	_ =	sdelay $0x3  }
0x34: {  	[smem:$0x3FB2] =	sst s10  }
0x35: {  	s10 =	sld [smem:$0x3FB1];
	_ =	sdelay $0x3  }
0x36: {  	p1 =	seq.s32 s10, $0x1;
	s10 =	sld [smem:$0x3FB2];
	_ =	sdelay $0x3  }
0x37: {  	[smem:$0x3FB2] =	sst s10  }
0x38: {  	s10 =	sld [smem:$0x3FB3]  }
0x39: {  	_ = 	snop;
	(pc) =	sbr.ind lr, $3  }
0x3a: {  	_ = 	snop  }
0x3b: {  	_ = 	snop  }
0x3c: {  	p2 =	seq.s32 s10, $0x1;
	s10 =	sld [smem:$0x3FB2]  }
0x3d: {  	_ =	shalt  }
0x3e: {  	_ =	shalt  }
0x3f: {  	_ =	shalt  }
0x40: {  	_ =	shalt  }
0x41: {  	_ =	shalt  }
0x42: {  	_ =	shalt  }
0x43: {  	_ =	shalt  }
0x44: {  	_ =	shalt  }
0x45: {  	_ =	shalt  }
0x46: {  	_ =	shalt  }
0x47: {  	_ =	shalt  }
0x48: {  	_ =	shalt  }
0x49: {  	_ =	shalt  }
0x4a: {  	_ =	shalt  }
0x4b: {  	_ =	shalt  }
0x4c: {  	_ =	shalt  }
0x4d: {  	_ =	shalt  }
0x4e: {  	_ =	shalt  }
0x4f: {  	_ =	shalt  }
0x50: {  	_ =	shalt  }
0x51: {  	_ =	shalt  }
0x52: {  	_ =	shalt  }
0x53: {  	_ =	shalt  }
0x54: {  	_ =	shalt  }
0x55: {  	_ =	shalt  }
0x56: {  	_ =	shalt  }
0x57: {  	_ =	shalt  }
0x58: {  	_ =	shalt  }
0x59: {  	_ =	shalt  }
0x5a: {  	_ =	shalt  }
0x5b: {  	_ =	shalt  }
0x5c: {  	_ =	shalt  }
0x5d: {  	_ =	shalt  }
0x5e: {  	_ =	shalt  }
0x5f: {  	_ =	shalt  }
0x60: {  	_ =	shalt  }
0x61: {  	_ =	shalt  }
0x62: {  	_ =	shalt  }
0x63: {  	_ =	shalt  }
0x64: {  	_ =	shalt  }
0x65: {  	_ =	shalt  }
0x66: {  	_ =	shalt  }
0x67: {  	_ =	shalt  }
0x68: {  	_ =	shalt  }
0x69: {  	_ =	shalt  }
0x6a: {  	_ =	shalt  }
0x6b: {  	_ =	shalt  }
0x6c: {  	_ =	shalt  }
0x6d: {  	_ =	shalt  }
0x6e: {  	_ =	shalt  }
0x6f: {  	_ =	shalt  }
0x70: {  	_ =	shalt  }
0x71: {  	_ =	shalt  }
0x72: {  	_ =	shalt  }
0x73: {  	_ =	shalt  }
0x74: {  	_ =	shalt  }
0x75: {  	_ =	shalt  }
0x76: {  	_ =	shalt  }
0x77: {  	_ =	shalt  }
0x78: {  	_ =	shalt  }
0x79: {  	_ =	shalt  }
0x7a: {  	_ =	shalt  }
0x7b: {  	_ =	shalt  }
0x7c: {  	_ =	shalt  }
0x7d: {  	_ =	shalt  }
0x7e: {  	_ =	shalt  }
0x7f: {  	_ =	shalt  }
0x80: {  	_ =	shalt  }
0x81: {  	_ =	shalt  }
0x82: {  	_ =	shalt  }
0x83: {  	_ =	shalt  }
0x84: {  	_ =	shalt  }
0x85: {  	_ =	shalt  }
0x86: {  	_ =	shalt  }
0x87: {  	_ =	shalt  }
.Lfunc_end0:
.L_simem_size_0:
called_computation.2_lowered:
.L_overlay_start_0:
0x88: {  	s2 =	sld [smem:$0x3FD9]  }
0x89: {  	s3 =	sld [smem:$0x3FFE];
	_ =	sdelay $0x1  }
0x8a: {  	s1 =	srdreg.scid  }
0x8b: {  	s0 =	sand.u32 $0x1, s1  }
0x8c: {  	s16 =	sshll.u32 s0, $0xA;
	s2 =	sadd.s32 s3, s2  }
0x8d: {  	s2 =	sadd.s32 s2, s16  }
0x8e: {  	[smem:$0x3FBE] =	sst s2  }
0x8f: {  	_ = 	snop  }
0x90: {  	(tm) =	ssettm $0x1  }
0x91: {  	s17 =	sld [smem:$0x3FFB];
	_ =	sdelay $0x3  }
0x92: {  	_ =	strace s17  }
0x93: {  	s2 =	sld [smem:$0x3FFC];
	_ =	sdelay $0x3  }
0x94: {  	_ =	strace s2  }
0x95: {  	s2 =	sld [smem:$0x3FFD];
	_ =	sdelay $0x3  }
0x96: {  	_ =	strace s2  }
0x97: {  	_ =	strace $0x8FFFFFFF  }
0x98: {  	s18 =	sld [smem:$0x3FDB];
	_ =	sdelay $0x1  }
0x99: {  	s19 =	simm.s32 $_scs_section_size  }
0x9a: {  	s4 =	simm.s32 $_size__tile_overlayer_lowered;
	s5 =	simm.s32 $_tile_overlayer_lowered  }
0x9b: {  	s22 =	simm.s32 $0x1BFF;
	s21 =	sshll.u32 s5, $0x1;
	s2 =	sadd.s32 s19, s18  }
0x9c: {  	s6 =	simm.s32 $0x0;
	s20 =	sshll.u32 s4, $0x1;
	s4 =	sadd.s32 s21, s2  }
0x9d: {  	[timem:s6], [sflag:s22] =	dma.local [hbm:s4], s20  }
0x9e: {  	_ =	swait.ge [sflag:s22], s20  }
0x9f: {  	s3 =	ssub.s32 $0x0, s20;
	[sflag:s22] =	ssyncset.done $0x0  }
0xa0: {  	[sflag:s22] =	ssyncadd.s32 s3;
	_ =	sdelay $0x1  }
0xa1: {  	s23 =	simm.s32 $0x1B8B  }
0xa2: {  	_ =	swait.ge [sflag:s23], $0x1  }
0xa3: {  	[sflag:s23] =	ssyncset.done $0x0  }
0xa4: {  	s25 =	simm.s32 $0x1B8E;
	s24 =	sld [smem:$0x3FFE];
	[sflag:s23] =	ssyncadd.s32 $0xFFFFFFFF  }
0xa5: {  	s26 =	simm.s32 $execute0_lowered;
	[smem:$0x3FD2] =	sst s25  }
0xa6: {  	s4 =	sshll.u32 s26, $0x1;
	_ =	strace $0x8000004C;
	[dreg:$0x1] =	wrdreg $0xFFFFFFFF  }
0xa7: {  	s28 =	simm.s32 $_size_execute0_lowered;
	s2 =	sadd.s32 s2, s4;
	[dreg:$0x0] =	wrdreg $0x0  }
0xa8: {  	s4 =	sshll.u32 s28, $0x1;
	[dreg:$0x2] =	wrdreg s2  }
0xa9: {  	[dreg:$0x3] =	wrdreg s4  }
0xaa: {  	[dreg:$0x4] =	wrdreg $0xC0  }
0xab: {  	_ =	task [dreg:s6], $0x5FFFF  }
0xac: {  	[dreg:$0x1] =	wrdreg $0xFFFFFFFF  }
0xad: {  	[dreg:$0x0] =	wrdreg $0x60  }
0xae: {  	[dreg:$0x2] =	wrdreg s24  }
0xaf: {  	[dreg:$0x3] =	wrdreg $0xA8000  }
0xb0: {  	[dreg:$0x4] =	wrdreg $0x9  }
0xb1: {  	_ =	task.clear_ibuf [dreg:s6], $0x5FFFF;
	_ =	strace $0x9000004C  }
0xb2: {  	s29 =	simm.s32 $0x9;
	_ =	strace $0x8000004E  }
0xb3: {  	_ =	swait.ge [sflag:s29], $0x1  }
0xb4: {  	[sflag:s29] =	ssyncadd.s32 $0xFFFFFFFF  }
0xb5: {  	_ =	strace $0x9000004E  }
0xb6: {  	_ =	sfence  }
0xb7: {  	s30 =	sld [smem:$0x0];
	_ =	sdelay $0x2  }
0xb8: {  	s31 =	sshll.u32 s1, $0xD;
	s1 =	sshrl.u32 s1, $0x2  }
0xb9: {  	s3 =	sand.u32 $0x4000, s31;
	s1 =	sadd.s32 s1, s30  }
0xba: {  	s0 =	sor.u32 s3, s0;
	s1 =	sshll.u32 s1, $0x11  }
0xbb: {  	s0 =	sor.u32 s1, s0  }
0xbc: {  	s0 =	sadd.s32 $0x8F2B, s0  }
0xbd: {  	[sflag:s0] =	ssyncadd.remote.s32 $0x1  }
0xbe: {  	_ =	sfence.sel $0xFFFF  }
0xbf: {  	[dreg:$0x0] =	wrdreg $0xFFFFFFFF;
	(pc) =	sbr.abs _section_cstart, $3  }
0xc0: {  	[dreg:$0x1] =	wrdreg $0xFFFFFFFF  }
0xc1: {  	_ =	task.clear_ibuf [dreg:s6], $0x2FFFF;
	_ =	strace $0x9FFFFFFF  }
0xc2: {  	(tm) =	ssettm $0x7FFFFFFF  }
0xc3: {  	_ =	shalt  }
tec
execute0_lowered:
.L_overlay_start_1:
0x0: {  	(tag) =	ssettag $0x1  }
0x1: {  	s5 =	rddreg [dreg:$0x0]  }
0x2: {  	s2 =	rddreg [dreg:$0x1]  }
0x3: {  	s0 =	rddreg [dreg:$0x2]  }
0x4: {  	s1 =	stileid.u32;
	s4 =	srdreg.scid;
	s3 =	simm.s32 $0x0  }
0x5: {  	s16 =	simm.s32 $0x2800;
	s17 =	simm.s32 $0x1;
	s18 =	simm.s32 $0x1400  }
0x6: {  	s19 =	simm.s32 $0x6800;
	s20 =	simm.s32 $0x2;
	s21 =	simm.s32 $0x1480  }
0x7: {  	s22 =	simm.s32 $0x3;
	s23 =	simm.s32 $0x100;
	s24 =	simm.s32 $0x4  }
0x8: {  	s25 =	simm.s32 $0x2700;
	s6 =	smul.u32 $0x14000, s1;
	s7 =	sand.u32 $0x1, s4  }
0x9: {  	[smem:$0x7FF] =	sst s3;
	s9 =	sadd.s32 $0x7E00, s5;
	s10 =	sadd.s32 $0x2E00, s5  }
0xa: {  	s4 =	sadd.s32 $0x34E00, s5;
	s11 =	smul.u32 $0x50000, s1;
	s29 =	sshll.u32 s1, $0x6  }
0xb: {  	s31 =	sshll.u32 s1, $0x4;
	s8 =	smul.u32 $0x140000, s7;
	s26 =	ssub.s32 $0x2, s7  }
0xc: {  	_ =	strace $0x8000004D;
	s7 =	sshll.u32 s7, $0x4;
	s28 =	sshrl.u32 s26, $0x1  }
0xd: {  	s11 =	sshrl.u32 s11, $0x2;
	s14 =	sor.u32 s1, s7;
	s8 =	sadd.s32 s6, s8  }
0xe: {  	s6 =	sshrl.u32 s6, $0x3;
	s13 =	ssub.s32 s26, s28;
	s15 =	sadd.s32 s11, s2  }
0xf: {  	s30 =	smul.u32 $0x270, s14;
	s11 =	sor.u32 $0x4E00, s31;
	p0 =	sgt.u32 s14, $0x1  }
0x10: {  	s14 =	simm.s32 $0x5;
	s8 =	sshrl.u32 s8, $0x3;
	s6 =	sadd.s32 s6, s5  }
0x11: {  	s26 =	simm.s32 $0x0;
	s12 =	sadd.s32 s8, s5;
	s5 =	sadd.s32 $0xCE00, s6  }
0x12: {  	s6 =	sor.u32 $0x1C05, s29;
	s7 =	sadd.s32 s9, s30;
	s8 =	sadd.s32 s10, s30  }
0x13: {  	s9 =	sadd.s32 s9, s11;
	s10 =	sadd.s32 s10, s11;
	s11 =	sadd.s32 $0x5C000, s12  }
0x14: {  	s12 =	smax.u32 s13, $0x1;
	s13 =	sshrl.u32 s15, $0x3;
	s15 =	simm.s32 $0x80  }
.LBB2_1:
0x15: {  	[spmem:s13], [sflag:s6] =	dma.local [hbm:s5], $0x2800  }
0x16: {  	_ =	swait.ge [sflag:s14], $0x2800  }
0x17: {  	[sflag:s14] =	ssyncset.done $0x0  }
0x18: {  	[sflag:s14] =	ssyncadd.s32 $0xFFFFD800  }
0x19: {  	[bflag:$0x0] =	sbarrier.arrive $0xFFFF  }
0x1a: {  	[tilespmem:s3], [sflag:$0x5] =	stream.linear.gather [hbm4b:s7+s3], $0x1380, $0x38;
	[tilespmem:$0x1E800] =	vst v63  }
0x1b: {  	_ =	swait.ge [sflag:s14], $0x1380  }
0x1c: {  	[sflag:s14] =	ssyncset.done $0x0  }
0x1d: {  	s28 =	simm.s32 @p0 $0x0;
	s29 =	simm.s32 @p0 $0x1400;
	[sflag:s14] =	ssyncadd.s32 $0xFFFFEC80  }
0x1e: {  	[tilespmem:s29], [sflag:$0x5] =	stream.linear.gather @p0 [hbm4b:s8+s28], $0x1380, $0x38;
	[tilespmem:$0x1E800] =	vst v63  }
0x1f: {  	s28 =	simm.s32 @p0 $0x5  }
0x20: {  	_ =	swait.ge @p0 [sflag:s28], $0x1380  }
0x21: {  	[sflag:s28] =	ssyncset.done @p0 $0x0  }
0x22: {  	s29 =	simm.s32 @!p0 $0x1380;
	[sflag:s28] =	ssyncadd.s32 @p0 $0xFFFFEC80;
	s28 =	simm.s32 @!p0 $0x0  }
0x23: {  	[tilespmem:s29], [sflag:$0x5] =	stream.linear.gather @!p0 [hbm4b:s9+s28], $0x80, $0x38;
	[tilespmem:$0x1E800] =	vst v63  }
0x24: {  	s29 =	simm.s32 @!p0 $0x5  }
0x25: {  	_ =	swait.ge @!p0 [sflag:s29], $0x80  }
0x26: {  	[sflag:s29] =	ssyncset.done @!p0 $0x0  }
0x27: {  	s30 =	simm.s32 @!p0 $0x1400;
	[sflag:s29] =	ssyncadd.s32 @!p0 $0xFFFFFF80  }
0x28: {  	[tilespmem:s30], [sflag:$0x5] =	stream.linear.gather @!p0 [hbm4b:s8+s28], $0x1380, $0x38;
	[tilespmem:$0x1E800] =	vst v63  }
0x29: {  	_ =	swait.ge @!p0 [sflag:s29], $0x1380  }
0x2a: {  	[sflag:s29] =	ssyncset.done @!p0 $0x0  }
0x2b: {  	s30 =	simm.s32 @!p0 $0x2780;
	[sflag:s29] =	ssyncadd.s32 @!p0 $0xFFFFEC80  }
0x2c: {  	[tilespmem:s30], [sflag:$0x5] =	stream.linear.gather @!p0 [hbm4b:s10+s28], $0x80, $0x38;
	[tilespmem:$0x1E800] =	vst v63  }
0x2d: {  	_ =	swait.ge @!p0 [sflag:s29], $0x80  }
0x2e: {  	[sflag:s29] =	ssyncset.done @!p0 $0x0  }
0x2f: {  	[sflag:s29] =	ssyncadd.s32 @!p0 $0xFFFFFF80  }
0x30: {  	[tilespmem:s16], [sflag:$0x1] =	stream.indirect.gather [hbm4b:s4+s15], $0x80, s3, s15, $0xb8;
	[tilespmem:$0x1E800] =	vst v63  }
0x31: {  	_ =	swait.ge [sflag:s17], $0x4000  }
0x32: {  	[sflag:s17] =	ssyncset.done $0x0  }
0x33: {  	[sflag:s17] =	ssyncadd.s32 $0xFFFFC000  }
0x34: {  	[spmem:s2] =	stream.indirect.scatter.add.f32 [tilespmem:s16], [sflag:$0x3], $0x80, s18, s15, $0xb8;
	[tilespmem:$0x1E800] =	vst v63  }
0x35: {  	_ = 	snop  }
0x36: {  	[tilespmem:s19], [sflag:$0x2] =	stream.indirect.gather [hbm4b:s4+s15], $0x80, s15, s15, $0xb8;
	[tilespmem:$0x1E800] =	vst v63  }
0x37: {  	_ =	swait.ge [sflag:s20], $0x4000  }
0x38: {  	[sflag:s20] =	ssyncset.done $0x0  }
0x39: {  	[sflag:s20] =	ssyncadd.s32 $0xFFFFC000  }
0x3a: {  	[spmem:s2] =	stream.indirect.scatter.add.f32 [tilespmem:s19], [sflag:$0x4], $0x80, s21, s15, $0xb8;
	[tilespmem:$0x1E800] =	vst v63  }
0x3b: {  	_ =	swait.ge [sflag:s22], $0x4000  }
0x3c: {  	[sflag:s22] =	ssyncset.done $0x0  }
0x3d: {  	[sflag:s22] =	ssyncadd.s32 $0xFFFFC000  }
0x3e: {  	[tilespmem:s16], [sflag:$0x1] =	stream.indirect.gather [hbm4b:s4+s15], $0x80, s23, s15, $0xb8;
	[tilespmem:$0x1E800] =	vst v63  }
0x3f: {  	_ =	swait.ge [sflag:s17], $0x4000  }
0x40: {  	[sflag:s17] =	ssyncset.done $0x0  }
0x41: {  	s28 =	simm.s32 $0x1500;
	[sflag:s17] =	ssyncadd.s32 $0xFFFFC000  }
0x42: {  	[spmem:s2] =	stream.indirect.scatter.add.f32 [tilespmem:s16], [sflag:$0x3], $0x80, s28, s15, $0xb8;
	[tilespmem:$0x1E800] =	vst v63  }
0x43: {  	_ =	swait.ge [sflag:s24], $0x4000  }
0x44: {  	[sflag:s24] =	ssyncset.done $0x0  }
0x45: {  	s28 =	simm.s32 $0x180;
	[sflag:s24] =	ssyncadd.s32 $0xFFFFC000  }
0x46: {  	[tilespmem:s19], [sflag:$0x2] =	stream.indirect.gather [hbm4b:s4+s15], $0x80, s28, s15, $0xb8;
	[tilespmem:$0x1E800] =	vst v63  }
0x47: {  	_ =	swait.ge [sflag:s20], $0x4000  }
0x48: {  	[sflag:s20] =	ssyncset.done $0x0  }
0x49: {  	s28 =	simm.s32 $0x1580;
	[sflag:s20] =	ssyncadd.s32 $0xFFFFC000  }
0x4a: {  	[spmem:s2] =	stream.indirect.scatter.add.f32 [tilespmem:s19], [sflag:$0x4], $0x80, s28, s15, $0xb8;
	[tilespmem:$0x1E800] =	vst v63  }
0x4b: {  	_ =	swait.ge [sflag:s22], $0x4000  }
0x4c: {  	[sflag:s22] =	ssyncset.done $0x0  }
0x4d: {  	s29 =	simm.s32 $0x200;
	s28 =	simm.s32 $0xFFFFBC00;
	[sflag:s22] =	ssyncadd.s32 $0xFFFFC000  }
.LBB2_2:
0x4e: {  	[tilespmem:s16], [sflag:$0x1] =	stream.indirect.gather [hbm4b:s4+s15], $0x80, s29, s15, $0xb8;
	[tilespmem:$0x1E800] =	vst v63  }
0x4f: {  	s29 =	smov.u32 s28  }
0x50: {  	p1 =	sne.s32 s28, $0xFFFFFC00;
	s28 =	sadd.s32 $0x400, s28;
	_ =	swait.ge [sflag:s17], $0x4000  }
0x51: {  	s29 =	sshra.s32 s29, $0x2;
	[sflag:s17] =	ssyncset.done $0x0  }
0x52: {  	s30 =	sadd.s32 $0x2700, s29;
	[sflag:s17] =	ssyncadd.s32 $0xFFFFC000  }
0x53: {  	[spmem:s2] =	stream.indirect.scatter.add.f32 [tilespmem:s16], [sflag:$0x3], $0x80, s30, s15, $0xb8;
	[tilespmem:$0x1E800] =	vst v63  }
0x54: {  	_ =	swait.ge [sflag:s24], $0x4000  }
0x55: {  	[sflag:s24] =	ssyncset.done $0x0  }
0x56: {  	s30 =	sadd.s32 $0x1380, s29;
	[sflag:s24] =	ssyncadd.s32 $0xFFFFC000  }
0x57: {  	[tilespmem:s19], [sflag:$0x2] =	stream.indirect.gather [hbm4b:s4+s15], $0x80, s30, s15, $0xb8;
	[tilespmem:$0x1E800] =	vst v63  }
0x58: {  	_ =	swait.ge [sflag:s20], $0x4000  }
0x59: {  	[sflag:s20] =	ssyncset.done $0x0  }
.Ltmp0:
0x5a: {  	s30 =	sadd.s32 $0x2780, s29;
	[sflag:s20] =	ssyncadd.s32 $0xFFFFC000;
	(pc) =	sbr.rel @p1 .LBB2_2-.Ltmp0, $4  }
0x5b: {  	[spmem:s2] =	stream.indirect.scatter.add.f32 [tilespmem:s19], [sflag:$0x4], $0x80, s30, s15, $0xb8;
	[tilespmem:$0x1E800] =	vst v63  }
0x5c: {  	_ =	swait.ge [sflag:s22], $0x4000  }
0x5d: {  	[sflag:s22] =	ssyncset.done $0x0  }
0x5e: {  	s29 =	sadd.s32 $0x1400, s29;
	[sflag:s22] =	ssyncadd.s32 $0xFFFFC000  }
0x5f: {  	[tilespmem:s16], [sflag:$0x1] =	stream.indirect.gather [hbm4b:s4+s15], $0x80, s29, s15, $0xb8;
	[tilespmem:$0x1E800] =	vst v63  }
0x60: {  	_ =	swait.ge [sflag:s17], $0x4000  }
0x61: {  	[sflag:s17] =	ssyncset.done $0x0  }
0x62: {  	[sflag:s17] =	ssyncadd.s32 $0xFFFFC000  }
0x63: {  	[spmem:s2] =	stream.indirect.scatter.add.f32 [tilespmem:s16], [sflag:$0x3], $0x80, s25, s15, $0xb8;
	[tilespmem:$0x1E800] =	vst v63  }
0x64: {  	_ =	swait.ge [sflag:s24], $0x4000  }
0x65: {  	s28 =	simm.s32 @!p0 $0x80;
	[sflag:s24] =	ssyncset.done $0x0  }
0x66: {  	s29 =	simm.s32 @!p0 $0x1380;
	s30 =	simm.s32 @!p0 $0x6800;
	[sflag:s24] =	ssyncadd.s32 $0xFFFFC000  }
0x67: {  	[tilespmem:s30], [sflag:$0x2] =	stream.indirect.gather @!p0 [hbm4b:s4+s28], $0x80, s29, s28, $0xb8;
	[tilespmem:$0x1E800] =	vst v63  }
0x68: {  	s29 =	simm.s32 @!p0 $0x2  }
0x69: {  	_ =	swait.ge @!p0 [sflag:s29], $0x4000  }
0x6a: {  	[sflag:s29] =	ssyncset.done @!p0 $0x0  }
0x6b: {  	[sflag:s29] =	ssyncadd.s32 @!p0 $0xFFFFC000;
	s29 =	simm.s32 @!p0 $0x2780  }
0x6c: {  	[spmem:s2] =	stream.indirect.scatter.add.f32 @!p0 [tilespmem:s30], [sflag:$0x4], $0x80, s29, s28, $0xb8;
	[tilespmem:$0x1E800] =	vst v63  }
0x6d: {  	s28 =	simm.s32 @!p0 $0x4  }
0x6e: {  	_ =	swait.ge @!p0 [sflag:s28], $0x4000  }
0x6f: {  	[sflag:s28] =	ssyncset.done @!p0 $0x0  }
0x70: {  	[sflag:s28] =	ssyncadd.s32 @!p0 $0xFFFFC000  }
0x71: {  	_ =	swait.ge [sflag:s22], $0x4000  }
0x72: {  	s26 =	sadd.s32 $0x1, s26;
	[sflag:s22] =	ssyncset.done $0x0  }
0x73: {  	p1 =	sne.s32 s26, s12;
	[sflag:s22] =	ssyncadd.s32 $0xFFFFC000  }
.Ltmp1:
0x74: {  	[bflag:$0x0] =	sbarrier.arrive $0xFFFF;
	(pc) =	sbr.rel @p1 .LBB2_1-.Ltmp1, $4  }
0x75: {  	[hbm:s11], [sflag:s6] =	dma.local [spmem:s13], $0x2800  }
0x76: {  	_ =	swait.ge [sflag:s14], $0x2800  }
0x77: {  	[sflag:s14] =	ssyncset.done $0x0  }
0x78: {  	[sflag:s14] =	ssyncadd.s32 $0xFFFFD800  }
0x79: {  	_ =	sfence.sel $0x180000  }
0x7a: {  	[bflag:$0x0] =	sbarrier.arrive $0xFFFF  }
0x7b: {  	p0 =	sne.s32 s1, $0x0;
	_ =	strace $0x9000004D  }
0x7c: {  	s0 =	sadd.s32 @!p0 $0x100000, s0;
	[bflag:$0x2] =	sbarrier.arrive $0xFFFF  }
0x7d: {  	[sflag:s0] =	ssyncadd.tile.s32 @!p0 $0x1;
	_ =	shalt  }
.Lfunc_end2:
_tile_overlayer_lowered:
.L_overlay_start_2:
0x7e: {  	(tag) =	ssettag $0x2  }
0x7f: {  	s0 =	rddreg [dreg:$0x0];
	s2 =	stileid.u32  }
0x80: {  	s1 =	rddreg [dreg:$0x1];
	p0 =	sne.s32 s2, $0x0  }
0x81: {  	s3 =	rddreg [dreg:$0x2];
	[bflag:$0x3] =	sbarrier.arrive $0xFFFF;
	s2 =	simm.s32 @!p0 $0x1C05  }
0x82: {  	[timem:s3], [sflag:s2] =	dma.local @!p0 [hbm:s0], s1  }
0x83: {  	s0 =	simm.s32 @!p0 $0x5  }
0x84: {  	_ =	swait.ge @!p0 [sflag:s0], s1  }
0x85: {  	s1 =	ssub.s32 @!p0 $0x0, s1;
	[sflag:s0] =	ssyncset.done @!p0 $0x0  }
0x86: {  	[sflag:s0] =	ssyncadd.s32 @!p0 s1  }
0x87: {  	[bflag:$0x3] =	sbarrier.arrive $0xFFFF  }
0x88: {  	_ =	shalt  }

</sc_bundles>
